<compile_context>
chip_gen: v7x
topology: tpu7x:2x2x1
jax: 0.10.2.dev20260603
libtpu: 0.0.44.dev20260713+nightly
codegen_flags: <defaults>
</compile_context>

<pallas_src>
import functools

import jax
import jax.numpy as jnp
from jax import lax
from jax.experimental import pallas as pl
from jax.experimental.pallas import tpu as pltpu
from jax.experimental.pallas import tpu_sc as plsc

VOCAB = 100000
EMB = 64
CTX = 20
HID = 128
BATCH = 4096
REG = 0.1

NC = 2
NS = 16
NW = NC * NS
PAIRS = BATCH * CTX
PER_TILE = PAIRS // NW
CHUNK = 128
NCHUNK = PER_TILE // CHUNK
NPAT = 5

BV = 16384
NB = (VOCAB + BV - 1) // BV


def _sc_gather_sum(flat_idx, table, ctx_pat):
    mesh = plsc.VectorSubcoreMesh(
        core_axis_name="c", subcore_axis_name="s",
        num_cores=NC, num_subcores=NS)

    @functools.partial(
        pl.kernel,
        out_type=jax.ShapeDtypeStruct((NW, 2 * CTX, EMB), jnp.float32),
        mesh=mesh,
        scratch_types=[
            pltpu.VMEM((PER_TILE,), jnp.int32),
            pltpu.VMEM((CHUNK, EMB), jnp.float32),
            pltpu.VMEM((CHUNK, EMB), jnp.float32),
            pltpu.VMEM((CHUNK, EMB), jnp.float32),
            pltpu.VMEM((CHUNK, EMB), jnp.float32),
            pltpu.VMEM((2 * NPAT, CHUNK), jnp.int32),
            pltpu.VMEM((CTX, EMB), jnp.float32),
            pltpu.VMEM_SHARED((NS * 2 * CTX, EMB), jnp.float32),
            pltpu.SemaphoreType.DMA,
            pltpu.SemaphoreType.DMA,
            pltpu.SemaphoreType.DMA,
            pltpu.SemaphoreType.DMA,
            pltpu.SemaphoreType.DMA,
            pltpu.SemaphoreType.DMA,
            pltpu.SemaphoreType.DMA,
            pltpu.SemaphoreType.DMA,
        ],
        compiler_params=pltpu.CompilerParams(use_tc_tiling_on_sc=False),
    )
    def sc_kernel(idx_hbm, table_hbm, ctx_hbm, out_hbm,
                  idx_all, rows0, rows1, rows2, rows3, ctx_v, zeros_v,
                  acc_sh, sem0, sem1, sem2, sem3, asem0, asem1, asem2, asem3):
        cid = lax.axis_index("c")
        sid = lax.axis_index("s")
        w = cid * NS + sid
        base = w * PER_TILE
        pltpu.sync_copy(idx_hbm.at[pl.ds(base, PER_TILE)], idx_all)
        pltpu.sync_copy(ctx_hbm, ctx_v)
        off = jnp.broadcast_to(sid * 2 * CTX, (16,)).astype(jnp.int32)
        for r in range(2 * NPAT):
            for j in range(CHUNK // 16):
                ctx_v[r, pl.ds(j * 16, 16)] = \
                    ctx_v[r, pl.ds(j * 16, 16)] + off

        zf = jnp.zeros((16,), jnp.float32)
        for r in range(CTX):
            for j in range(EMB // 16):
                zeros_v[r, pl.ds(j * 16, 16)] = zf
        pltpu.sync_copy(zeros_v, acc_sh.at[pl.ds(sid * 2 * CTX, CTX)])
        pltpu.sync_copy(zeros_v, acc_sh.at[pl.ds(sid * 2 * CTX + CTX, CTX)])

        rows = (rows0, rows1, rows2, rows3)
        sems = (sem0, sem1, sem2, sem3)
        asems = (asem0, asem1, asem2, asem3)
        NBUF = 4

        def gather(k):
            return pltpu.async_copy(
                table_hbm.at[idx_all.at[pl.ds(k * CHUNK, CHUNK)]],
                rows[k % NBUF], sems[k % NBUF])

        def add(k):
            return pltpu.async_copy(
                rows[k % NBUF], acc_sh.at[ctx_v.at[(k % 2) * NPAT + (k % NPAT)]],
                asems[k % NBUF], add=True)

        gdesc = [None] * NCHUNK
        adesc = [None] * NCHUNK
        for k in range(min(NBUF, NCHUNK)):
            gdesc[k] = gather(k)
        for k in range(NCHUNK):
            if k >= 2:
                adesc[k - 2].wait()
                if k + 2 < NCHUNK:
                    gdesc[k + 2] = gather(k + 2)
            gdesc[k].wait()
            adesc[k] = add(k)
        adesc[NCHUNK - 2].wait()
        adesc[NCHUNK - 1].wait()

        pltpu.sync_copy(acc_sh.at[pl.ds(sid * 2 * CTX, 2 * CTX)],
                        out_hbm.at[w])

    return sc_kernel(flat_idx, table, ctx_pat)


def _tc_logits(partials2, W1, b1r, W2t, b2r):

    def body(p_ref, w1_ref, b1_ref, w2_ref, b2_ref,
             out_ref, stats_ref, h_ref, sm_ref):
        j = pl.program_id(0)

        @pl.when(j == 0)
        def _head():
            e = jnp.sum(p_ref[...].astype(jnp.float32), axis=0,
                        keepdims=True) * (1.0 / BATCH)
            h = jnp.dot(e, w1_ref[...],
                        preferred_element_type=jnp.float32) + b1_ref[...]
            h_ref[...] = jnp.maximum(h, 0.0)
            sm_ref[0] = -jnp.inf
            sm_ref[1] = 0.0

        out_blk = jax.lax.dot_general(
            h_ref[...], w2_ref[...], (((1,), (1,)), ((), ())),
            preferred_element_type=jnp.float32) + b2_ref[...]
        col = j * BV + lax.broadcasted_iota(jnp.int32, (1, BV), 1)
        masked = jnp.where(col < VOCAB, out_blk, -jnp.inf)
        m_old = sm_ref[0]
        m_new = jnp.maximum(m_old, jnp.max(masked))
        s_new = sm_ref[1] * jnp.exp(m_old - m_new) + \
            jnp.sum(jnp.exp(masked - m_new))
        sm_ref[0] = m_new
        sm_ref[1] = s_new
        out_ref[...] = out_blk

        @pl.when(j == NB - 1)
        def _stats():
            lane = lax.broadcasted_iota(jnp.int32, (1, 128), 1)
            stats_ref[...] = jnp.where(
                lane == 0, m_new, jnp.where(lane == 1, s_new, 0.0))

    return pl.pallas_call(
        body,
        grid=(NB,),
        in_specs=[
            pl.BlockSpec((2 * NW, CTX * EMB), lambda j: (0, 0)),
            pl.BlockSpec((CTX * EMB, HID), lambda j: (0, 0)),
            pl.BlockSpec((1, HID), lambda j: (0, 0)),
            pl.BlockSpec((BV, HID), lambda j: (j, 0)),
            pl.BlockSpec((1, BV), lambda j: (0, j)),
        ],
        out_specs=[
            pl.BlockSpec((1, BV), lambda j: (0, j)),
            pl.BlockSpec((1, 128), lambda j: (0, 0)),
        ],
        out_shape=[
            jax.ShapeDtypeStruct((1, VOCAB), jnp.float32),
            jax.ShapeDtypeStruct((1, 128), jnp.float32),
        ],
        scratch_shapes=[
            pltpu.VMEM((1, HID), jnp.float32),
            pltpu.SMEM((2,), jnp.float32),
        ],
    )(partials2, W1, b1r, W2t, b2r)


def _tc_norm(graph_weights, stats, logits):

    def body(gw_ref, stats_ref, lg_ref, out_ref):
        m = stats_ref[0, 0]
        ls = jnp.log(stats_ref[0, 1])
        reg = gw_ref[0, 0]
        out_ref[...] = (1.0 - REG) * (lg_ref[...] - m - ls) - REG * reg

    return pl.pallas_call(
        body,
        in_specs=[
            pl.BlockSpec(memory_space=pltpu.SMEM),
            pl.BlockSpec(memory_space=pltpu.SMEM),
            pl.BlockSpec((1, VOCAB), lambda: (0, 0)),
        ],
        out_specs=pl.BlockSpec((1, VOCAB), lambda: (0, 0)),
        out_shape=jax.ShapeDtypeStruct((1, VOCAB), jnp.float32),
    )(graph_weights, stats, logits)


def kernel(inputs, emb_table, W1, b1, W2, b2, graph_weights):
    flat_idx = inputs.reshape(-1).astype(jnp.int32)
    base_pat = (jnp.arange(NPAT * CHUNK, dtype=jnp.int32) % CTX).reshape(
        NPAT, CHUNK)
    ctx_pat = jnp.concatenate([base_pat, base_pat + CTX], axis=0)
    partials = _sc_gather_sum(flat_idx, emb_table, ctx_pat)
    logits, stats = _tc_logits(
        partials.reshape(2 * NW, CTX * EMB), W1,
        b1.reshape(1, HID), W2.T, b2.reshape(1, VOCAB))
    return _tc_norm(graph_weights, stats, logits)

# --- scband reference (transcript-rebuilt; emitter-appended) ---
"""Pipeline reference for scband-gcbow-75892072121120 (READ-ONLY COPY).

The authoritative reference and input builder live on the scoring server;
editing this copy changes nothing except your own understanding.
"""

import jax, jax.numpy as jnp
import numpy as np

VOCAB = 100000
EMB = 64
CTX = 20
HID = 128
BATCH = 4096
REG = 0.1


def setup_inputs(seed: int = 0) -> dict:
    key = jax.random.key(seed)
    k1, k2, k3, k4 = jax.random.split(key, 4)
    inputs = jax.random.randint(k1, (BATCH, CTX), 0, VOCAB, dtype=jnp.int64 if jax.config.read('jax_enable_x64') else jnp.int32)
    emb_table = jax.random.normal(k2, (VOCAB, EMB), dtype=jnp.float32) * 0.02
    W1 = jax.random.normal(k3, (CTX * EMB, HID), dtype=jnp.float32) * 0.02
    b1 = jnp.zeros((HID,), dtype=jnp.float32)
    W2 = jax.random.normal(k4, (HID, VOCAB), dtype=jnp.float32) * 0.02
    b2 = jnp.zeros((VOCAB,), dtype=jnp.float32)
    graph_weights = jnp.zeros((1, 1), dtype=jnp.float32)
    return {"inputs": inputs, "emb_table": emb_table, "W1": W1, "b1": b1, "W2": W2, "b2": b2, "graph_weights": graph_weights}


def reference(inputs, emb_table, W1, b1, W2, b2, graph_weights):
    # embedding gather: [B, C, D]
    e = jnp.take(emb_table, inputs, axis=0)
    # mean over dim 0 (batch dim, per original torch code), then flatten to [1, C*D]
    embeds = jnp.mean(e, axis=0).reshape((1, -1))
    out = embeds @ W1 + b1
    out = jax.nn.relu(out)
    out = out @ W2 + b2
    log_probs = (1.0 - REG) * jax.nn.log_softmax(out, axis=-1) - REG * jnp.sum(graph_weights, axis=0)
    return log_probs

if __name__ == "__main__":
    import jax
    _d = setup_inputs()
    print(jax.jit(kernel)(*tuple(_d.values())))

</pallas_src>

<mosaic_0001>
#map = affine_map<(d0, d1) -> (0)>
#map1 = affine_map<(d0, d1) -> (0, 0)>
#map2 = affine_map<(d0, d1) -> (0, 0, 0)>
module attributes {stable_mosaic.version = 14 : i64} {
  func.func @sc_kernel(%arg0: i32, %arg1: i32, %arg2: memref<81920xi32, #tpu.memory_space<hbm>>, %arg3: memref<100000x64xf32, #tpu.memory_space<hbm>>, %arg4: memref<10x128xi32, #tpu.memory_space<hbm>>, %arg5: memref<32x40x64xf32, #tpu.memory_space<hbm>>, %arg6: memref<2560xi32, #tpu.memory_space<vmem>>, %arg7: memref<128x64xf32, #tpu.memory_space<vmem>>, %arg8: memref<128x64xf32, #tpu.memory_space<vmem>>, %arg9: memref<128x64xf32, #tpu.memory_space<vmem>>, %arg10: memref<128x64xf32, #tpu.memory_space<vmem>>, %arg11: memref<10x128xi32, #tpu.memory_space<vmem>>, %arg12: memref<20x64xf32, #tpu.memory_space<vmem>>, %arg13: memref<640x64xf32, #tpu.memory_space<vmem_shared>>, %arg14: memref<!tpu.dma_semaphore, #tpu.memory_space<semaphore_mem>>, %arg15: memref<!tpu.dma_semaphore, #tpu.memory_space<semaphore_mem>>, %arg16: memref<!tpu.dma_semaphore, #tpu.memory_space<semaphore_mem>>, %arg17: memref<!tpu.dma_semaphore, #tpu.memory_space<semaphore_mem>>, %arg18: memref<!tpu.dma_semaphore, #tpu.memory_space<semaphore_mem>>, %arg19: memref<!tpu.dma_semaphore, #tpu.memory_space<semaphore_mem>>, %arg20: memref<!tpu.dma_semaphore, #tpu.memory_space<semaphore_mem>>, %arg21: memref<!tpu.dma_semaphore, #tpu.memory_space<semaphore_mem>>) attributes {dimension_semantics = [#tpu.dimension_semantics<core_parallel>, #tpu.dimension_semantics<subcore_parallel>], iteration_bounds = array<i64: 2, 16>, scalar_prefetch = 0 : i64, scratch_operands = 16 : i64, tpu.core_type = #tpu.core_type<sc_vector_subcore>, window_params = [{transform_indices = #map}, {transform_indices = #map1}, {transform_indices = #map1}, {transform_indices = #map2}]} {
    %mul3A = arith.constant 16 : i32
    %mul3A_0 = arith.muli %arg0, %mul3A : i32
    %add3A = arith.addi %mul3A_0, %arg1 : i32
    %mul3A_1 = arith.constant 2560 : i32
    %mul3A_2 = arith.muli %add3A, %mul3A_1 : i32
    "tpu.region"() ({
      %run_scoped3A = tpu.sem_alloc : memref<!tpu.dma_semaphore, #tpu.memory_space<semaphore_mem>>
      %dma_start3A_1939 = tpu.memref_slice %arg2[%mul3A_2] : memref<81920xi32, #tpu.memory_space<hbm>> -> memref<2560xi32, #tpu.memory_space<hbm>>
      %dma_start3A_1940 = tpu.memref_slice %arg2[%mul3A_2] : memref<81920xi32, #tpu.memory_space<hbm>> -> memref<2560xi32, #tpu.memory_space<hbm>>
      tpu.enqueue_dma source(%dma_start3A_1940 : memref<2560xi32, #tpu.memory_space<hbm>>) target(%arg6 : memref<2560xi32, #tpu.memory_space<vmem>>) target_semaphore(%run_scoped3A : memref<!tpu.dma_semaphore, #tpu.memory_space<semaphore_mem>>)
      %dma_wait3A_1941 = tpu.memref_slice %arg2[%mul3A_2] : memref<81920xi32, #tpu.memory_space<hbm>> -> memref<2560xi32, #tpu.memory_space<hbm>>
      %dma_wait3A_1942 = tpu.memref_slice %arg2[%mul3A_2] : memref<81920xi32, #tpu.memory_space<hbm>> -> memref<2560xi32, #tpu.memory_space<hbm>>
      tpu.wait_dma2 semaphore(%run_scoped3A : memref<!tpu.dma_semaphore, #tpu.memory_space<semaphore_mem>>) src(%dma_wait3A_1942 : memref<2560xi32, #tpu.memory_space<hbm>>) dst(%arg6 : memref<2560xi32, #tpu.memory_space<vmem>>)
      tpu.yield
    }) : () -> ()
    "tpu.region"() ({
      %run_scoped3A = tpu.sem_alloc : memref<!tpu.dma_semaphore, #tpu.memory_space<semaphore_mem>>
      tpu.enqueue_dma source(%arg4 : memref<10x128xi32, #tpu.memory_space<hbm>>) target(%arg11 : memref<10x128xi32, #tpu.memory_space<vmem>>) target_semaphore(%run_scoped3A : memref<!tpu.dma_semaphore, #tpu.memory_space<semaphore_mem>>)
      tpu.wait_dma2 semaphore(%run_scoped3A : memref<!tpu.dma_semaphore, #tpu.memory_space<semaphore_mem>>) src(%arg4 : memref<10x128xi32, #tpu.memory_space<hbm>>) dst(%arg11 : memref<10x128xi32, #tpu.memory_space<vmem>>)
      tpu.yield
    }) : () -> ()
    %mul3A_3 = arith.constant 2 : i32
    %mul3A_4 = arith.muli %arg1, %mul3A_3 : i32
    %mul3A_5 = arith.constant 20 : i32
    %mul3A_6 = arith.muli %mul3A_4, %mul3A_5 : i32
    %broadcast_in_dim3A = vector.broadcast %mul3A_6 : i32 to vector<16xi32>
    %get3A = arith.constant 0 : i32
    %get3A_7 = arith.index_cast %get3A : i32 to index
    %get3A_8 = arith.constant 0 : index
    %get3A_9 = tpu.vector_load %arg11[%get3A_7, %get3A_8] {strides = array<i32>} : memref<10x128xi32, #tpu.memory_space<vmem>>, vector<1x16xi32>,
    %get3A_10 = vector.shape_cast %get3A_9 : vector<1x16xi32> to vector<16xi32>
    %add3A_11 = arith.addi %get3A_10, %broadcast_in_dim3A : vector<16xi32>
    %swap3A = arith.constant 0 : i32
    %swap3A_12 = arith.index_cast %swap3A : i32 to index
    %swap3A_13 = arith.constant 0 : index
    %swap3A_14 = tpu.vector_load %arg11[%swap3A_12, %swap3A_13] {strides = array<i32>} : memref<10x128xi32, #tpu.memory_space<vmem>>, vector<1x16xi32>,
    %swap3A_15 = vector.shape_cast %swap3A_14 : vector<1x16xi32> to vector<16xi32>
    %swap3A_16 = vector.shape_cast %add3A_11 : vector<16xi32> to vector<1x16xi32>
    tpu.vector_store %arg11[%swap3A_12, %swap3A_13], %swap3A_16 {strides = array<i32>} : memref<10x128xi32, #tpu.memory_space<vmem>>, vector<1x16xi32>,
    %get3A_17 = arith.constant 0 : i32
    %get3A_18 = arith.index_cast %get3A_17 : i32 to index
    %get3A_19 = arith.constant 16 : index
    %get3A_20 = tpu.vector_load %arg11[%get3A_18, %get3A_19] {strides = array<i32>} : memref<10x128xi32, #tpu.memory_space<vmem>>, vector<1x16xi32>,
    %get3A_21 = vector.shape_cast %get3A_20 : vector<1x16xi32> to vector<16xi32>
    %add3A_22 = arith.addi %get3A_21, %broadcast_in_dim3A : vector<16xi32>
    %swap3A_23 = arith.constant 0 : i32
    %swap3A_24 = arith.index_cast %swap3A_23 : i32 to index
    %swap3A_25 = arith.constant 16 : index
    %swap3A_26 = tpu.vector_load %arg11[%swap3A_24, %swap3A_25] {strides = array<i32>} : memref<10x128xi32, #tpu.memory_space<vmem>>, vector<1x16xi32>,
    %swap3A_27 = vector.shape_cast %swap3A_26 : vector<1x16xi32> to vector<16xi32>
    %swap3A_28 = vector.shape_cast %add3A_22 : vector<16xi32> to vector<1x16xi32>
    tpu.vector_store %arg11[%swap3A_24, %swap3A_25], %swap3A_28 {strides = array<i32>} : memref<10x128xi32, #tpu.memory_space<vmem>>, vector<1x16xi32>,
    %get3A_29 = arith.constant 0 : i32
    %get3A_30 = arith.index_cast %get3A_29 : i32 to index
    %get3A_31 = arith.constant 32 : index
    %get3A_32 = tpu.vector_load %arg11[%get3A_30, %get3A_31] {strides = array<i32>} : memref<10x128xi32, #tpu.memory_space<vmem>>, vector<1x16xi32>,
    %get3A_33 = vector.shape_cast %get3A_32 : vector<1x16xi32> to vector<16xi32>
    %add3A_34 = arith.addi %get3A_33, %broadcast_in_dim3A : vector<16xi32>
    %swap3A_35 = arith.constant 0 : i32
    %swap3A_36 = arith.index_cast %swap3A_35 : i32 to index
    %swap3A_37 = arith.constant 32 : index
    %swap3A_38 = tpu.vector_load %arg11[%swap3A_36, %swap3A_37] {strides = array<i32>} : memref<10x128xi32, #tpu.memory_space<vmem>>, vector<1x16xi32>,
    %swap3A_39 = vector.shape_cast %swap3A_38 : vector<1x16xi32> to vector<16xi32>
    %swap3A_40 = vector.shape_cast %add3A_34 : vector<16xi32> to vector<1x16xi32>
    tpu.vector_store %arg11[%swap3A_36, %swap3A_37], %swap3A_40 {strides = array<i32>} : memref<10x128xi32, #tpu.memory_space<vmem>>, vector<1x16xi32>,
    %get3A_41 = arith.constant 0 : i32
    %get3A_42 = arith.index_cast %get3A_41 : i32 to index
    %get3A_43 = arith.constant 48 : index
    %get3A_44 = tpu.vector_load %arg11[%get3A_42, %get3A_43] {strides = array<i32>} : memref<10x128xi32, #tpu.memory_space<vmem>>, vector<1x16xi32>,
    %get3A_45 = vector.shape_cast %get3A_44 : vector<1x16xi32> to vector<16xi32>
    %add3A_46 = arith.addi %get3A_45, %broadcast_in_dim3A : vector<16xi32>
    %swap3A_47 = arith.constant 0 : i32
    %swap3A_48 = arith.index_cast %swap3A_47 : i32 to index
    %swap3A_49 = arith.constant 48 : index
    %swap3A_50 = tpu.vector_load %arg11[%swap3A_48, %swap3A_49] {strides = array<i32>} : memref<10x128xi32, #tpu.memory_space<vmem>>, vector<1x16xi32>,
    %swap3A_51 = vector.shape_cast %swap3A_50 : vector<1x16xi32> to vector<16xi32>
    %swap3A_52 = vector.shape_cast %add3A_46 : vector<16xi32> to vector<1x16xi32>
    tpu.vector_store %arg11[%swap3A_48, %swap3A_49], %swap3A_52 {strides = array<i32>} : memref<10x128xi32, #tpu.memory_space<vmem>>, vector<1x16xi32>,
    %get3A_53 = arith.constant 0 : i32
    %get3A_54 = arith.index_cast %get3A_53 : i32 to index
    %get3A_55 = arith.constant 64 : index
    %get3A_56 = tpu.vector_load %arg11[%get3A_54, %get3A_55] {strides = array<i32>} : memref<10x128xi32, #tpu.memory_space<vmem>>, vector<1x16xi32>,
    %get3A_57 = vector.shape_cast %get3A_56 : vector<1x16xi32> to vector<16xi32>
    %add3A_58 = arith.addi %get3A_57, %broadcast_in_dim3A : vector<16xi32>
    %swap3A_59 = arith.constant 0 : i32
    %swap3A_60 = arith.index_cast %swap3A_59 : i32 to index
    %swap3A_61 = arith.constant 64 : index
    %swap3A_62 = tpu.vector_load %arg11[%swap3A_60, %swap3A_61] {strides = array<i32>} : memref<10x128xi32, #tpu.memory_space<vmem>>, vector<1x16xi32>,
    %swap3A_63 = vector.shape_cast %swap3A_62 : vector<1x16xi32> to vector<16xi32>
    %swap3A_64 = vector.shape_cast %add3A_58 : vector<16xi32> to vector<1x16xi32>
    tpu.vector_store %arg11[%swap3A_60, %swap3A_61], %swap3A_64 {strides = array<i32>} : memref<10x128xi32, #tpu.memory_space<vmem>>, vector<1x16xi32>,
    %get3A_65 = arith.constant 0 : i32
    %get3A_66 = arith.index_cast %get3A_65 : i32 to index
    %get3A_67 = arith.constant 80 : index
    %get3A_68 = tpu.vector_load %arg11[%get3A_66, %get3A_67] {strides = array<i32>} : memref<10x128xi32, #tpu.memory_space<vmem>>, vector<1x16xi32>,
    %get3A_69 = vector.shape_cast %get3A_68 : vector<1x16xi32> to vector<16xi32>
    %add3A_70 = arith.addi %get3A_69, %broadcast_in_dim3A : vector<16xi32>
    %swap3A_71 = arith.constant 0 : i32
    %swap3A_72 = arith.index_cast %swap3A_71 : i32 to index
    %swap3A_73 = arith.constant 80 : index
    %swap3A_74 = tpu.vector_load %arg11[%swap3A_72, %swap3A_73] {strides = array<i32>} : memref<10x128xi32, #tpu.memory_space<vmem>>, vector<1x16xi32>,
    %swap3A_75 = vector.shape_cast %swap3A_74 : vector<1x16xi32> to vector<16xi32>
    %swap3A_76 = vector.shape_cast %add3A_70 : vector<16xi32> to vector<1x16xi32>
    tpu.vector_store %arg11[%swap3A_72, %swap3A_73], %swap3A_76 {strides = array<i32>} : memref<10x128xi32, #tpu.memory_space<vmem>>, vector<1x16xi32>,
    %get3A_77 = arith.constant 0 : i32
    %get3A_78 = arith.index_cast %get3A_77 : i32 to index
    %get3A_79 = arith.constant 96 : index
    %get3A_80 = tpu.vector_load %arg11[%get3A_78, %get3A_79] {strides = array<i32>} : memref<10x128xi32, #tpu.memory_space<vmem>>, vector<1x16xi32>,
    %get3A_81 = vector.shape_cast %get3A_80 : vector<1x16xi32> to vector<16xi32>
    %add3A_82 = arith.addi %get3A_81, %broadcast_in_dim3A : vector<16xi32>
    %swap3A_83 = arith.constant 0 : i32
    %swap3A_84 = arith.index_cast %swap3A_83 : i32 to index
    %swap3A_85 = arith.constant 96 : index
    %swap3A_86 = tpu.vector_load %arg11[%swap3A_84, %swap3A_85] {strides = array<i32>} : memref<10x128xi32, #tpu.memory_space<vmem>>, vector<1x16xi32>,
    %swap3A_87 = vector.shape_cast %swap3A_86 : vector<1x16xi32> to vector<16xi32>
    %swap3A_88 = vector.shape_cast %add3A_82 : vector<16xi32> to vector<1x16xi32>
    tpu.vector_store %arg11[%swap3A_84, %swap3A_85], %swap3A_88 {strides = array<i32>} : memref<10x128xi32, #tpu.memory_space<vmem>>, vector<1x16xi32>,
    %get3A_89 = arith.constant 0 : i32
    %get3A_90 = arith.index_cast %get3A_89 : i32 to index
    %get3A_91 = arith.constant 112 : index
    %get3A_92 = tpu.vector_load %arg11[%get3A_90, %get3A_91] {strides = array<i32>} : memref<10x128xi32, #tpu.memory_space<vmem>>, vector<1x16xi32>,
    %get3A_93 = vector.shape_cast %get3A_92 : vector<1x16xi32> to vector<16xi32>
    %add3A_94 = arith.addi %get3A_93, %broadcast_in_dim3A : vector<16xi32>
    %swap3A_95 = arith.constant 0 : i32
    %swap3A_96 = arith.index_cast %swap3A_95 : i32 to index
    %swap3A_97 = arith.constant 112 : index
    %swap3A_98 = tpu.vector_load %arg11[%swap3A_96, %swap3A_97] {strides = array<i32>} : memref<10x128xi32, #tpu.memory_space<vmem>>, vector<1x16xi32>,
    %swap3A_99 = vector.shape_cast %swap3A_98 : vector<1x16xi32> to vector<16xi32>
    %swap3A_100 = vector.shape_cast %add3A_94 : vector<16xi32> to vector<1x16xi32>
    tpu.vector_store %arg11[%swap3A_96, %swap3A_97], %swap3A_100 {strides = array<i32>} : memref<10x128xi32, #tpu.memory_space<vmem>>, vector<1x16xi32>,
    %get3A_101 = arith.constant 1 : i32
    %get3A_102 = arith.index_cast %get3A_101 : i32 to index
    %get3A_103 = arith.constant 0 : index
    %get3A_104 = tpu.vector_load %arg11[%get3A_102, %get3A_103] {strides = array<i32>} : memref<10x128xi32, #tpu.memory_space<vmem>>, vector<1x16xi32>,
    %get3A_105 = vector.shape_cast %get3A_104 : vector<1x16xi32> to vector<16xi32>
    %add3A_106 = arith.addi %get3A_105, %broadcast_in_dim3A : vector<16xi32>
    %swap3A_107 = arith.constant 1 : i32
    %swap3A_108 = arith.index_cast %swap3A_107 : i32 to index
    %swap3A_109 = arith.constant 0 : index
    %swap3A_110 = tpu.vector_load %arg11[%swap3A_108, %swap3A_109] {strides = array<i32>} : memref<10x128xi32, #tpu.memory_space<vmem>>, vector<1x16xi32>,
    %swap3A_111 = vector.shape_cast %swap3A_110 : vector<1x16xi32> to vector<16xi32>
    %swap3A_112 = vector.shape_cast %add3A_106 : vector<16xi32> to vector<1x16xi32>
    tpu.vector_store %arg11[%swap3A_108, %swap3A_109], %swap3A_112 {strides = array<i32>} : memref<10x128xi32, #tpu.memory_space<vmem>>, vector<1x16xi32>,
    %get3A_113 = arith.constant 1 : i32
    %get3A_114 = arith.index_cast %get3A_113 : i32 to index
    %get3A_115 = arith.constant 16 : index
    %get3A_116 = tpu.vector_load %arg11[%get3A_114, %get3A_115] {strides = array<i32>} : memref<10x128xi32, #tpu.memory_space<vmem>>, vector<1x16xi32>,
    %get3A_117 = vector.shape_cast %get3A_116 : vector<1x16xi32> to vector<16xi32>
    %add3A_118 = arith.addi %get3A_117, %broadcast_in_dim3A : vector<16xi32>
    %swap3A_119 = arith.constant 1 : i32
    %swap3A_120 = arith.index_cast %swap3A_119 : i32 to index
    %swap3A_121 = arith.constant 16 : index
    %swap3A_122 = tpu.vector_load %arg11[%swap3A_120, %swap3A_121] {strides = array<i32>} : memref<10x128xi32, #tpu.memory_space<vmem>>, vector<1x16xi32>,
    %swap3A_123 = vector.shape_cast %swap3A_122 : vector<1x16xi32> to vector<16xi32>
    %swap3A_124 = vector.shape_cast %add3A_118 : vector<16xi32> to vector<1x16xi32>
    tpu.vector_store %arg11[%swap3A_120, %swap3A_121], %swap3A_124 {strides = array<i32>} : memref<10x128xi32, #tpu.memory_space<vmem>>, vector<1x16xi32>,
    %get3A_125 = arith.constant 1 : i32
    %get3A_126 = arith.index_cast %get3A_125 : i32 to index
    %get3A_127 = arith.constant 32 : index
    %get3A_128 = tpu.vector_load %arg11[%get3A_126, %get3A_127] {strides = array<i32>} : memref<10x128xi32, #tpu.memory_space<vmem>>, vector<1x16xi32>,
    %get3A_129 = vector.shape_cast %get3A_128 : vector<1x16xi32> to vector<16xi32>
    %add3A_130 = arith.addi %get3A_129, %broadcast_in_dim3A : vector<16xi32>
    %swap3A_131 = arith.constant 1 : i32
    %swap3A_132 = arith.index_cast %swap3A_131 : i32 to index
    %swap3A_133 = arith.constant 32 : index
    %swap3A_134 = tpu.vector_load %arg11[%swap3A_132, %swap3A_133] {strides = array<i32>} : memref<10x128xi32, #tpu.memory_space<vmem>>, vector<1x16xi32>,
    %swap3A_135 = vector.shape_cast %swap3A_134 : vector<1x16xi32> to vector<16xi32>
    %swap3A_136 = vector.shape_cast %add3A_130 : vector<16xi32> to vector<1x16xi32>
    tpu.vector_store %arg11[%swap3A_132, %swap3A_133], %swap3A_136 {strides = array<i32>} : memref<10x128xi32, #tpu.memory_space<vmem>>, vector<1x16xi32>,
    %get3A_137 = arith.constant 1 : i32
    %get3A_138 = arith.index_cast %get3A_137 : i32 to index
    %get3A_139 = arith.constant 48 : index
    %get3A_140 = tpu.vector_load %arg11[%get3A_138, %get3A_139] {strides = array<i32>} : memref<10x128xi32, #tpu.memory_space<vmem>>, vector<1x16xi32>,
    %get3A_141 = vector.shape_cast %get3A_140 : vector<1x16xi32> to vector<16xi32>
    %add3A_142 = arith.addi %get3A_141, %broadcast_in_dim3A : vector<16xi32>
    %swap3A_143 = arith.constant 1 : i32
    %swap3A_144 = arith.index_cast %swap3A_143 : i32 to index
    %swap3A_145 = arith.constant 48 : index
    %swap3A_146 = tpu.vector_load %arg11[%swap3A_144, %swap3A_145] {strides = array<i32>} : memref<10x128xi32, #tpu.memory_space<vmem>>, vector<1x16xi32>,
    %swap3A_147 = vector.shape_cast %swap3A_146 : vector<1x16xi32> to vector<16xi32>
    %swap3A_148 = vector.shape_cast %add3A_142 : vector<16xi32> to vector<1x16xi32>
    tpu.vector_store %arg11[%swap3A_144, %swap3A_145], %swap3A_148 {strides = array<i32>} : memref<10x128xi32, #tpu.memory_space<vmem>>, vector<1x16xi32>,
    %get3A_149 = arith.constant 1 : i32
    %get3A_150 = arith.index_cast %get3A_149 : i32 to index
    %get3A_151 = arith.constant 64 : index
    %get3A_152 = tpu.vector_load %arg11[%get3A_150, %get3A_151] {strides = array<i32>} : memref<10x128xi32, #tpu.memory_space<vmem>>, vector<1x16xi32>,
    %get3A_153 = vector.shape_cast %get3A_152 : vector<1x16xi32> to vector<16xi32>
    %add3A_154 = arith.addi %get3A_153, %broadcast_in_dim3A : vector<16xi32>
    %swap3A_155 = arith.constant 1 : i32
    %swap3A_156 = arith.index_cast %swap3A_155 : i32 to index
    %swap3A_157 = arith.constant 64 : index
    %swap3A_158 = tpu.vector_load %arg11[%swap3A_156, %swap3A_157] {strides = array<i32>} : memref<10x128xi32, #tpu.memory_space<vmem>>, vector<1x16xi32>,
    %swap3A_159 = vector.shape_cast %swap3A_158 : vector<1x16xi32> to vector<16xi32>
    %swap3A_160 = vector.shape_cast %add3A_154 : vector<16xi32> to vector<1x16xi32>
    tpu.vector_store %arg11[%swap3A_156, %swap3A_157], %swap3A_160 {strides = array<i32>} : memref<10x128xi32, #tpu.memory_space<vmem>>, vector<1x16xi32>,
    %get3A_161 = arith.constant 1 : i32
    %get3A_162 = arith.index_cast %get3A_161 : i32 to index
    %get3A_163 = arith.constant 80 : index
    %get3A_164 = tpu.vector_load %arg11[%get3A_162, %get3A_163] {strides = array<i32>} : memref<10x128xi32, #tpu.memory_space<vmem>>, vector<1x16xi32>,
    %get3A_165 = vector.shape_cast %get3A_164 : vector<1x16xi32> to vector<16xi32>
    %add3A_166 = arith.addi %get3A_165, %broadcast_in_dim3A : vector<16xi32>
    %swap3A_167 = arith.constant 1 : i32
    %swap3A_168 = arith.index_cast %swap3A_167 : i32 to index
    %swap3A_169 = arith.constant 80 : index
    %swap3A_170 = tpu.vector_load %arg11[%swap3A_168, %swap3A_169] {strides = array<i32>} : memref<10x128xi32, #tpu.memory_space<vmem>>, vector<1x16xi32>,
    %swap3A_171 = vector.shape_cast %swap3A_170 : vector<1x16xi32> to vector<16xi32>
    %swap3A_172 = vector.shape_cast %add3A_166 : vector<16xi32> to vector<1x16xi32>
    tpu.vector_store %arg11[%swap3A_168, %swap3A_169], %swap3A_172 {strides = array<i32>} : memref<10x128xi32, #tpu.memory_space<vmem>>, vector<1x16xi32>,
    %get3A_173 = arith.constant 1 : i32
    %get3A_174 = arith.index_cast %get3A_173 : i32 to index
    %get3A_175 = arith.constant 96 : index
    %get3A_176 = tpu.vector_load %arg11[%get3A_174, %get3A_175] {strides = array<i32>} : memref<10x128xi32, #tpu.memory_space<vmem>>, vector<1x16xi32>,
    %get3A_177 = vector.shape_cast %get3A_176 : vector<1x16xi32> to vector<16xi32>
    %add3A_178 = arith.addi %get3A_177, %broadcast_in_dim3A : vector<16xi32>
    %swap3A_179 = arith.constant 1 : i32
    %swap3A_180 = arith.index_cast %swap3A_179 : i32 to index
    %swap3A_181 = arith.constant 96 : index
    %swap3A_182 = tpu.vector_load %arg11[%swap3A_180, %swap3A_181] {strides = array<i32>} : memref<10x128xi32, #tpu.memory_space<vmem>>, vector<1x16xi32>,
    %swap3A_183 = vector.shape_cast %swap3A_182 : vector<1x16xi32> to vector<16xi32>
    %swap3A_184 = vector.shape_cast %add3A_178 : vector<16xi32> to vector<1x16xi32>
    tpu.vector_store %arg11[%swap3A_180, %swap3A_181], %swap3A_184 {strides = array<i32>} : memref<10x128xi32, #tpu.memory_space<vmem>>, vector<1x16xi32>,
    %get3A_185 = arith.constant 1 : i32
    %get3A_186 = arith.index_cast %get3A_185 : i32 to index
    %get3A_187 = arith.constant 112 : index
    %get3A_188 = tpu.vector_load %arg11[%get3A_186, %get3A_187] {strides = array<i32>} : memref<10x128xi32, #tpu.memory_space<vmem>>, vector<1x16xi32>,
    %get3A_189 = vector.shape_cast %get3A_188 : vector<1x16xi32> to vector<16xi32>
    %add3A_190 = arith.addi %get3A_189, %broadcast_in_dim3A : vector<16xi32>
    %swap3A_191 = arith.constant 1 : i32
    %swap3A_192 = arith.index_cast %swap3A_191 : i32 to index
    %swap3A_193 = arith.constant 112 : index
    %swap3A_194 = tpu.vector_load %arg11[%swap3A_192, %swap3A_193] {strides = array<i32>} : memref<10x128xi32, #tpu.memory_space<vmem>>, vector<1x16xi32>,
    %swap3A_195 = vector.shape_cast %swap3A_194 : vector<1x16xi32> to vector<16xi32>
    %swap3A_196 = vector.shape_cast %add3A_190 : vector<16xi32> to vector<1x16xi32>
    tpu.vector_store %arg11[%swap3A_192, %swap3A_193], %swap3A_196 {strides = array<i32>} : memref<10x128xi32, #tpu.memory_space<vmem>>, vector<1x16xi32>,
    %get3A_197 = arith.constant 2 : i32
    %get3A_198 = arith.index_cast %get3A_197 : i32 to index
    %get3A_199 = arith.constant 0 : index
    %get3A_200 = tpu.vector_load %arg11[%get3A_198, %get3A_199] {strides = array<i32>} : memref<10x128xi32, #tpu.memory_space<vmem>>, vector<1x16xi32>,
    %get3A_201 = vector.shape_cast %get3A_200 : vector<1x16xi32> to vector<16xi32>
    %add3A_202 = arith.addi %get3A_201, %broadcast_in_dim3A : vector<16xi32>
    %swap3A_203 = arith.constant 2 : i32
    %swap3A_204 = arith.index_cast %swap3A_203 : i32 to index
    %swap3A_205 = arith.constant 0 : index
    %swap3A_206 = tpu.vector_load %arg11[%swap3A_204, %swap3A_205] {strides = array<i32>} : memref<10x128xi32, #tpu.memory_space<vmem>>, vector<1x16xi32>,
    %swap3A_207 = vector.shape_cast %swap3A_206 : vector<1x16xi32> to vector<16xi32>
    %swap3A_208 = vector.shape_cast %add3A_202 : vector<16xi32> to vector<1x16xi32>
    tpu.vector_store %arg11[%swap3A_204, %swap3A_205], %swap3A_208 {strides = array<i32>} : memref<10x128xi32, #tpu.memory_space<vmem>>, vector<1x16xi32>,
    %get3A_209 = arith.constant 2 : i32
    %get3A_210 = arith.index_cast %get3A_209 : i32 to index
    %get3A_211 = arith.constant 16 : index
    %get3A_212 = tpu.vector_load %arg11[%get3A_210, %get3A_211] {strides = array<i32>} : memref<10x128xi32, #tpu.memory_space<vmem>>, vector<1x16xi32>,
    %get3A_213 = vector.shape_cast %get3A_212 : vector<1x16xi32> to vector<16xi32>
    %add3A_214 = arith.addi %get3A_213, %broadcast_in_dim3A : vector<16xi32>
    %swap3A_215 = arith.constant 2 : i32
    %swap3A_216 = arith.index_cast %swap3A_215 : i32 to index
    %swap3A_217 = arith.constant 16 : index
    %swap3A_218 = tpu.vector_load %arg11[%swap3A_216, %swap3A_217] {strides = array<i32>} : memref<10x128xi32, #tpu.memory_space<vmem>>, vector<1x16xi32>,
    %swap3A_219 = vector.shape_cast %swap3A_218 : vector<1x16xi32> to vector<16xi32>
    %swap3A_220 = vector.shape_cast %add3A_214 : vector<16xi32> to vector<1x16xi32>
    tpu.vector_store %arg11[%swap3A_216, %swap3A_217], %swap3A_220 {strides = array<i32>} : memref<10x128xi32, #tpu.memory_space<vmem>>, vector<1x16xi32>,
    %get3A_221 = arith.constant 2 : i32
    %get3A_222 = arith.index_cast %get3A_221 : i32 to index
    %get3A_223 = arith.constant 32 : index
    %get3A_224 = tpu.vector_load %arg11[%get3A_222, %get3A_223] {strides = array<i32>} : memref<10x128xi32, #tpu.memory_space<vmem>>, vector<1x16xi32>,
    %get3A_225 = vector.shape_cast %get3A_224 : vector<1x16xi32> to vector<16xi32>
    %add3A_226 = arith.addi %get3A_225, %broadcast_in_dim3A : vector<16xi32>
    %swap3A_227 = arith.constant 2 : i32
    %swap3A_228 = arith.index_cast %swap3A_227 : i32 to index
    %swap3A_229 = arith.constant 32 : index
    %swap3A_230 = tpu.vector_load %arg11[%swap3A_228, %swap3A_229] {strides = array<i32>} : memref<10x128xi32, #tpu.memory_space<vmem>>, vector<1x16xi32>,
    %swap3A_231 = vector.shape_cast %swap3A_230 : vector<1x16xi32> to vector<16xi32>
    %swap3A_232 = vector.shape_cast %add3A_226 : vector<16xi32> to vector<1x16xi32>
    tpu.vector_store %arg11[%swap3A_228, %swap3A_229], %swap3A_232 {strides = array<i32>} : memref<10x128xi32, #tpu.memory_space<vmem>>, vector<1x16xi32>,
    %get3A_233 = arith.constant 2 : i32
    %get3A_234 = arith.index_cast %get3A_233 : i32 to index
    %get3A_235 = arith.constant 48 : index
    %get3A_236 = tpu.vector_load %arg11[%get3A_234, %get3A_235] {strides = array<i32>} : memref<10x128xi32, #tpu.memory_space<vmem>>, vector<1x16xi32>,
    %get3A_237 = vector.shape_cast %get3A_236 : vector<1x16xi32> to vector<16xi32>
    %add3A_238 = arith.addi %get3A_237, %broadcast_in_dim3A : vector<16xi32>
    %swap3A_239 = arith.constant 2 : i32
    %swap3A_240 = arith.index_cast %swap3A_239 : i32 to index
    %swap3A_241 = arith.constant 48 : index
    %swap3A_242 = tpu.vector_load %arg11[%swap3A_240, %swap3A_241] {strides = array<i32>} : memref<10x128xi32, #tpu.memory_space<vmem>>, vector<1x16xi32>,
    %swap3A_243 = vector.shape_cast %swap3A_242 : vector<1x16xi32> to vector<16xi32>
    %swap3A_244 = vector.shape_cast %add3A_238 : vector<16xi32> to vector<1x16xi32>
    tpu.vector_store %arg11[%swap3A_240, %swap3A_241], %swap3A_244 {strides = array<i32>} : memref<10x128xi32, #tpu.memory_space<vmem>>, vector<1x16xi32>,
    %get3A_245 = arith.constant 2 : i32
    %get3A_246 = arith.index_cast %get3A_245 : i32 to index
    %get3A_247 = arith.constant 64 : index
    %get3A_248 = tpu.vector_load %arg11[%get3A_246, %get3A_247] {strides = array<i32>} : memref<10x128xi32, #tpu.memory_space<vmem>>, vector<1x16xi32>,
    %get3A_249 = vector.shape_cast %get3A_248 : vector<1x16xi32> to vector<16xi32>
    %add3A_250 = arith.addi %get3A_249, %broadcast_in_dim3A : vector<16xi32>
    %swap3A_251 = arith.constant 2 : i32
    %swap3A_252 = arith.index_cast %swap3A_251 : i32 to index
    %swap3A_253 = arith.constant 64 : index
    %swap3A_254 = tpu.vector_load %arg11[%swap3A_252, %swap3A_253] {strides = array<i32>} : memref<10x128xi32, #tpu.memory_space<vmem>>, vector<1x16xi32>,
    %swap3A_255 = vector.shape_cast %swap3A_254 : vector<1x16xi32> to vector<16xi32>
    %swap3A_256 = vector.shape_cast %add3A_250 : vector<16xi32> to vector<1x16xi32>
    tpu.vector_store %arg11[%swap3A_252, %swap3A_253], %swap3A_256 {strides = array<i32>} : memref<10x128xi32, #tpu.memory_space<vmem>>, vector<1x16xi32>,
    %get3A_257 = arith.constant 2 : i32
    %get3A_258 = arith.index_cast %get3A_257 : i32 to index
    %get3A_259 = arith.constant 80 : index
    %get3A_260 = tpu.vector_load %arg11[%get3A_258, %get3A_259] {strides = array<i32>} : memref<10x128xi32, #tpu.memory_space<vmem>>, vector<1x16xi32>,
    %get3A_261 = vector.shape_cast %get3A_260 : vector<1x16xi32> to vector<16xi32>
    %add3A_262 = arith.addi %get3A_261, %broadcast_in_dim3A : vector<16xi32>
    %swap3A_263 = arith.constant 2 : i32
    %swap3A_264 = arith.index_cast %swap3A_263 : i32 to index
    %swap3A_265 = arith.constant 80 : index
    %swap3A_266 = tpu.vector_load %arg11[%swap3A_264, %swap3A_265] {strides = array<i32>} : memref<10x128xi32, #tpu.memory_space<vmem>>, vector<1x16xi32>,
    %swap3A_267 = vector.shape_cast %swap3A_266 : vector<1x16xi32> to vector<16xi32>
    %swap3A_268 = vector.shape_cast %add3A_262 : vector<16xi32> to vector<1x16xi32>
    tpu.vector_store %arg11[%swap3A_264, %swap3A_265], %swap3A_268 {strides = array<i32>} : memref<10x128xi32, #tpu.memory_space<vmem>>, vector<1x16xi32>,
    %get3A_269 = arith.constant 2 : i32
    %get3A_270 = arith.index_cast %get3A_269 : i32 to index
    %get3A_271 = arith.constant 96 : index
    %get3A_272 = tpu.vector_load %arg11[%get3A_270, %get3A_271] {strides = array<i32>} : memref<10x128xi32, #tpu.memory_space<vmem>>, vector<1x16xi32>,
    %get3A_273 = vector.shape_cast %get3A_272 : vector<1x16xi32> to vector<16xi32>
    %add3A_274 = arith.addi %get3A_273, %broadcast_in_dim3A : vector<16xi32>
    %swap3A_275 = arith.constant 2 : i32
    %swap3A_276 = arith.index_cast %swap3A_275 : i32 to index
    %swap3A_277 = arith.constant 96 : index
    %swap3A_278 = tpu.vector_load %arg11[%swap3A_276, %swap3A_277] {strides = array<i32>} : memref<10x128xi32, #tpu.memory_space<vmem>>, vector<1x16xi32>,
    %swap3A_279 = vector.shape_cast %swap3A_278 : vector<1x16xi32> to vector<16xi32>
    %swap3A_280 = vector.shape_cast %add3A_274 : vector<16xi32> to vector<1x16xi32>
    tpu.vector_store %arg11[%swap3A_276, %swap3A_277], %swap3A_280 {strides = array<i32>} : memref<10x128xi32, #tpu.memory_space<vmem>>, vector<1x16xi32>,
    %get3A_281 = arith.constant 2 : i32
    %get3A_282 = arith.index_cast %get3A_281 : i32 to index
    %get3A_283 = arith.constant 112 : index
    %get3A_284 = tpu.vector_load %arg11[%get3A_282, %get3A_283] {strides = array<i32>} : memref<10x128xi32, #tpu.memory_space<vmem>>, vector<1x16xi32>,
    %get3A_285 = vector.shape_cast %get3A_284 : vector<1x16xi32> to vector<16xi32>
    %add3A_286 = arith.addi %get3A_285, %broadcast_in_dim3A : vector<16xi32>
    %swap3A_287 = arith.constant 2 : i32
    %swap3A_288 = arith.index_cast %swap3A_287 : i32 to index
    %swap3A_289 = arith.constant 112 : index
    %swap3A_290 = tpu.vector_load %arg11[%swap3A_288, %swap3A_289] {strides = array<i32>} : memref<10x128xi32, #tpu.memory_space<vmem>>, vector<1x16xi32>,
    %swap3A_291 = vector.shape_cast %swap3A_290 : vector<1x16xi32> to vector<16xi32>
    %swap3A_292 = vector.shape_cast %add3A_286 : vector<16xi32> to vector<1x16xi32>
    tpu.vector_store %arg11[%swap3A_288, %swap3A_289], %swap3A_292 {strides = array<i32>} : memref<10x128xi32, #tpu.memory_space<vmem>>, vector<1x16xi32>,
    %get3A_293 = arith.constant 3 : i32
    %get3A_294 = arith.index_cast %get3A_293 : i32 to index
    %get3A_295 = arith.constant 0 : index
    %get3A_296 = tpu.vector_load %arg11[%get3A_294, %get3A_295] {strides = array<i32>} : memref<10x128xi32, #tpu.memory_space<vmem>>, vector<1x16xi32>,
    %get3A_297 = vector.shape_cast %get3A_296 : vector<1x16xi32> to vector<16xi32>
    %add3A_298 = arith.addi %get3A_297, %broadcast_in_dim3A : vector<16xi32>
    %swap3A_299 = arith.constant 3 : i32
    %swap3A_300 = arith.index_cast %swap3A_299 : i32 to index
    %swap3A_301 = arith.constant 0 : index
    %swap3A_302 = tpu.vector_load %arg11[%swap3A_300, %swap3A_301] {strides = array<i32>} : memref<10x128xi32, #tpu.memory_space<vmem>>, vector<1x16xi32>,
    %swap3A_303 = vector.shape_cast %swap3A_302 : vector<1x16xi32> to vector<16xi32>
    %swap3A_304 = vector.shape_cast %add3A_298 : vector<16xi32> to vector<1x16xi32>
    tpu.vector_store %arg11[%swap3A_300, %swap3A_301], %swap3A_304 {strides = array<i32>} : memref<10x128xi32, #tpu.memory_space<vmem>>, vector<1x16xi32>,
    %get3A_305 = arith.constant 3 : i32
    %get3A_306 = arith.index_cast %get3A_305 : i32 to index
    %get3A_307 = arith.constant 16 : index
    %get3A_308 = tpu.vector_load %arg11[%get3A_306, %get3A_307] {strides = array<i32>} : memref<10x128xi32, #tpu.memory_space<vmem>>, vector<1x16xi32>,
    %get3A_309 = vector.shape_cast %get3A_308 : vector<1x16xi32> to vector<16xi32>
    %add3A_310 = arith.addi %get3A_309, %broadcast_in_dim3A : vector<16xi32>
    %swap3A_311 = arith.constant 3 : i32
    %swap3A_312 = arith.index_cast %swap3A_311 : i32 to index
    %swap3A_313 = arith.constant 16 : index
    %swap3A_314 = tpu.vector_load %arg11[%swap3A_312, %swap3A_313] {strides = array<i32>} : memref<10x128xi32, #tpu.memory_space<vmem>>, vector<1x16xi32>,
    %swap3A_315 = vector.shape_cast %swap3A_314 : vector<1x16xi32> to vector<16xi32>
    %swap3A_316 = vector.shape_cast %add3A_310 : vector<16xi32> to vector<1x16xi32>
    tpu.vector_store %arg11[%swap3A_312, %swap3A_313], %swap3A_316 {strides = array<i32>} : memref<10x128xi32, #tpu.memory_space<vmem>>, vector<1x16xi32>,
    %get3A_317 = arith.constant 3 : i32
    %get3A_318 = arith.index_cast %get3A_317 : i32 to index
    %get3A_319 = arith.constant 32 : index
    %get3A_320 = tpu.vector_load %arg11[%get3A_318, %get3A_319] {strides = array<i32>} : memref<10x128xi32, #tpu.memory_space<vmem>>, vector<1x16xi32>,
    %get3A_321 = vector.shape_cast %get3A_320 : vector<1x16xi32> to vector<16xi32>
    %add3A_322 = arith.addi %get3A_321, %broadcast_in_dim3A : vector<16xi32>
    %swap3A_323 = arith.constant 3 : i32
    %swap3A_324 = arith.index_cast %swap3A_323 : i32 to index
    %swap3A_325 = arith.constant 32 : index
    %swap3A_326 = tpu.vector_load %arg11[%swap3A_324, %swap3A_325] {strides = array<i32>} : memref<10x128xi32, #tpu.memory_space<vmem>>, vector<1x16xi32>,
    %swap3A_327 = vector.shape_cast %swap3A_326 : vector<1x16xi32> to vector<16xi32>
    %swap3A_328 = vector.shape_cast %add3A_322 : vector<16xi32> to vector<1x16xi32>
    tpu.vector_store %arg11[%swap3A_324, %swap3A_325], %swap3A_328 {strides = array<i32>} : memref<10x128xi32, #tpu.memory_space<vmem>>, vector<1x16xi32>,
    %get3A_329 = arith.constant 3 : i32
    %get3A_330 = arith.index_cast %get3A_329 : i32 to index
    %get3A_331 = arith.constant 48 : index
    %get3A_332 = tpu.vector_load %arg11[%get3A_330, %get3A_331] {strides = array<i32>} : memref<10x128xi32, #tpu.memory_space<vmem>>, vector<1x16xi32>,
    %get3A_333 = vector.shape_cast %get3A_332 : vector<1x16xi32> to vector<16xi32>
    %add3A_334 = arith.addi %get3A_333, %broadcast_in_dim3A : vector<16xi32>
    %swap3A_335 = arith.constant 3 : i32
    %swap3A_336 = arith.index_cast %swap3A_335 : i32 to index
    %swap3A_337 = arith.constant 48 : index
    %swap3A_338 = tpu.vector_load %arg11[%swap3A_336, %swap3A_337] {strides = array<i32>} : memref<10x128xi32, #tpu.memory_space<vmem>>, vector<1x16xi32>,
    %swap3A_339 = vector.shape_cast %swap3A_338 : vector<1x16xi32> to vector<16xi32>
    %swap3A_340 = vector.shape_cast %add3A_334 : vector<16xi32> to vector<1x16xi32>
    tpu.vector_store %arg11[%swap3A_336, %swap3A_337], %swap3A_340 {strides = array<i32>} : memref<10x128xi32, #tpu.memory_space<vmem>>, vector<1x16xi32>,
    %get3A_341 = arith.constant 3 : i32
    %get3A_342 = arith.index_cast %get3A_341 : i32 to index
    %get3A_343 = arith.constant 64 : index
    %get3A_344 = tpu.vector_load %arg11[%get3A_342, %get3A_343] {strides = array<i32>} : memref<10x128xi32, #tpu.memory_space<vmem>>, vector<1x16xi32>,
    %get3A_345 = vector.shape_cast %get3A_344 : vector<1x16xi32> to vector<16xi32>
    %add3A_346 = arith.addi %get3A_345, %broadcast_in_dim3A : vector<16xi32>
    %swap3A_347 = arith.constant 3 : i32
    %swap3A_348 = arith.index_cast %swap3A_347 : i32 to index
    %swap3A_349 = arith.constant 64 : index
    %swap3A_350 = tpu.vector_load %arg11[%swap3A_348, %swap3A_349] {strides = array<i32>} : memref<10x128xi32, #tpu.memory_space<vmem>>, vector<1x16xi32>,
    %swap3A_351 = vector.shape_cast %swap3A_350 : vector<1x16xi32> to vector<16xi32>
    %swap3A_352 = vector.shape_cast %add3A_346 : vector<16xi32> to vector<1x16xi32>
    tpu.vector_store %arg11[%swap3A_348, %swap3A_349], %swap3A_352 {strides = array<i32>} : memref<10x128xi32, #tpu.memory_space<vmem>>, vector<1x16xi32>,
    %get3A_353 = arith.constant 3 : i32
    %get3A_354 = arith.index_cast %get3A_353 : i32 to index
    %get3A_355 = arith.constant 80 : index
    %get3A_356 = tpu.vector_load %arg11[%get3A_354, %get3A_355] {strides = array<i32>} : memref<10x128xi32, #tpu.memory_space<vmem>>, vector<1x16xi32>,
    %get3A_357 = vector.shape_cast %get3A_356 : vector<1x16xi32> to vector<16xi32>
    %add3A_358 = arith.addi %get3A_357, %broadcast_in_dim3A : vector<16xi32>
    %swap3A_359 = arith.constant 3 : i32
    %swap3A_360 = arith.index_cast %swap3A_359 : i32 to index
    %swap3A_361 = arith.constant 80 : index
    %swap3A_362 = tpu.vector_load %arg11[%swap3A_360, %swap3A_361] {strides = array<i32>} : memref<10x128xi32, #tpu.memory_space<vmem>>, vector<1x16xi32>,
    %swap3A_363 = vector.shape_cast %swap3A_362 : vector<1x16xi32> to vector<16xi32>
    %swap3A_364 = vector.shape_cast %add3A_358 : vector<16xi32> to vector<1x16xi32>
    tpu.vector_store %arg11[%swap3A_360, %swap3A_361], %swap3A_364 {strides = array<i32>} : memref<10x128xi32, #tpu.memory_space<vmem>>, vector<1x16xi32>,
    %get3A_365 = arith.constant 3 : i32
    %get3A_366 = arith.index_cast %get3A_365 : i32 to index
    %get3A_367 = arith.constant 96 : index
    %get3A_368 = tpu.vector_load %arg11[%get3A_366, %get3A_367] {strides = array<i32>} : memref<10x128xi32, #tpu.memory_space<vmem>>, vector<1x16xi32>,
    %get3A_369 = vector.shape_cast %get3A_368 : vector<1x16xi32> to vector<16xi32>
    %add3A_370 = arith.addi %get3A_369, %broadcast_in_dim3A : vector<16xi32>
    %swap3A_371 = arith.constant 3 : i32
    %swap3A_372 = arith.index_cast %swap3A_371 : i32 to index
    %swap3A_373 = arith.constant 96 : index
    %swap3A_374 = tpu.vector_load %arg11[%swap3A_372, %swap3A_373] {strides = array<i32>} : memref<10x128xi32, #tpu.memory_space<vmem>>, vector<1x16xi32>,
    %swap3A_375 = vector.shape_cast %swap3A_374 : vector<1x16xi32> to vector<16xi32>
    %swap3A_376 = vector.shape_cast %add3A_370 : vector<16xi32> to vector<1x16xi32>
    tpu.vector_store %arg11[%swap3A_372, %swap3A_373], %swap3A_376 {strides = array<i32>} : memref<10x128xi32, #tpu.memory_space<vmem>>, vector<1x16xi32>,
    %get3A_377 = arith.constant 3 : i32
    %get3A_378 = arith.index_cast %get3A_377 : i32 to index
    %get3A_379 = arith.constant 112 : index
    %get3A_380 = tpu.vector_load %arg11[%get3A_378, %get3A_379] {strides = array<i32>} : memref<10x128xi32, #tpu.memory_space<vmem>>, vector<1x16xi32>,
    %get3A_381 = vector.shape_cast %get3A_380 : vector<1x16xi32> to vector<16xi32>
    %add3A_382 = arith.addi %get3A_381, %broadcast_in_dim3A : vector<16xi32>
    %swap3A_383 = arith.constant 3 : i32
    %swap3A_384 = arith.index_cast %swap3A_383 : i32 to index
    %swap3A_385 = arith.constant 112 : index
    %swap3A_386 = tpu.vector_load %arg11[%swap3A_384, %swap3A_385] {strides = array<i32>} : memref<10x128xi32, #tpu.memory_space<vmem>>, vector<1x16xi32>,
    %swap3A_387 = vector.shape_cast %swap3A_386 : vector<1x16xi32> to vector<16xi32>
    %swap3A_388 = vector.shape_cast %add3A_382 : vector<16xi32> to vector<1x16xi32>
    tpu.vector_store %arg11[%swap3A_384, %swap3A_385], %swap3A_388 {strides = array<i32>} : memref<10x128xi32, #tpu.memory_space<vmem>>, vector<1x16xi32>,
    %get3A_389 = arith.constant 4 : i32
    %get3A_390 = arith.index_cast %get3A_389 : i32 to index
    %get3A_391 = arith.constant 0 : index
    %get3A_392 = tpu.vector_load %arg11[%get3A_390, %get3A_391] {strides = array<i32>} : memref<10x128xi32, #tpu.memory_space<vmem>>, vector<1x16xi32>,
    %get3A_393 = vector.shape_cast %get3A_392 : vector<1x16xi32> to vector<16xi32>
    %add3A_394 = arith.addi %get3A_393, %broadcast_in_dim3A : vector<16xi32>
    %swap3A_395 = arith.constant 4 : i32
    %swap3A_396 = arith.index_cast %swap3A_395 : i32 to index
    %swap3A_397 = arith.constant 0 : index
    %swap3A_398 = tpu.vector_load %arg11[%swap3A_396, %swap3A_397] {strides = array<i32>} : memref<10x128xi32, #tpu.memory_space<vmem>>, vector<1x16xi32>,
    %swap3A_399 = vector.shape_cast %swap3A_398 : vector<1x16xi32> to vector<16xi32>
    %swap3A_400 = vector.shape_cast %add3A_394 : vector<16xi32> to vector<1x16xi32>
    tpu.vector_store %arg11[%swap3A_396, %swap3A_397], %swap3A_400 {strides = array<i32>} : memref<10x128xi32, #tpu.memory_space<vmem>>, vector<1x16xi32>,
    %get3A_401 = arith.constant 4 : i32
    %get3A_402 = arith.index_cast %get3A_401 : i32 to index
    %get3A_403 = arith.constant 16 : index
    %get3A_404 = tpu.vector_load %arg11[%get3A_402, %get3A_403] {strides = array<i32>} : memref<10x128xi32, #tpu.memory_space<vmem>>, vector<1x16xi32>,
    %get3A_405 = vector.shape_cast %get3A_404 : vector<1x16xi32> to vector<16xi32>
    %add3A_406 = arith.addi %get3A_405, %broadcast_in_dim3A : vector<16xi32>
    %swap3A_407 = arith.constant 4 : i32
    %swap3A_408 = arith.index_cast %swap3A_407 : i32 to index
    %swap3A_409 = arith.constant 16 : index
    %swap3A_410 = tpu.vector_load %arg11[%swap3A_408, %swap3A_409] {strides = array<i32>} : memref<10x128xi32, #tpu.memory_space<vmem>>, vector<1x16xi32>,
    %swap3A_411 = vector.shape_cast %swap3A_410 : vector<1x16xi32> to vector<16xi32>
    %swap3A_412 = vector.shape_cast %add3A_406 : vector<16xi32> to vector<1x16xi32>
    tpu.vector_store %arg11[%swap3A_408, %swap3A_409], %swap3A_412 {strides = array<i32>} : memref<10x128xi32, #tpu.memory_space<vmem>>, vector<1x16xi32>,
    %get3A_413 = arith.constant 4 : i32
    %get3A_414 = arith.index_cast %get3A_413 : i32 to index
    %get3A_415 = arith.constant 32 : index
    %get3A_416 = tpu.vector_load %arg11[%get3A_414, %get3A_415] {strides = array<i32>} : memref<10x128xi32, #tpu.memory_space<vmem>>, vector<1x16xi32>,
    %get3A_417 = vector.shape_cast %get3A_416 : vector<1x16xi32> to vector<16xi32>
    %add3A_418 = arith.addi %get3A_417, %broadcast_in_dim3A : vector<16xi32>
    %swap3A_419 = arith.constant 4 : i32
    %swap3A_420 = arith.index_cast %swap3A_419 : i32 to index
    %swap3A_421 = arith.constant 32 : index
    %swap3A_422 = tpu.vector_load %arg11[%swap3A_420, %swap3A_421] {strides = array<i32>} : memref<10x128xi32, #tpu.memory_space<vmem>>, vector<1x16xi32>,
    %swap3A_423 = vector.shape_cast %swap3A_422 : vector<1x16xi32> to vector<16xi32>
    %swap3A_424 = vector.shape_cast %add3A_418 : vector<16xi32> to vector<1x16xi32>
    tpu.vector_store %arg11[%swap3A_420, %swap3A_421], %swap3A_424 {strides = array<i32>} : memref<10x128xi32, #tpu.memory_space<vmem>>, vector<1x16xi32>,
    %get3A_425 = arith.constant 4 : i32
    %get3A_426 = arith.index_cast %get3A_425 : i32 to index
    %get3A_427 = arith.constant 48 : index
    %get3A_428 = tpu.vector_load %arg11[%get3A_426, %get3A_427] {strides = array<i32>} : memref<10x128xi32, #tpu.memory_space<vmem>>, vector<1x16xi32>,
    %get3A_429 = vector.shape_cast %get3A_428 : vector<1x16xi32> to vector<16xi32>
    %add3A_430 = arith.addi %get3A_429, %broadcast_in_dim3A : vector<16xi32>
    %swap3A_431 = arith.constant 4 : i32
    %swap3A_432 = arith.index_cast %swap3A_431 : i32 to index
    %swap3A_433 = arith.constant 48 : index
    %swap3A_434 = tpu.vector_load %arg11[%swap3A_432, %swap3A_433] {strides = array<i32>} : memref<10x128xi32, #tpu.memory_space<vmem>>, vector<1x16xi32>,
    %swap3A_435 = vector.shape_cast %swap3A_434 : vector<1x16xi32> to vector<16xi32>
    %swap3A_436 = vector.shape_cast %add3A_430 : vector<16xi32> to vector<1x16xi32>
    tpu.vector_store %arg11[%swap3A_432, %swap3A_433], %swap3A_436 {strides = array<i32>} : memref<10x128xi32, #tpu.memory_space<vmem>>, vector<1x16xi32>,
    %get3A_437 = arith.constant 4 : i32
    %get3A_438 = arith.index_cast %get3A_437 : i32 to index
    %get3A_439 = arith.constant 64 : index
    %get3A_440 = tpu.vector_load %arg11[%get3A_438, %get3A_439] {strides = array<i32>} : memref<10x128xi32, #tpu.memory_space<vmem>>, vector<1x16xi32>,
    %get3A_441 = vector.shape_cast %get3A_440 : vector<1x16xi32> to vector<16xi32>
    %add3A_442 = arith.addi %get3A_441, %broadcast_in_dim3A : vector<16xi32>
    %swap3A_443 = arith.constant 4 : i32
    %swap3A_444 = arith.index_cast %swap3A_443 : i32 to index
    %swap3A_445 = arith.constant 64 : index
    %swap3A_446 = tpu.vector_load %arg11[%swap3A_444, %swap3A_445] {strides = array<i32>} : memref<10x128xi32, #tpu.memory_space<vmem>>, vector<1x16xi32>,
    %swap3A_447 = vector.shape_cast %swap3A_446 : vector<1x16xi32> to vector<16xi32>
    %swap3A_448 = vector.shape_cast %add3A_442 : vector<16xi32> to vector<1x16xi32>
    tpu.vector_store %arg11[%swap3A_444, %swap3A_445], %swap3A_448 {strides = array<i32>} : memref<10x128xi32, #tpu.memory_space<vmem>>, vector<1x16xi32>,
    %get3A_449 = arith.constant 4 : i32
    %get3A_450 = arith.index_cast %get3A_449 : i32 to index
    %get3A_451 = arith.constant 80 : index
    %get3A_452 = tpu.vector_load %arg11[%get3A_450, %get3A_451] {strides = array<i32>} : memref<10x128xi32, #tpu.memory_space<vmem>>, vector<1x16xi32>,
    %get3A_453 = vector.shape_cast %get3A_452 : vector<1x16xi32> to vector<16xi32>
    %add3A_454 = arith.addi %get3A_453, %broadcast_in_dim3A : vector<16xi32>
    %swap3A_455 = arith.constant 4 : i32
    %swap3A_456 = arith.index_cast %swap3A_455 : i32 to index
    %swap3A_457 = arith.constant 80 : index
    %swap3A_458 = tpu.vector_load %arg11[%swap3A_456, %swap3A_457] {strides = array<i32>} : memref<10x128xi32, #tpu.memory_space<vmem>>, vector<1x16xi32>,
    %swap3A_459 = vector.shape_cast %swap3A_458 : vector<1x16xi32> to vector<16xi32>
    %swap3A_460 = vector.shape_cast %add3A_454 : vector<16xi32> to vector<1x16xi32>
    tpu.vector_store %arg11[%swap3A_456, %swap3A_457], %swap3A_460 {strides = array<i32>} : memref<10x128xi32, #tpu.memory_space<vmem>>, vector<1x16xi32>,
    %get3A_461 = arith.constant 4 : i32
    %get3A_462 = arith.index_cast %get3A_461 : i32 to index
    %get3A_463 = arith.constant 96 : index
    %get3A_464 = tpu.vector_load %arg11[%get3A_462, %get3A_463] {strides = array<i32>} : memref<10x128xi32, #tpu.memory_space<vmem>>, vector<1x16xi32>,
    %get3A_465 = vector.shape_cast %get3A_464 : vector<1x16xi32> to vector<16xi32>
    %add3A_466 = arith.addi %get3A_465, %broadcast_in_dim3A : vector<16xi32>
    %swap3A_467 = arith.constant 4 : i32
    %swap3A_468 = arith.index_cast %swap3A_467 : i32 to index
    %swap3A_469 = arith.constant 96 : index
    %swap3A_470 = tpu.vector_load %arg11[%swap3A_468, %swap3A_469] {strides = array<i32>} : memref<10x128xi32, #tpu.memory_space<vmem>>, vector<1x16xi32>,
    %swap3A_471 = vector.shape_cast %swap3A_470 : vector<1x16xi32> to vector<16xi32>
    %swap3A_472 = vector.shape_cast %add3A_466 : vector<16xi32> to vector<1x16xi32>
    tpu.vector_store %arg11[%swap3A_468, %swap3A_469], %swap3A_472 {strides = array<i32>} : memref<10x128xi32, #tpu.memory_space<vmem>>, vector<1x16xi32>,
    %get3A_473 = arith.constant 4 : i32
    %get3A_474 = arith.index_cast %get3A_473 : i32 to index
    %get3A_475 = arith.constant 112 : index
    %get3A_476 = tpu.vector_load %arg11[%get3A_474, %get3A_475] {strides = array<i32>} : memref<10x128xi32, #tpu.memory_space<vmem>>, vector<1x16xi32>,
    %get3A_477 = vector.shape_cast %get3A_476 : vector<1x16xi32> to vector<16xi32>
    %add3A_478 = arith.addi %get3A_477, %broadcast_in_dim3A : vector<16xi32>
    %swap3A_479 = arith.constant 4 : i32
    %swap3A_480 = arith.index_cast %swap3A_479 : i32 to index
    %swap3A_481 = arith.constant 112 : index
    %swap3A_482 = tpu.vector_load %arg11[%swap3A_480, %swap3A_481] {strides = array<i32>} : memref<10x128xi32, #tpu.memory_space<vmem>>, vector<1x16xi32>,
    %swap3A_483 = vector.shape_cast %swap3A_482 : vector<1x16xi32> to vector<16xi32>
    %swap3A_484 = vector.shape_cast %add3A_478 : vector<16xi32> to vector<1x16xi32>
    tpu.vector_store %arg11[%swap3A_480, %swap3A_481], %swap3A_484 {strides = array<i32>} : memref<10x128xi32, #tpu.memory_space<vmem>>, vector<1x16xi32>,
    %get3A_485 = arith.constant 5 : i32
    %get3A_486 = arith.index_cast %get3A_485 : i32 to index
    %get3A_487 = arith.constant 0 : index
    %get3A_488 = tpu.vector_load %arg11[%get3A_486, %get3A_487] {strides = array<i32>} : memref<10x128xi32, #tpu.memory_space<vmem>>, vector<1x16xi32>,
    %get3A_489 = vector.shape_cast %get3A_488 : vector<1x16xi32> to vector<16xi32>
    %add3A_490 = arith.addi %get3A_489, %broadcast_in_dim3A : vector<16xi32>
    %swap3A_491 = arith.constant 5 : i32
    %swap3A_492 = arith.index_cast %swap3A_491 : i32 to index
    %swap3A_493 = arith.constant 0 : index
    %swap3A_494 = tpu.vector_load %arg11[%swap3A_492, %swap3A_493] {strides = array<i32>} : memref<10x128xi32, #tpu.memory_space<vmem>>, vector<1x16xi32>,
    %swap3A_495 = vector.shape_cast %swap3A_494 : vector<1x16xi32> to vector<16xi32>
    %swap3A_496 = vector.shape_cast %add3A_490 : vector<16xi32> to vector<1x16xi32>
    tpu.vector_store %arg11[%swap3A_492, %swap3A_493], %swap3A_496 {strides = array<i32>} : memref<10x128xi32, #tpu.memory_space<vmem>>, vector<1x16xi32>,
    %get3A_497 = arith.constant 5 : i32
    %get3A_498 = arith.index_cast %get3A_497 : i32 to index
    %get3A_499 = arith.constant 16 : index
    %get3A_500 = tpu.vector_load %arg11[%get3A_498, %get3A_499] {strides = array<i32>} : memref<10x128xi32, #tpu.memory_space<vmem>>, vector<1x16xi32>,
    %get3A_501 = vector.shape_cast %get3A_500 : vector<1x16xi32> to vector<16xi32>
    %add3A_502 = arith.addi %get3A_501, %broadcast_in_dim3A : vector<16xi32>
    %swap3A_503 = arith.constant 5 : i32
    %swap3A_504 = arith.index_cast %swap3A_503 : i32 to index
    %swap3A_505 = arith.constant 16 : index
    %swap3A_506 = tpu.vector_load %arg11[%swap3A_504, %swap3A_505] {strides = array<i32>} : memref<10x128xi32, #tpu.memory_space<vmem>>, vector<1x16xi32>,
    %swap3A_507 = vector.shape_cast %swap3A_506 : vector<1x16xi32> to vector<16xi32>
    %swap3A_508 = vector.shape_cast %add3A_502 : vector<16xi32> to vector<1x16xi32>
    tpu.vector_store %arg11[%swap3A_504, %swap3A_505], %swap3A_508 {strides = array<i32>} : memref<10x128xi32, #tpu.memory_space<vmem>>, vector<1x16xi32>,
    %get3A_509 = arith.constant 5 : i32
    %get3A_510 = arith.index_cast %get3A_509 : i32 to index
    %get3A_511 = arith.constant 32 : index
    %get3A_512 = tpu.vector_load %arg11[%get3A_510, %get3A_511] {strides = array<i32>} : memref<10x128xi32, #tpu.memory_space<vmem>>, vector<1x16xi32>,
    %get3A_513 = vector.shape_cast %get3A_512 : vector<1x16xi32> to vector<16xi32>
    %add3A_514 = arith.addi %get3A_513, %broadcast_in_dim3A : vector<16xi32>
    %swap3A_515 = arith.constant 5 : i32
    %swap3A_516 = arith.index_cast %swap3A_515 : i32 to index
    %swap3A_517 = arith.constant 32 : index
    %swap3A_518 = tpu.vector_load %arg11[%swap3A_516, %swap3A_517] {strides = array<i32>} : memref<10x128xi32, #tpu.memory_space<vmem>>, vector<1x16xi32>,
    %swap3A_519 = vector.shape_cast %swap3A_518 : vector<1x16xi32> to vector<16xi32>
    %swap3A_520 = vector.shape_cast %add3A_514 : vector<16xi32> to vector<1x16xi32>
    tpu.vector_store %arg11[%swap3A_516, %swap3A_517], %swap3A_520 {strides = array<i32>} : memref<10x128xi32, #tpu.memory_space<vmem>>, vector<1x16xi32>,
    %get3A_521 = arith.constant 5 : i32
    %get3A_522 = arith.index_cast %get3A_521 : i32 to index
    %get3A_523 = arith.constant 48 : index
    %get3A_524 = tpu.vector_load %arg11[%get3A_522, %get3A_523] {strides = array<i32>} : memref<10x128xi32, #tpu.memory_space<vmem>>, vector<1x16xi32>,
    %get3A_525 = vector.shape_cast %get3A_524 : vector<1x16xi32> to vector<16xi32>
    %add3A_526 = arith.addi %get3A_525, %broadcast_in_dim3A : vector<16xi32>
    %swap3A_527 = arith.constant 5 : i32
    %swap3A_528 = arith.index_cast %swap3A_527 : i32 to index
    %swap3A_529 = arith.constant 48 : index
    %swap3A_530 = tpu.vector_load %arg11[%swap3A_528, %swap3A_529] {strides = array<i32>} : memref<10x128xi32, #tpu.memory_space<vmem>>, vector<1x16xi32>,
    %swap3A_531 = vector.shape_cast %swap3A_530 : vector<1x16xi32> to vector<16xi32>
    %swap3A_532 = vector.shape_cast %add3A_526 : vector<16xi32> to vector<1x16xi32>
    tpu.vector_store %arg11[%swap3A_528, %swap3A_529], %swap3A_532 {strides = array<i32>} : memref<10x128xi32, #tpu.memory_space<vmem>>, vector<1x16xi32>,
    %get3A_533 = arith.constant 5 : i32
    %get3A_534 = arith.index_cast %get3A_533 : i32 to index
    %get3A_535 = arith.constant 64 : index
    %get3A_536 = tpu.vector_load %arg11[%get3A_534, %get3A_535] {strides = array<i32>} : memref<10x128xi32, #tpu.memory_space<vmem>>, vector<1x16xi32>,
    %get3A_537 = vector.shape_cast %get3A_536 : vector<1x16xi32> to vector<16xi32>
    %add3A_538 = arith.addi %get3A_537, %broadcast_in_dim3A : vector<16xi32>
    %swap3A_539 = arith.constant 5 : i32
    %swap3A_540 = arith.index_cast %swap3A_539 : i32 to index
    %swap3A_541 = arith.constant 64 : index
    %swap3A_542 = tpu.vector_load %arg11[%swap3A_540, %swap3A_541] {strides = array<i32>} : memref<10x128xi32, #tpu.memory_space<vmem>>, vector<1x16xi32>,
    %swap3A_543 = vector.shape_cast %swap3A_542 : vector<1x16xi32> to vector<16xi32>
    %swap3A_544 = vector.shape_cast %add3A_538 : vector<16xi32> to vector<1x16xi32>
    tpu.vector_store %arg11[%swap3A_540, %swap3A_541], %swap3A_544 {strides = array<i32>} : memref<10x128xi32, #tpu.memory_space<vmem>>, vector<1x16xi32>,
    %get3A_545 = arith.constant 5 : i32
    %get3A_546 = arith.index_cast %get3A_545 : i32 to index
    %get3A_547 = arith.constant 80 : index
    %get3A_548 = tpu.vector_load %arg11[%get3A_546, %get3A_547] {strides = array<i32>} : memref<10x128xi32, #tpu.memory_space<vmem>>, vector<1x16xi32>,
    %get3A_549 = vector.shape_cast %get3A_548 : vector<1x16xi32> to vector<16xi32>
    %add3A_550 = arith.addi %get3A_549, %broadcast_in_dim3A : vector<16xi32>
    %swap3A_551 = arith.constant 5 : i32
    %swap3A_552 = arith.index_cast %swap3A_551 : i32 to index
    %swap3A_553 = arith.constant 80 : index
    %swap3A_554 = tpu.vector_load %arg11[%swap3A_552, %swap3A_553] {strides = array<i32>} : memref<10x128xi32, #tpu.memory_space<vmem>>, vector<1x16xi32>,
    %swap3A_555 = vector.shape_cast %swap3A_554 : vector<1x16xi32> to vector<16xi32>
    %swap3A_556 = vector.shape_cast %add3A_550 : vector<16xi32> to vector<1x16xi32>
    tpu.vector_store %arg11[%swap3A_552, %swap3A_553], %swap3A_556 {strides = array<i32>} : memref<10x128xi32, #tpu.memory_space<vmem>>, vector<1x16xi32>,
    %get3A_557 = arith.constant 5 : i32
    %get3A_558 = arith.index_cast %get3A_557 : i32 to index
    %get3A_559 = arith.constant 96 : index
    %get3A_560 = tpu.vector_load %arg11[%get3A_558, %get3A_559] {strides = array<i32>} : memref<10x128xi32, #tpu.memory_space<vmem>>, vector<1x16xi32>,
    %get3A_561 = vector.shape_cast %get3A_560 : vector<1x16xi32> to vector<16xi32>
    %add3A_562 = arith.addi %get3A_561, %broadcast_in_dim3A : vector<16xi32>
    %swap3A_563 = arith.constant 5 : i32
    %swap3A_564 = arith.index_cast %swap3A_563 : i32 to index
    %swap3A_565 = arith.constant 96 : index
    %swap3A_566 = tpu.vector_load %arg11[%swap3A_564, %swap3A_565] {strides = array<i32>} : memref<10x128xi32, #tpu.memory_space<vmem>>, vector<1x16xi32>,
    %swap3A_567 = vector.shape_cast %swap3A_566 : vector<1x16xi32> to vector<16xi32>
    %swap3A_568 = vector.shape_cast %add3A_562 : vector<16xi32> to vector<1x16xi32>
    tpu.vector_store %arg11[%swap3A_564, %swap3A_565], %swap3A_568 {strides = array<i32>} : memref<10x128xi32, #tpu.memory_space<vmem>>, vector<1x16xi32>,
    %get3A_569 = arith.constant 5 : i32
    %get3A_570 = arith.index_cast %get3A_569 : i32 to index
    %get3A_571 = arith.constant 112 : index
    %get3A_572 = tpu.vector_load %arg11[%get3A_570, %get3A_571] {strides = array<i32>} : memref<10x128xi32, #tpu.memory_space<vmem>>, vector<1x16xi32>,
    %get3A_573 = vector.shape_cast %get3A_572 : vector<1x16xi32> to vector<16xi32>
    %add3A_574 = arith.addi %get3A_573, %broadcast_in_dim3A : vector<16xi32>
    %swap3A_575 = arith.constant 5 : i32
    %swap3A_576 = arith.index_cast %swap3A_575 : i32 to index
    %swap3A_577 = arith.constant 112 : index
    %swap3A_578 = tpu.vector_load %arg11[%swap3A_576, %swap3A_577] {strides = array<i32>} : memref<10x128xi32, #tpu.memory_space<vmem>>, vector<1x16xi32>,
    %swap3A_579 = vector.shape_cast %swap3A_578 : vector<1x16xi32> to vector<16xi32>
    %swap3A_580 = vector.shape_cast %add3A_574 : vector<16xi32> to vector<1x16xi32>
    tpu.vector_store %arg11[%swap3A_576, %swap3A_577], %swap3A_580 {strides = array<i32>} : memref<10x128xi32, #tpu.memory_space<vmem>>, vector<1x16xi32>,
    %get3A_581 = arith.constant 6 : i32
    %get3A_582 = arith.index_cast %get3A_581 : i32 to index
    %get3A_583 = arith.constant 0 : index
    %get3A_584 = tpu.vector_load %arg11[%get3A_582, %get3A_583] {strides = array<i32>} : memref<10x128xi32, #tpu.memory_space<vmem>>, vector<1x16xi32>,
    %get3A_585 = vector.shape_cast %get3A_584 : vector<1x16xi32> to vector<16xi32>
    %add3A_586 = arith.addi %get3A_585, %broadcast_in_dim3A : vector<16xi32>
    %swap3A_587 = arith.constant 6 : i32
    %swap3A_588 = arith.index_cast %swap3A_587 : i32 to index
    %swap3A_589 = arith.constant 0 : index
    %swap3A_590 = tpu.vector_load %arg11[%swap3A_588, %swap3A_589] {strides = array<i32>} : memref<10x128xi32, #tpu.memory_space<vmem>>, vector<1x16xi32>,
    %swap3A_591 = vector.shape_cast %swap3A_590 : vector<1x16xi32> to vector<16xi32>
    %swap3A_592 = vector.shape_cast %add3A_586 : vector<16xi32> to vector<1x16xi32>
    tpu.vector_store %arg11[%swap3A_588, %swap3A_589], %swap3A_592 {strides = array<i32>} : memref<10x128xi32, #tpu.memory_space<vmem>>, vector<1x16xi32>,
    %get3A_593 = arith.constant 6 : i32
    %get3A_594 = arith.index_cast %get3A_593 : i32 to index
    %get3A_595 = arith.constant 16 : index
    %get3A_596 = tpu.vector_load %arg11[%get3A_594, %get3A_595] {strides = array<i32>} : memref<10x128xi32, #tpu.memory_space<vmem>>, vector<1x16xi32>,
    %get3A_597 = vector.shape_cast %get3A_596 : vector<1x16xi32> to vector<16xi32>
    %add3A_598 = arith.addi %get3A_597, %broadcast_in_dim3A : vector<16xi32>
    %swap3A_599 = arith.constant 6 : i32
    %swap3A_600 = arith.index_cast %swap3A_599 : i32 to index
    %swap3A_601 = arith.constant 16 : index
    %swap3A_602 = tpu.vector_load %arg11[%swap3A_600, %swap3A_601] {strides = array<i32>} : memref<10x128xi32, #tpu.memory_space<vmem>>, vector<1x16xi32>,
    %swap3A_603 = vector.shape_cast %swap3A_602 : vector<1x16xi32> to vector<16xi32>
    %swap3A_604 = vector.shape_cast %add3A_598 : vector<16xi32> to vector<1x16xi32>
    tpu.vector_store %arg11[%swap3A_600, %swap3A_601], %swap3A_604 {strides = array<i32>} : memref<10x128xi32, #tpu.memory_space<vmem>>, vector<1x16xi32>,
    %get3A_605 = arith.constant 6 : i32
    %get3A_606 = arith.index_cast %get3A_605 : i32 to index
    %get3A_607 = arith.constant 32 : index
    %get3A_608 = tpu.vector_load %arg11[%get3A_606, %get3A_607] {strides = array<i32>} : memref<10x128xi32, #tpu.memory_space<vmem>>, vector<1x16xi32>,
    %get3A_609 = vector.shape_cast %get3A_608 : vector<1x16xi32> to vector<16xi32>
    %add3A_610 = arith.addi %get3A_609, %broadcast_in_dim3A : vector<16xi32>
    %swap3A_611 = arith.constant 6 : i32
    %swap3A_612 = arith.index_cast %swap3A_611 : i32 to index
    %swap3A_613 = arith.constant 32 : index
    %swap3A_614 = tpu.vector_load %arg11[%swap3A_612, %swap3A_613] {strides = array<i32>} : memref<10x128xi32, #tpu.memory_space<vmem>>, vector<1x16xi32>,
    %swap3A_615 = vector.shape_cast %swap3A_614 : vector<1x16xi32> to vector<16xi32>
    %swap3A_616 = vector.shape_cast %add3A_610 : vector<16xi32> to vector<1x16xi32>
    tpu.vector_store %arg11[%swap3A_612, %swap3A_613], %swap3A_616 {strides = array<i32>} : memref<10x128xi32, #tpu.memory_space<vmem>>, vector<1x16xi32>,
    %get3A_617 = arith.constant 6 : i32
    %get3A_618 = arith.index_cast %get3A_617 : i32 to index
    %get3A_619 = arith.constant 48 : index
    %get3A_620 = tpu.vector_load %arg11[%get3A_618, %get3A_619] {strides = array<i32>} : memref<10x128xi32, #tpu.memory_space<vmem>>, vector<1x16xi32>,
    %get3A_621 = vector.shape_cast %get3A_620 : vector<1x16xi32> to vector<16xi32>
    %add3A_622 = arith.addi %get3A_621, %broadcast_in_dim3A : vector<16xi32>
    %swap3A_623 = arith.constant 6 : i32
    %swap3A_624 = arith.index_cast %swap3A_623 : i32 to index
    %swap3A_625 = arith.constant 48 : index
    %swap3A_626 = tpu.vector_load %arg11[%swap3A_624, %swap3A_625] {strides = array<i32>} : memref<10x128xi32, #tpu.memory_space<vmem>>, vector<1x16xi32>,
    %swap3A_627 = vector.shape_cast %swap3A_626 : vector<1x16xi32> to vector<16xi32>
    %swap3A_628 = vector.shape_cast %add3A_622 : vector<16xi32> to vector<1x16xi32>
    tpu.vector_store %arg11[%swap3A_624, %swap3A_625], %swap3A_628 {strides = array<i32>} : memref<10x128xi32, #tpu.memory_space<vmem>>, vector<1x16xi32>,
    %get3A_629 = arith.constant 6 : i32
    %get3A_630 = arith.index_cast %get3A_629 : i32 to index
    %get3A_631 = arith.constant 64 : index
    %get3A_632 = tpu.vector_load %arg11[%get3A_630, %get3A_631] {strides = array<i32>} : memref<10x128xi32, #tpu.memory_space<vmem>>, vector<1x16xi32>,
    %get3A_633 = vector.shape_cast %get3A_632 : vector<1x16xi32> to vector<16xi32>
    %add3A_634 = arith.addi %get3A_633, %broadcast_in_dim3A : vector<16xi32>
    %swap3A_635 = arith.constant 6 : i32
    %swap3A_636 = arith.index_cast %swap3A_635 : i32 to index
    %swap3A_637 = arith.constant 64 : index
    %swap3A_638 = tpu.vector_load %arg11[%swap3A_636, %swap3A_637] {strides = array<i32>} : memref<10x128xi32, #tpu.memory_space<vmem>>, vector<1x16xi32>,
    %swap3A_639 = vector.shape_cast %swap3A_638 : vector<1x16xi32> to vector<16xi32>
    %swap3A_640 = vector.shape_cast %add3A_634 : vector<16xi32> to vector<1x16xi32>
    tpu.vector_store %arg11[%swap3A_636, %swap3A_637], %swap3A_640 {strides = array<i32>} : memref<10x128xi32, #tpu.memory_space<vmem>>, vector<1x16xi32>,
    %get3A_641 = arith.constant 6 : i32
    %get3A_642 = arith.index_cast %get3A_641 : i32 to index
    %get3A_643 = arith.constant 80 : index
    %get3A_644 = tpu.vector_load %arg11[%get3A_642, %get3A_643] {strides = array<i32>} : memref<10x128xi32, #tpu.memory_space<vmem>>, vector<1x16xi32>,
    %get3A_645 = vector.shape_cast %get3A_644 : vector<1x16xi32> to vector<16xi32>
    %add3A_646 = arith.addi %get3A_645, %broadcast_in_dim3A : vector<16xi32>
    %swap3A_647 = arith.constant 6 : i32
    %swap3A_648 = arith.index_cast %swap3A_647 : i32 to index
    %swap3A_649 = arith.constant 80 : index
    %swap3A_650 = tpu.vector_load %arg11[%swap3A_648, %swap3A_649] {strides = array<i32>} : memref<10x128xi32, #tpu.memory_space<vmem>>, vector<1x16xi32>,
    %swap3A_651 = vector.shape_cast %swap3A_650 : vector<1x16xi32> to vector<16xi32>
    %swap3A_652 = vector.shape_cast %add3A_646 : vector<16xi32> to vector<1x16xi32>
    tpu.vector_store %arg11[%swap3A_648, %swap3A_649], %swap3A_652 {strides = array<i32>} : memref<10x128xi32, #tpu.memory_space<vmem>>, vector<1x16xi32>,
    %get3A_653 = arith.constant 6 : i32
    %get3A_654 = arith.index_cast %get3A_653 : i32 to index
    %get3A_655 = arith.constant 96 : index
    %get3A_656 = tpu.vector_load %arg11[%get3A_654, %get3A_655] {strides = array<i32>} : memref<10x128xi32, #tpu.memory_space<vmem>>, vector<1x16xi32>,
    %get3A_657 = vector.shape_cast %get3A_656 : vector<1x16xi32> to vector<16xi32>
    %add3A_658 = arith.addi %get3A_657, %broadcast_in_dim3A : vector<16xi32>
    %swap3A_659 = arith.constant 6 : i32
    %swap3A_660 = arith.index_cast %swap3A_659 : i32 to index
    %swap3A_661 = arith.constant 96 : index
    %swap3A_662 = tpu.vector_load %arg11[%swap3A_660, %swap3A_661] {strides = array<i32>} : memref<10x128xi32, #tpu.memory_space<vmem>>, vector<1x16xi32>,
    %swap3A_663 = vector.shape_cast %swap3A_662 : vector<1x16xi32> to vector<16xi32>
    %swap3A_664 = vector.shape_cast %add3A_658 : vector<16xi32> to vector<1x16xi32>
    tpu.vector_store %arg11[%swap3A_660, %swap3A_661], %swap3A_664 {strides = array<i32>} : memref<10x128xi32, #tpu.memory_space<vmem>>, vector<1x16xi32>,
    %get3A_665 = arith.constant 6 : i32
    %get3A_666 = arith.index_cast %get3A_665 : i32 to index
    %get3A_667 = arith.constant 112 : index
    %get3A_668 = tpu.vector_load %arg11[%get3A_666, %get3A_667] {strides = array<i32>} : memref<10x128xi32, #tpu.memory_space<vmem>>, vector<1x16xi32>,
    %get3A_669 = vector.shape_cast %get3A_668 : vector<1x16xi32> to vector<16xi32>
    %add3A_670 = arith.addi %get3A_669, %broadcast_in_dim3A : vector<16xi32>
    %swap3A_671 = arith.constant 6 : i32
    %swap3A_672 = arith.index_cast %swap3A_671 : i32 to index
    %swap3A_673 = arith.constant 112 : index
    %swap3A_674 = tpu.vector_load %arg11[%swap3A_672, %swap3A_673] {strides = array<i32>} : memref<10x128xi32, #tpu.memory_space<vmem>>, vector<1x16xi32>,
    %swap3A_675 = vector.shape_cast %swap3A_674 : vector<1x16xi32> to vector<16xi32>
    %swap3A_676 = vector.shape_cast %add3A_670 : vector<16xi32> to vector<1x16xi32>
    tpu.vector_store %arg11[%swap3A_672, %swap3A_673], %swap3A_676 {strides = array<i32>} : memref<10x128xi32, #tpu.memory_space<vmem>>, vector<1x16xi32>,
    %get3A_677 = arith.constant 7 : i32
    %get3A_678 = arith.index_cast %get3A_677 : i32 to index
    %get3A_679 = arith.constant 0 : index
    %get3A_680 = tpu.vector_load %arg11[%get3A_678, %get3A_679] {strides = array<i32>} : memref<10x128xi32, #tpu.memory_space<vmem>>, vector<1x16xi32>,
    %get3A_681 = vector.shape_cast %get3A_680 : vector<1x16xi32> to vector<16xi32>
    %add3A_682 = arith.addi %get3A_681, %broadcast_in_dim3A : vector<16xi32>
    %swap3A_683 = arith.constant 7 : i32
    %swap3A_684 = arith.index_cast %swap3A_683 : i32 to index
    %swap3A_685 = arith.constant 0 : index
    %swap3A_686 = tpu.vector_load %arg11[%swap3A_684, %swap3A_685] {strides = array<i32>} : memref<10x128xi32, #tpu.memory_space<vmem>>, vector<1x16xi32>,
    %swap3A_687 = vector.shape_cast %swap3A_686 : vector<1x16xi32> to vector<16xi32>
    %swap3A_688 = vector.shape_cast %add3A_682 : vector<16xi32> to vector<1x16xi32>
    tpu.vector_store %arg11[%swap3A_684, %swap3A_685], %swap3A_688 {strides = array<i32>} : memref<10x128xi32, #tpu.memory_space<vmem>>, vector<1x16xi32>,
    %get3A_689 = arith.constant 7 : i32
    %get3A_690 = arith.index_cast %get3A_689 : i32 to index
    %get3A_691 = arith.constant 16 : index
    %get3A_692 = tpu.vector_load %arg11[%get3A_690, %get3A_691] {strides = array<i32>} : memref<10x128xi32, #tpu.memory_space<vmem>>, vector<1x16xi32>,
    %get3A_693 = vector.shape_cast %get3A_692 : vector<1x16xi32> to vector<16xi32>
    %add3A_694 = arith.addi %get3A_693, %broadcast_in_dim3A : vector<16xi32>
    %swap3A_695 = arith.constant 7 : i32
    %swap3A_696 = arith.index_cast %swap3A_695 : i32 to index
    %swap3A_697 = arith.constant 16 : index
    %swap3A_698 = tpu.vector_load %arg11[%swap3A_696, %swap3A_697] {strides = array<i32>} : memref<10x128xi32, #tpu.memory_space<vmem>>, vector<1x16xi32>,
    %swap3A_699 = vector.shape_cast %swap3A_698 : vector<1x16xi32> to vector<16xi32>
    %swap3A_700 = vector.shape_cast %add3A_694 : vector<16xi32> to vector<1x16xi32>
    tpu.vector_store %arg11[%swap3A_696, %swap3A_697], %swap3A_700 {strides = array<i32>} : memref<10x128xi32, #tpu.memory_space<vmem>>, vector<1x16xi32>,
    %get3A_701 = arith.constant 7 : i32
    %get3A_702 = arith.index_cast %get3A_701 : i32 to index
    %get3A_703 = arith.constant 32 : index
    %get3A_704 = tpu.vector_load %arg11[%get3A_702, %get3A_703] {strides = array<i32>} : memref<10x128xi32, #tpu.memory_space<vmem>>, vector<1x16xi32>,
    %get3A_705 = vector.shape_cast %get3A_704 : vector<1x16xi32> to vector<16xi32>
    %add3A_706 = arith.addi %get3A_705, %broadcast_in_dim3A : vector<16xi32>
    %swap3A_707 = arith.constant 7 : i32
    %swap3A_708 = arith.index_cast %swap3A_707 : i32 to index
    %swap3A_709 = arith.constant 32 : index
    %swap3A_710 = tpu.vector_load %arg11[%swap3A_708, %swap3A_709] {strides = array<i32>} : memref<10x128xi32, #tpu.memory_space<vmem>>, vector<1x16xi32>,
    %swap3A_711 = vector.shape_cast %swap3A_710 : vector<1x16xi32> to vector<16xi32>
    %swap3A_712 = vector.shape_cast %add3A_706 : vector<16xi32> to vector<1x16xi32>
    tpu.vector_store %arg11[%swap3A_708, %swap3A_709], %swap3A_712 {strides = array<i32>} : memref<10x128xi32, #tpu.memory_space<vmem>>, vector<1x16xi32>,
    %get3A_713 = arith.constant 7 : i32
    %get3A_714 = arith.index_cast %get3A_713 : i32 to index
    %get3A_715 = arith.constant 48 : index
    %get3A_716 = tpu.vector_load %arg11[%get3A_714, %get3A_715] {strides = array<i32>} : memref<10x128xi32, #tpu.memory_space<vmem>>, vector<1x16xi32>,
    %get3A_717 = vector.shape_cast %get3A_716 : vector<1x16xi32> to vector<16xi32>
    %add3A_718 = arith.addi %get3A_717, %broadcast_in_dim3A : vector<16xi32>
    %swap3A_719 = arith.constant 7 : i32
    %swap3A_720 = arith.index_cast %swap3A_719 : i32 to index
    %swap3A_721 = arith.constant 48 : index
    %swap3A_722 = tpu.vector_load %arg11[%swap3A_720, %swap3A_721] {strides = array<i32>} : memref<10x128xi32, #tpu.memory_space<vmem>>, vector<1x16xi32>,
    %swap3A_723 = vector.shape_cast %swap3A_722 : vector<1x16xi32> to vector<16xi32>
    %swap3A_724 = vector.shape_cast %add3A_718 : vector<16xi32> to vector<1x16xi32>
    tpu.vector_store %arg11[%swap3A_720, %swap3A_721], %swap3A_724 {strides = array<i32>} : memref<10x128xi32, #tpu.memory_space<vmem>>, vector<1x16xi32>,
    %get3A_725 = arith.constant 7 : i32
    %get3A_726 = arith.index_cast %get3A_725 : i32 to index
    %get3A_727 = arith.constant 64 : index
    %get3A_728 = tpu.vector_load %arg11[%get3A_726, %get3A_727] {strides = array<i32>} : memref<10x128xi32, #tpu.memory_space<vmem>>, vector<1x16xi32>,
    %get3A_729 = vector.shape_cast %get3A_728 : vector<1x16xi32> to vector<16xi32>
    %add3A_730 = arith.addi %get3A_729, %broadcast_in_dim3A : vector<16xi32>
    %swap3A_731 = arith.constant 7 : i32
    %swap3A_732 = arith.index_cast %swap3A_731 : i32 to index
    %swap3A_733 = arith.constant 64 : index
    %swap3A_734 = tpu.vector_load %arg11[%swap3A_732, %swap3A_733] {strides = array<i32>} : memref<10x128xi32, #tpu.memory_space<vmem>>, vector<1x16xi32>,
    %swap3A_735 = vector.shape_cast %swap3A_734 : vector<1x16xi32> to vector<16xi32>
    %swap3A_736 = vector.shape_cast %add3A_730 : vector<16xi32> to vector<1x16xi32>
    tpu.vector_store %arg11[%swap3A_732, %swap3A_733], %swap3A_736 {strides = array<i32>} : memref<10x128xi32, #tpu.memory_space<vmem>>, vector<1x16xi32>,
    %get3A_737 = arith.constant 7 : i32
    %get3A_738 = arith.index_cast %get3A_737 : i32 to index
    %get3A_739 = arith.constant 80 : index
    %get3A_740 = tpu.vector_load %arg11[%get3A_738, %get3A_739] {strides = array<i32>} : memref<10x128xi32, #tpu.memory_space<vmem>>, vector<1x16xi32>,
    %get3A_741 = vector.shape_cast %get3A_740 : vector<1x16xi32> to vector<16xi32>
    %add3A_742 = arith.addi %get3A_741, %broadcast_in_dim3A : vector<16xi32>
    %swap3A_743 = arith.constant 7 : i32
    %swap3A_744 = arith.index_cast %swap3A_743 : i32 to index
    %swap3A_745 = arith.constant 80 : index
    %swap3A_746 = tpu.vector_load %arg11[%swap3A_744, %swap3A_745] {strides = array<i32>} : memref<10x128xi32, #tpu.memory_space<vmem>>, vector<1x16xi32>,
    %swap3A_747 = vector.shape_cast %swap3A_746 : vector<1x16xi32> to vector<16xi32>
    %swap3A_748 = vector.shape_cast %add3A_742 : vector<16xi32> to vector<1x16xi32>
    tpu.vector_store %arg11[%swap3A_744, %swap3A_745], %swap3A_748 {strides = array<i32>} : memref<10x128xi32, #tpu.memory_space<vmem>>, vector<1x16xi32>,
    %get3A_749 = arith.constant 7 : i32
    %get3A_750 = arith.index_cast %get3A_749 : i32 to index
    %get3A_751 = arith.constant 96 : index
    %get3A_752 = tpu.vector_load %arg11[%get3A_750, %get3A_751] {strides = array<i32>} : memref<10x128xi32, #tpu.memory_space<vmem>>, vector<1x16xi32>,
    %get3A_753 = vector.shape_cast %get3A_752 : vector<1x16xi32> to vector<16xi32>
    %add3A_754 = arith.addi %get3A_753, %broadcast_in_dim3A : vector<16xi32>
    %swap3A_755 = arith.constant 7 : i32
    %swap3A_756 = arith.index_cast %swap3A_755 : i32 to index
    %swap3A_757 = arith.constant 96 : index
    %swap3A_758 = tpu.vector_load %arg11[%swap3A_756, %swap3A_757] {strides = array<i32>} : memref<10x128xi32, #tpu.memory_space<vmem>>, vector<1x16xi32>,
    %swap3A_759 = vector.shape_cast %swap3A_758 : vector<1x16xi32> to vector<16xi32>
    %swap3A_760 = vector.shape_cast %add3A_754 : vector<16xi32> to vector<1x16xi32>
    tpu.vector_store %arg11[%swap3A_756, %swap3A_757], %swap3A_760 {strides = array<i32>} : memref<10x128xi32, #tpu.memory_space<vmem>>, vector<1x16xi32>,
    %get3A_761 = arith.constant 7 : i32
    %get3A_762 = arith.index_cast %get3A_761 : i32 to index
    %get3A_763 = arith.constant 112 : index
    %get3A_764 = tpu.vector_load %arg11[%get3A_762, %get3A_763] {strides = array<i32>} : memref<10x128xi32, #tpu.memory_space<vmem>>, vector<1x16xi32>,
    %get3A_765 = vector.shape_cast %get3A_764 : vector<1x16xi32> to vector<16xi32>
    %add3A_766 = arith.addi %get3A_765, %broadcast_in_dim3A : vector<16xi32>
    %swap3A_767 = arith.constant 7 : i32
    %swap3A_768 = arith.index_cast %swap3A_767 : i32 to index
    %swap3A_769 = arith.constant 112 : index
    %swap3A_770 = tpu.vector_load %arg11[%swap3A_768, %swap3A_769] {strides = array<i32>} : memref<10x128xi32, #tpu.memory_space<vmem>>, vector<1x16xi32>,
    %swap3A_771 = vector.shape_cast %swap3A_770 : vector<1x16xi32> to vector<16xi32>
    %swap3A_772 = vector.shape_cast %add3A_766 : vector<16xi32> to vector<1x16xi32>
    tpu.vector_store %arg11[%swap3A_768, %swap3A_769], %swap3A_772 {strides = array<i32>} : memref<10x128xi32, #tpu.memory_space<vmem>>, vector<1x16xi32>,
    %get3A_773 = arith.constant 8 : i32
    %get3A_774 = arith.index_cast %get3A_773 : i32 to index
    %get3A_775 = arith.constant 0 : index
    %get3A_776 = tpu.vector_load %arg11[%get3A_774, %get3A_775] {strides = array<i32>} : memref<10x128xi32, #tpu.memory_space<vmem>>, vector<1x16xi32>,
    %get3A_777 = vector.shape_cast %get3A_776 : vector<1x16xi32> to vector<16xi32>
    %add3A_778 = arith.addi %get3A_777, %broadcast_in_dim3A : vector<16xi32>
    %swap3A_779 = arith.constant 8 : i32
    %swap3A_780 = arith.index_cast %swap3A_779 : i32 to index
    %swap3A_781 = arith.constant 0 : index
    %swap3A_782 = tpu.vector_load %arg11[%swap3A_780, %swap3A_781] {strides = array<i32>} : memref<10x128xi32, #tpu.memory_space<vmem>>, vector<1x16xi32>,
    %swap3A_783 = vector.shape_cast %swap3A_782 : vector<1x16xi32> to vector<16xi32>
    %swap3A_784 = vector.shape_cast %add3A_778 : vector<16xi32> to vector<1x16xi32>
    tpu.vector_store %arg11[%swap3A_780, %swap3A_781], %swap3A_784 {strides = array<i32>} : memref<10x128xi32, #tpu.memory_space<vmem>>, vector<1x16xi32>,
    %get3A_785 = arith.constant 8 : i32
    %get3A_786 = arith.index_cast %get3A_785 : i32 to index
    %get3A_787 = arith.constant 16 : index
    %get3A_788 = tpu.vector_load %arg11[%get3A_786, %get3A_787] {strides = array<i32>} : memref<10x128xi32, #tpu.memory_space<vmem>>, vector<1x16xi32>,
    %get3A_789 = vector.shape_cast %get3A_788 : vector<1x16xi32> to vector<16xi32>
    %add3A_790 = arith.addi %get3A_789, %broadcast_in_dim3A : vector<16xi32>
    %swap3A_791 = arith.constant 8 : i32
    %swap3A_792 = arith.index_cast %swap3A_791 : i32 to index
    %swap3A_793 = arith.constant 16 : index
    %swap3A_794 = tpu.vector_load %arg11[%swap3A_792, %swap3A_793] {strides = array<i32>} : memref<10x128xi32, #tpu.memory_space<vmem>>, vector<1x16xi32>,
    %swap3A_795 = vector.shape_cast %swap3A_794 : vector<1x16xi32> to vector<16xi32>
    %swap3A_796 = vector.shape_cast %add3A_790 : vector<16xi32> to vector<1x16xi32>
    tpu.vector_store %arg11[%swap3A_792, %swap3A_793], %swap3A_796 {strides = array<i32>} : memref<10x128xi32, #tpu.memory_space<vmem>>, vector<1x16xi32>,
    %get3A_797 = arith.constant 8 : i32
    %get3A_798 = arith.index_cast %get3A_797 : i32 to index
    %get3A_799 = arith.constant 32 : index
    %get3A_800 = tpu.vector_load %arg11[%get3A_798, %get3A_799] {strides = array<i32>} : memref<10x128xi32, #tpu.memory_space<vmem>>, vector<1x16xi32>,
    %get3A_801 = vector.shape_cast %get3A_800 : vector<1x16xi32> to vector<16xi32>
    %add3A_802 = arith.addi %get3A_801, %broadcast_in_dim3A : vector<16xi32>
    %swap3A_803 = arith.constant 8 : i32
    %swap3A_804 = arith.index_cast %swap3A_803 : i32 to index
    %swap3A_805 = arith.constant 32 : index
    %swap3A_806 = tpu.vector_load %arg11[%swap3A_804, %swap3A_805] {strides = array<i32>} : memref<10x128xi32, #tpu.memory_space<vmem>>, vector<1x16xi32>,
    %swap3A_807 = vector.shape_cast %swap3A_806 : vector<1x16xi32> to vector<16xi32>
    %swap3A_808 = vector.shape_cast %add3A_802 : vector<16xi32> to vector<1x16xi32>
    tpu.vector_store %arg11[%swap3A_804, %swap3A_805], %swap3A_808 {strides = array<i32>} : memref<10x128xi32, #tpu.memory_space<vmem>>, vector<1x16xi32>,
    %get3A_809 = arith.constant 8 : i32
    %get3A_810 = arith.index_cast %get3A_809 : i32 to index
    %get3A_811 = arith.constant 48 : index
    %get3A_812 = tpu.vector_load %arg11[%get3A_810, %get3A_811] {strides = array<i32>} : memref<10x128xi32, #tpu.memory_space<vmem>>, vector<1x16xi32>,
    %get3A_813 = vector.shape_cast %get3A_812 : vector<1x16xi32> to vector<16xi32>
    %add3A_814 = arith.addi %get3A_813, %broadcast_in_dim3A : vector<16xi32>
    %swap3A_815 = arith.constant 8 : i32
    %swap3A_816 = arith.index_cast %swap3A_815 : i32 to index
    %swap3A_817 = arith.constant 48 : index
    %swap3A_818 = tpu.vector_load %arg11[%swap3A_816, %swap3A_817] {strides = array<i32>} : memref<10x128xi32, #tpu.memory_space<vmem>>, vector<1x16xi32>,
    %swap3A_819 = vector.shape_cast %swap3A_818 : vector<1x16xi32> to vector<16xi32>
    %swap3A_820 = vector.shape_cast %add3A_814 : vector<16xi32> to vector<1x16xi32>
    tpu.vector_store %arg11[%swap3A_816, %swap3A_817], %swap3A_820 {strides = array<i32>} : memref<10x128xi32, #tpu.memory_space<vmem>>, vector<1x16xi32>,
    %get3A_821 = arith.constant 8 : i32
    %get3A_822 = arith.index_cast %get3A_821 : i32 to index
    %get3A_823 = arith.constant 64 : index
    %get3A_824 = tpu.vector_load %arg11[%get3A_822, %get3A_823] {strides = array<i32>} : memref<10x128xi32, #tpu.memory_space<vmem>>, vector<1x16xi32>,
    %get3A_825 = vector.shape_cast %get3A_824 : vector<1x16xi32> to vector<16xi32>
    %add3A_826 = arith.addi %get3A_825, %broadcast_in_dim3A : vector<16xi32>
    %swap3A_827 = arith.constant 8 : i32
    %swap3A_828 = arith.index_cast %swap3A_827 : i32 to index
    %swap3A_829 = arith.constant 64 : index
    %swap3A_830 = tpu.vector_load %arg11[%swap3A_828, %swap3A_829] {strides = array<i32>} : memref<10x128xi32, #tpu.memory_space<vmem>>, vector<1x16xi32>,
    %swap3A_831 = vector.shape_cast %swap3A_830 : vector<1x16xi32> to vector<16xi32>
    %swap3A_832 = vector.shape_cast %add3A_826 : vector<16xi32> to vector<1x16xi32>
    tpu.vector_store %arg11[%swap3A_828, %swap3A_829], %swap3A_832 {strides = array<i32>} : memref<10x128xi32, #tpu.memory_space<vmem>>, vector<1x16xi32>,
    %get3A_833 = arith.constant 8 : i32
    %get3A_834 = arith.index_cast %get3A_833 : i32 to index
    %get3A_835 = arith.constant 80 : index
    %get3A_836 = tpu.vector_load %arg11[%get3A_834, %get3A_835] {strides = array<i32>} : memref<10x128xi32, #tpu.memory_space<vmem>>, vector<1x16xi32>,
    %get3A_837 = vector.shape_cast %get3A_836 : vector<1x16xi32> to vector<16xi32>
    %add3A_838 = arith.addi %get3A_837, %broadcast_in_dim3A : vector<16xi32>
    %swap3A_839 = arith.constant 8 : i32
    %swap3A_840 = arith.index_cast %swap3A_839 : i32 to index
    %swap3A_841 = arith.constant 80 : index
    %swap3A_842 = tpu.vector_load %arg11[%swap3A_840, %swap3A_841] {strides = array<i32>} : memref<10x128xi32, #tpu.memory_space<vmem>>, vector<1x16xi32>,
    %swap3A_843 = vector.shape_cast %swap3A_842 : vector<1x16xi32> to vector<16xi32>
    %swap3A_844 = vector.shape_cast %add3A_838 : vector<16xi32> to vector<1x16xi32>
    tpu.vector_store %arg11[%swap3A_840, %swap3A_841], %swap3A_844 {strides = array<i32>} : memref<10x128xi32, #tpu.memory_space<vmem>>, vector<1x16xi32>,
    %get3A_845 = arith.constant 8 : i32
    %get3A_846 = arith.index_cast %get3A_845 : i32 to index
    %get3A_847 = arith.constant 96 : index
    %get3A_848 = tpu.vector_load %arg11[%get3A_846, %get3A_847] {strides = array<i32>} : memref<10x128xi32, #tpu.memory_space<vmem>>, vector<1x16xi32>,
    %get3A_849 = vector.shape_cast %get3A_848 : vector<1x16xi32> to vector<16xi32>
    %add3A_850 = arith.addi %get3A_849, %broadcast_in_dim3A : vector<16xi32>
    %swap3A_851 = arith.constant 8 : i32
    %swap3A_852 = arith.index_cast %swap3A_851 : i32 to index
    %swap3A_853 = arith.constant 96 : index
    %swap3A_854 = tpu.vector_load %arg11[%swap3A_852, %swap3A_853] {strides = array<i32>} : memref<10x128xi32, #tpu.memory_space<vmem>>, vector<1x16xi32>,
    %swap3A_855 = vector.shape_cast %swap3A_854 : vector<1x16xi32> to vector<16xi32>
    %swap3A_856 = vector.shape_cast %add3A_850 : vector<16xi32> to vector<1x16xi32>
    tpu.vector_store %arg11[%swap3A_852, %swap3A_853], %swap3A_856 {strides = array<i32>} : memref<10x128xi32, #tpu.memory_space<vmem>>, vector<1x16xi32>,
    %get3A_857 = arith.constant 8 : i32
    %get3A_858 = arith.index_cast %get3A_857 : i32 to index
    %get3A_859 = arith.constant 112 : index
    %get3A_860 = tpu.vector_load %arg11[%get3A_858, %get3A_859] {strides = array<i32>} : memref<10x128xi32, #tpu.memory_space<vmem>>, vector<1x16xi32>,
    %get3A_861 = vector.shape_cast %get3A_860 : vector<1x16xi32> to vector<16xi32>
    %add3A_862 = arith.addi %get3A_861, %broadcast_in_dim3A : vector<16xi32>
    %swap3A_863 = arith.constant 8 : i32
    %swap3A_864 = arith.index_cast %swap3A_863 : i32 to index
    %swap3A_865 = arith.constant 112 : index
    %swap3A_866 = tpu.vector_load %arg11[%swap3A_864, %swap3A_865] {strides = array<i32>} : memref<10x128xi32, #tpu.memory_space<vmem>>, vector<1x16xi32>,
    %swap3A_867 = vector.shape_cast %swap3A_866 : vector<1x16xi32> to vector<16xi32>
    %swap3A_868 = vector.shape_cast %add3A_862 : vector<16xi32> to vector<1x16xi32>
    tpu.vector_store %arg11[%swap3A_864, %swap3A_865], %swap3A_868 {strides = array<i32>} : memref<10x128xi32, #tpu.memory_space<vmem>>, vector<1x16xi32>,
    %get3A_869 = arith.constant 9 : i32
    %get3A_870 = arith.index_cast %get3A_869 : i32 to index
    %get3A_871 = arith.constant 0 : index
    %get3A_872 = tpu.vector_load %arg11[%get3A_870, %get3A_871] {strides = array<i32>} : memref<10x128xi32, #tpu.memory_space<vmem>>, vector<1x16xi32>,
    %get3A_873 = vector.shape_cast %get3A_872 : vector<1x16xi32> to vector<16xi32>
    %add3A_874 = arith.addi %get3A_873, %broadcast_in_dim3A : vector<16xi32>
    %swap3A_875 = arith.constant 9 : i32
    %swap3A_876 = arith.index_cast %swap3A_875 : i32 to index
    %swap3A_877 = arith.constant 0 : index
    %swap3A_878 = tpu.vector_load %arg11[%swap3A_876, %swap3A_877] {strides = array<i32>} : memref<10x128xi32, #tpu.memory_space<vmem>>, vector<1x16xi32>,
    %swap3A_879 = vector.shape_cast %swap3A_878 : vector<1x16xi32> to vector<16xi32>
    %swap3A_880 = vector.shape_cast %add3A_874 : vector<16xi32> to vector<1x16xi32>
    tpu.vector_store %arg11[%swap3A_876, %swap3A_877], %swap3A_880 {strides = array<i32>} : memref<10x128xi32, #tpu.memory_space<vmem>>, vector<1x16xi32>,
    %get3A_881 = arith.constant 9 : i32
    %get3A_882 = arith.index_cast %get3A_881 : i32 to index
    %get3A_883 = arith.constant 16 : index
    %get3A_884 = tpu.vector_load %arg11[%get3A_882, %get3A_883] {strides = array<i32>} : memref<10x128xi32, #tpu.memory_space<vmem>>, vector<1x16xi32>,
    %get3A_885 = vector.shape_cast %get3A_884 : vector<1x16xi32> to vector<16xi32>
    %add3A_886 = arith.addi %get3A_885, %broadcast_in_dim3A : vector<16xi32>
    %swap3A_887 = arith.constant 9 : i32
    %swap3A_888 = arith.index_cast %swap3A_887 : i32 to index
    %swap3A_889 = arith.constant 16 : index
    %swap3A_890 = tpu.vector_load %arg11[%swap3A_888, %swap3A_889] {strides = array<i32>} : memref<10x128xi32, #tpu.memory_space<vmem>>, vector<1x16xi32>,
    %swap3A_891 = vector.shape_cast %swap3A_890 : vector<1x16xi32> to vector<16xi32>
    %swap3A_892 = vector.shape_cast %add3A_886 : vector<16xi32> to vector<1x16xi32>
    tpu.vector_store %arg11[%swap3A_888, %swap3A_889], %swap3A_892 {strides = array<i32>} : memref<10x128xi32, #tpu.memory_space<vmem>>, vector<1x16xi32>,
    %get3A_893 = arith.constant 9 : i32
    %get3A_894 = arith.index_cast %get3A_893 : i32 to index
    %get3A_895 = arith.constant 32 : index
    %get3A_896 = tpu.vector_load %arg11[%get3A_894, %get3A_895] {strides = array<i32>} : memref<10x128xi32, #tpu.memory_space<vmem>>, vector<1x16xi32>,
    %get3A_897 = vector.shape_cast %get3A_896 : vector<1x16xi32> to vector<16xi32>
    %add3A_898 = arith.addi %get3A_897, %broadcast_in_dim3A : vector<16xi32>
    %swap3A_899 = arith.constant 9 : i32
    %swap3A_900 = arith.index_cast %swap3A_899 : i32 to index
    %swap3A_901 = arith.constant 32 : index
    %swap3A_902 = tpu.vector_load %arg11[%swap3A_900, %swap3A_901] {strides = array<i32>} : memref<10x128xi32, #tpu.memory_space<vmem>>, vector<1x16xi32>,
    %swap3A_903 = vector.shape_cast %swap3A_902 : vector<1x16xi32> to vector<16xi32>
    %swap3A_904 = vector.shape_cast %add3A_898 : vector<16xi32> to vector<1x16xi32>
    tpu.vector_store %arg11[%swap3A_900, %swap3A_901], %swap3A_904 {strides = array<i32>} : memref<10x128xi32, #tpu.memory_space<vmem>>, vector<1x16xi32>,
    %get3A_905 = arith.constant 9 : i32
    %get3A_906 = arith.index_cast %get3A_905 : i32 to index
    %get3A_907 = arith.constant 48 : index
    %get3A_908 = tpu.vector_load %arg11[%get3A_906, %get3A_907] {strides = array<i32>} : memref<10x128xi32, #tpu.memory_space<vmem>>, vector<1x16xi32>,
    %get3A_909 = vector.shape_cast %get3A_908 : vector<1x16xi32> to vector<16xi32>
    %add3A_910 = arith.addi %get3A_909, %broadcast_in_dim3A : vector<16xi32>
    %swap3A_911 = arith.constant 9 : i32
    %swap3A_912 = arith.index_cast %swap3A_911 : i32 to index
    %swap3A_913 = arith.constant 48 : index
    %swap3A_914 = tpu.vector_load %arg11[%swap3A_912, %swap3A_913] {strides = array<i32>} : memref<10x128xi32, #tpu.memory_space<vmem>>, vector<1x16xi32>,
    %swap3A_915 = vector.shape_cast %swap3A_914 : vector<1x16xi32> to vector<16xi32>
    %swap3A_916 = vector.shape_cast %add3A_910 : vector<16xi32> to vector<1x16xi32>
    tpu.vector_store %arg11[%swap3A_912, %swap3A_913], %swap3A_916 {strides = array<i32>} : memref<10x128xi32, #tpu.memory_space<vmem>>, vector<1x16xi32>,
    %get3A_917 = arith.constant 9 : i32
    %get3A_918 = arith.index_cast %get3A_917 : i32 to index
    %get3A_919 = arith.constant 64 : index
    %get3A_920 = tpu.vector_load %arg11[%get3A_918, %get3A_919] {strides = array<i32>} : memref<10x128xi32, #tpu.memory_space<vmem>>, vector<1x16xi32>,
    %get3A_921 = vector.shape_cast %get3A_920 : vector<1x16xi32> to vector<16xi32>
    %add3A_922 = arith.addi %get3A_921, %broadcast_in_dim3A : vector<16xi32>
    %swap3A_923 = arith.constant 9 : i32
    %swap3A_924 = arith.index_cast %swap3A_923 : i32 to index
    %swap3A_925 = arith.constant 64 : index
    %swap3A_926 = tpu.vector_load %arg11[%swap3A_924, %swap3A_925] {strides = array<i32>} : memref<10x128xi32, #tpu.memory_space<vmem>>, vector<1x16xi32>,
    %swap3A_927 = vector.shape_cast %swap3A_926 : vector<1x16xi32> to vector<16xi32>
    %swap3A_928 = vector.shape_cast %add3A_922 : vector<16xi32> to vector<1x16xi32>
    tpu.vector_store %arg11[%swap3A_924, %swap3A_925], %swap3A_928 {strides = array<i32>} : memref<10x128xi32, #tpu.memory_space<vmem>>, vector<1x16xi32>,
    %get3A_929 = arith.constant 9 : i32
    %get3A_930 = arith.index_cast %get3A_929 : i32 to index
    %get3A_931 = arith.constant 80 : index
    %get3A_932 = tpu.vector_load %arg11[%get3A_930, %get3A_931] {strides = array<i32>} : memref<10x128xi32, #tpu.memory_space<vmem>>, vector<1x16xi32>,
    %get3A_933 = vector.shape_cast %get3A_932 : vector<1x16xi32> to vector<16xi32>
    %add3A_934 = arith.addi %get3A_933, %broadcast_in_dim3A : vector<16xi32>
    %swap3A_935 = arith.constant 9 : i32
    %swap3A_936 = arith.index_cast %swap3A_935 : i32 to index
    %swap3A_937 = arith.constant 80 : index
    %swap3A_938 = tpu.vector_load %arg11[%swap3A_936, %swap3A_937] {strides = array<i32>} : memref<10x128xi32, #tpu.memory_space<vmem>>, vector<1x16xi32>,
    %swap3A_939 = vector.shape_cast %swap3A_938 : vector<1x16xi32> to vector<16xi32>
    %swap3A_940 = vector.shape_cast %add3A_934 : vector<16xi32> to vector<1x16xi32>
    tpu.vector_store %arg11[%swap3A_936, %swap3A_937], %swap3A_940 {strides = array<i32>} : memref<10x128xi32, #tpu.memory_space<vmem>>, vector<1x16xi32>,
    %get3A_941 = arith.constant 9 : i32
    %get3A_942 = arith.index_cast %get3A_941 : i32 to index
    %get3A_943 = arith.constant 96 : index
    %get3A_944 = tpu.vector_load %arg11[%get3A_942, %get3A_943] {strides = array<i32>} : memref<10x128xi32, #tpu.memory_space<vmem>>, vector<1x16xi32>,
    %get3A_945 = vector.shape_cast %get3A_944 : vector<1x16xi32> to vector<16xi32>
    %add3A_946 = arith.addi %get3A_945, %broadcast_in_dim3A : vector<16xi32>
    %swap3A_947 = arith.constant 9 : i32
    %swap3A_948 = arith.index_cast %swap3A_947 : i32 to index
    %swap3A_949 = arith.constant 96 : index
    %swap3A_950 = tpu.vector_load %arg11[%swap3A_948, %swap3A_949] {strides = array<i32>} : memref<10x128xi32, #tpu.memory_space<vmem>>, vector<1x16xi32>,
    %swap3A_951 = vector.shape_cast %swap3A_950 : vector<1x16xi32> to vector<16xi32>
    %swap3A_952 = vector.shape_cast %add3A_946 : vector<16xi32> to vector<1x16xi32>
    tpu.vector_store %arg11[%swap3A_948, %swap3A_949], %swap3A_952 {strides = array<i32>} : memref<10x128xi32, #tpu.memory_space<vmem>>, vector<1x16xi32>,
    %get3A_953 = arith.constant 9 : i32
    %get3A_954 = arith.index_cast %get3A_953 : i32 to index
    %get3A_955 = arith.constant 112 : index
    %get3A_956 = tpu.vector_load %arg11[%get3A_954, %get3A_955] {strides = array<i32>} : memref<10x128xi32, #tpu.memory_space<vmem>>, vector<1x16xi32>,
    %get3A_957 = vector.shape_cast %get3A_956 : vector<1x16xi32> to vector<16xi32>
    %add3A_958 = arith.addi %get3A_957, %broadcast_in_dim3A : vector<16xi32>
    %swap3A_959 = arith.constant 9 : i32
    %swap3A_960 = arith.index_cast %swap3A_959 : i32 to index
    %swap3A_961 = arith.constant 112 : index
    %swap3A_962 = tpu.vector_load %arg11[%swap3A_960, %swap3A_961] {strides = array<i32>} : memref<10x128xi32, #tpu.memory_space<vmem>>, vector<1x16xi32>,
    %swap3A_963 = vector.shape_cast %swap3A_962 : vector<1x16xi32> to vector<16xi32>
    %swap3A_964 = vector.shape_cast %add3A_958 : vector<16xi32> to vector<1x16xi32>
    tpu.vector_store %arg11[%swap3A_960, %swap3A_961], %swap3A_964 {strides = array<i32>} : memref<10x128xi32, #tpu.memory_space<vmem>>, vector<1x16xi32>,
    %broadcast_in_dim3A_965 = arith.constant 0.000000e+00 : f32
    %broadcast_in_dim3A_966 = vector.broadcast %broadcast_in_dim3A_965 : f32 to vector<16xf32>
    %swap3A_967 = arith.constant 0 : i32
    %swap3A_968 = arith.index_cast %swap3A_967 : i32 to index
    %swap3A_969 = arith.constant 0 : index
    %swap3A_970 = tpu.vector_load %arg12[%swap3A_968, %swap3A_969] {strides = array<i32>} : memref<20x64xf32, #tpu.memory_space<vmem>>, vector<1x16xf32>,
    %swap3A_971 = vector.shape_cast %swap3A_970 : vector<1x16xf32> to vector<16xf32>
    %swap3A_972 = vector.shape_cast %broadcast_in_dim3A_966 : vector<16xf32> to vector<1x16xf32>
    tpu.vector_store %arg12[%swap3A_968, %swap3A_969], %swap3A_972 {strides = array<i32>} : memref<20x64xf32, #tpu.memory_space<vmem>>, vector<1x16xf32>,
    %swap3A_973 = arith.constant 0 : i32
    %swap3A_974 = arith.index_cast %swap3A_973 : i32 to index
    %swap3A_975 = arith.constant 16 : index
    %swap3A_976 = tpu.vector_load %arg12[%swap3A_974, %swap3A_975] {strides = array<i32>} : memref<20x64xf32, #tpu.memory_space<vmem>>, vector<1x16xf32>,
    %swap3A_977 = vector.shape_cast %swap3A_976 : vector<1x16xf32> to vector<16xf32>
    %swap3A_978 = vector.shape_cast %broadcast_in_dim3A_966 : vector<16xf32> to vector<1x16xf32>
    tpu.vector_store %arg12[%swap3A_974, %swap3A_975], %swap3A_978 {strides = array<i32>} : memref<20x64xf32, #tpu.memory_space<vmem>>, vector<1x16xf32>,
    %swap3A_979 = arith.constant 0 : i32
    %swap3A_980 = arith.index_cast %swap3A_979 : i32 to index
    %swap3A_981 = arith.constant 32 : index
    %swap3A_982 = tpu.vector_load %arg12[%swap3A_980, %swap3A_981] {strides = array<i32>} : memref<20x64xf32, #tpu.memory_space<vmem>>, vector<1x16xf32>,
    %swap3A_983 = vector.shape_cast %swap3A_982 : vector<1x16xf32> to vector<16xf32>
    %swap3A_984 = vector.shape_cast %broadcast_in_dim3A_966 : vector<16xf32> to vector<1x16xf32>
    tpu.vector_store %arg12[%swap3A_980, %swap3A_981], %swap3A_984 {strides = array<i32>} : memref<20x64xf32, #tpu.memory_space<vmem>>, vector<1x16xf32>,
    %swap3A_985 = arith.constant 0 : i32
    %swap3A_986 = arith.index_cast %swap3A_985 : i32 to index
    %swap3A_987 = arith.constant 48 : index
    %swap3A_988 = tpu.vector_load %arg12[%swap3A_986, %swap3A_987] {strides = array<i32>} : memref<20x64xf32, #tpu.memory_space<vmem>>, vector<1x16xf32>,
    %swap3A_989 = vector.shape_cast %swap3A_988 : vector<1x16xf32> to vector<16xf32>
    %swap3A_990 = vector.shape_cast %broadcast_in_dim3A_966 : vector<16xf32> to vector<1x16xf32>
    tpu.vector_store %arg12[%swap3A_986, %swap3A_987], %swap3A_990 {strides = array<i32>} : memref<20x64xf32, #tpu.memory_space<vmem>>, vector<1x16xf32>,
    %swap3A_991 = arith.constant 1 : i32
    %swap3A_992 = arith.index_cast %swap3A_991 : i32 to index
    %swap3A_993 = arith.constant 0 : index
    %swap3A_994 = tpu.vector_load %arg12[%swap3A_992, %swap3A_993] {strides = array<i32>} : memref<20x64xf32, #tpu.memory_space<vmem>>, vector<1x16xf32>,
    %swap3A_995 = vector.shape_cast %swap3A_994 : vector<1x16xf32> to vector<16xf32>
    %swap3A_996 = vector.shape_cast %broadcast_in_dim3A_966 : vector<16xf32> to vector<1x16xf32>
    tpu.vector_store %arg12[%swap3A_992, %swap3A_993], %swap3A_996 {strides = array<i32>} : memref<20x64xf32, #tpu.memory_space<vmem>>, vector<1x16xf32>,
    %swap3A_997 = arith.constant 1 : i32
    %swap3A_998 = arith.index_cast %swap3A_997 : i32 to index
    %swap3A_999 = arith.constant 16 : index
    %swap3A_1000 = tpu.vector_load %arg12[%swap3A_998, %swap3A_999] {strides = array<i32>} : memref<20x64xf32, #tpu.memory_space<vmem>>, vector<1x16xf32>,
    %swap3A_1001 = vector.shape_cast %swap3A_1000 : vector<1x16xf32> to vector<16xf32>
    %swap3A_1002 = vector.shape_cast %broadcast_in_dim3A_966 : vector<16xf32> to vector<1x16xf32>
    tpu.vector_store %arg12[%swap3A_998, %swap3A_999], %swap3A_1002 {strides = array<i32>} : memref<20x64xf32, #tpu.memory_space<vmem>>, vector<1x16xf32>,
    %swap3A_1003 = arith.constant 1 : i32
    %swap3A_1004 = arith.index_cast %swap3A_1003 : i32 to index
    %swap3A_1005 = arith.constant 32 : index
    %swap3A_1006 = tpu.vector_load %arg12[%swap3A_1004, %swap3A_1005] {strides = array<i32>} : memref<20x64xf32, #tpu.memory_space<vmem>>, vector<1x16xf32>,
    %swap3A_1007 = vector.shape_cast %swap3A_1006 : vector<1x16xf32> to vector<16xf32>
    %swap3A_1008 = vector.shape_cast %broadcast_in_dim3A_966 : vector<16xf32> to vector<1x16xf32>
    tpu.vector_store %arg12[%swap3A_1004, %swap3A_1005], %swap3A_1008 {strides = array<i32>} : memref<20x64xf32, #tpu.memory_space<vmem>>, vector<1x16xf32>,
    %swap3A_1009 = arith.constant 1 : i32
    %swap3A_1010 = arith.index_cast %swap3A_1009 : i32 to index
    %swap3A_1011 = arith.constant 48 : index
    %swap3A_1012 = tpu.vector_load %arg12[%swap3A_1010, %swap3A_1011] {strides = array<i32>} : memref<20x64xf32, #tpu.memory_space<vmem>>, vector<1x16xf32>,
    %swap3A_1013 = vector.shape_cast %swap3A_1012 : vector<1x16xf32> to vector<16xf32>
    %swap3A_1014 = vector.shape_cast %broadcast_in_dim3A_966 : vector<16xf32> to vector<1x16xf32>
    tpu.vector_store %arg12[%swap3A_1010, %swap3A_1011], %swap3A_1014 {strides = array<i32>} : memref<20x64xf32, #tpu.memory_space<vmem>>, vector<1x16xf32>,
    %swap3A_1015 = arith.constant 2 : i32
    %swap3A_1016 = arith.index_cast %swap3A_1015 : i32 to index
    %swap3A_1017 = arith.constant 0 : index
    %swap3A_1018 = tpu.vector_load %arg12[%swap3A_1016, %swap3A_1017] {strides = array<i32>} : memref<20x64xf32, #tpu.memory_space<vmem>>, vector<1x16xf32>,
    %swap3A_1019 = vector.shape_cast %swap3A_1018 : vector<1x16xf32> to vector<16xf32>
    %swap3A_1020 = vector.shape_cast %broadcast_in_dim3A_966 : vector<16xf32> to vector<1x16xf32>
    tpu.vector_store %arg12[%swap3A_1016, %swap3A_1017], %swap3A_1020 {strides = array<i32>} : memref<20x64xf32, #tpu.memory_space<vmem>>, vector<1x16xf32>,
    %swap3A_1021 = arith.constant 2 : i32
    %swap3A_1022 = arith.index_cast %swap3A_1021 : i32 to index
    %swap3A_1023 = arith.constant 16 : index
    %swap3A_1024 = tpu.vector_load %arg12[%swap3A_1022, %swap3A_1023] {strides = array<i32>} : memref<20x64xf32, #tpu.memory_space<vmem>>, vector<1x16xf32>,
    %swap3A_1025 = vector.shape_cast %swap3A_1024 : vector<1x16xf32> to vector<16xf32>
    %swap3A_1026 = vector.shape_cast %broadcast_in_dim3A_966 : vector<16xf32> to vector<1x16xf32>
    tpu.vector_store %arg12[%swap3A_1022, %swap3A_1023], %swap3A_1026 {strides = array<i32>} : memref<20x64xf32, #tpu.memory_space<vmem>>, vector<1x16xf32>,
    %swap3A_1027 = arith.constant 2 : i32
    %swap3A_1028 = arith.index_cast %swap3A_1027 : i32 to index
    %swap3A_1029 = arith.constant 32 : index
    %swap3A_1030 = tpu.vector_load %arg12[%swap3A_1028, %swap3A_1029] {strides = array<i32>} : memref<20x64xf32, #tpu.memory_space<vmem>>, vector<1x16xf32>,
    %swap3A_1031 = vector.shape_cast %swap3A_1030 : vector<1x16xf32> to vector<16xf32>
    %swap3A_1032 = vector.shape_cast %broadcast_in_dim3A_966 : vector<16xf32> to vector<1x16xf32>
    tpu.vector_store %arg12[%swap3A_1028, %swap3A_1029], %swap3A_1032 {strides = array<i32>} : memref<20x64xf32, #tpu.memory_space<vmem>>, vector<1x16xf32>,
    %swap3A_1033 = arith.constant 2 : i32
    %swap3A_1034 = arith.index_cast %swap3A_1033 : i32 to index
    %swap3A_1035 = arith.constant 48 : index
    %swap3A_1036 = tpu.vector_load %arg12[%swap3A_1034, %swap3A_1035] {strides = array<i32>} : memref<20x64xf32, #tpu.memory_space<vmem>>, vector<1x16xf32>,
    %swap3A_1037 = vector.shape_cast %swap3A_1036 : vector<1x16xf32> to vector<16xf32>
    %swap3A_1038 = vector.shape_cast %broadcast_in_dim3A_966 : vector<16xf32> to vector<1x16xf32>
    tpu.vector_store %arg12[%swap3A_1034, %swap3A_1035], %swap3A_1038 {strides = array<i32>} : memref<20x64xf32, #tpu.memory_space<vmem>>, vector<1x16xf32>,
    %swap3A_1039 = arith.constant 3 : i32
    %swap3A_1040 = arith.index_cast %swap3A_1039 : i32 to index
    %swap3A_1041 = arith.constant 0 : index
    %swap3A_1042 = tpu.vector_load %arg12[%swap3A_1040, %swap3A_1041] {strides = array<i32>} : memref<20x64xf32, #tpu.memory_space<vmem>>, vector<1x16xf32>,
    %swap3A_1043 = vector.shape_cast %swap3A_1042 : vector<1x16xf32> to vector<16xf32>
    %swap3A_1044 = vector.shape_cast %broadcast_in_dim3A_966 : vector<16xf32> to vector<1x16xf32>
    tpu.vector_store %arg12[%swap3A_1040, %swap3A_1041], %swap3A_1044 {strides = array<i32>} : memref<20x64xf32, #tpu.memory_space<vmem>>, vector<1x16xf32>,
    %swap3A_1045 = arith.constant 3 : i32
    %swap3A_1046 = arith.index_cast %swap3A_1045 : i32 to index
    %swap3A_1047 = arith.constant 16 : index
    %swap3A_1048 = tpu.vector_load %arg12[%swap3A_1046, %swap3A_1047] {strides = array<i32>} : memref<20x64xf32, #tpu.memory_space<vmem>>, vector<1x16xf32>,
    %swap3A_1049 = vector.shape_cast %swap3A_1048 : vector<1x16xf32> to vector<16xf32>
    %swap3A_1050 = vector.shape_cast %broadcast_in_dim3A_966 : vector<16xf32> to vector<1x16xf32>
    tpu.vector_store %arg12[%swap3A_1046, %swap3A_1047], %swap3A_1050 {strides = array<i32>} : memref<20x64xf32, #tpu.memory_space<vmem>>, vector<1x16xf32>,
    %swap3A_1051 = arith.constant 3 : i32
    %swap3A_1052 = arith.index_cast %swap3A_1051 : i32 to index
    %swap3A_1053 = arith.constant 32 : index
    %swap3A_1054 = tpu.vector_load %arg12[%swap3A_1052, %swap3A_1053] {strides = array<i32>} : memref<20x64xf32, #tpu.memory_space<vmem>>, vector<1x16xf32>,
    %swap3A_1055 = vector.shape_cast %swap3A_1054 : vector<1x16xf32> to vector<16xf32>
    %swap3A_1056 = vector.shape_cast %broadcast_in_dim3A_966 : vector<16xf32> to vector<1x16xf32>
    tpu.vector_store %arg12[%swap3A_1052, %swap3A_1053], %swap3A_1056 {strides = array<i32>} : memref<20x64xf32, #tpu.memory_space<vmem>>, vector<1x16xf32>,
    %swap3A_1057 = arith.constant 3 : i32
    %swap3A_1058 = arith.index_cast %swap3A_1057 : i32 to index
    %swap3A_1059 = arith.constant 48 : index
    %swap3A_1060 = tpu.vector_load %arg12[%swap3A_1058, %swap3A_1059] {strides = array<i32>} : memref<20x64xf32, #tpu.memory_space<vmem>>, vector<1x16xf32>,
    %swap3A_1061 = vector.shape_cast %swap3A_1060 : vector<1x16xf32> to vector<16xf32>
    %swap3A_1062 = vector.shape_cast %broadcast_in_dim3A_966 : vector<16xf32> to vector<1x16xf32>
    tpu.vector_store %arg12[%swap3A_1058, %swap3A_1059], %swap3A_1062 {strides = array<i32>} : memref<20x64xf32, #tpu.memory_space<vmem>>, vector<1x16xf32>,
    %swap3A_1063 = arith.constant 4 : i32
    %swap3A_1064 = arith.index_cast %swap3A_1063 : i32 to index
    %swap3A_1065 = arith.constant 0 : index
    %swap3A_1066 = tpu.vector_load %arg12[%swap3A_1064, %swap3A_1065] {strides = array<i32>} : memref<20x64xf32, #tpu.memory_space<vmem>>, vector<1x16xf32>,
    %swap3A_1067 = vector.shape_cast %swap3A_1066 : vector<1x16xf32> to vector<16xf32>
    %swap3A_1068 = vector.shape_cast %broadcast_in_dim3A_966 : vector<16xf32> to vector<1x16xf32>
    tpu.vector_store %arg12[%swap3A_1064, %swap3A_1065], %swap3A_1068 {strides = array<i32>} : memref<20x64xf32, #tpu.memory_space<vmem>>, vector<1x16xf32>,
    %swap3A_1069 = arith.constant 4 : i32
    %swap3A_1070 = arith.index_cast %swap3A_1069 : i32 to index
    %swap3A_1071 = arith.constant 16 : index
    %swap3A_1072 = tpu.vector_load %arg12[%swap3A_1070, %swap3A_1071] {strides = array<i32>} : memref<20x64xf32, #tpu.memory_space<vmem>>, vector<1x16xf32>,
    %swap3A_1073 = vector.shape_cast %swap3A_1072 : vector<1x16xf32> to vector<16xf32>
    %swap3A_1074 = vector.shape_cast %broadcast_in_dim3A_966 : vector<16xf32> to vector<1x16xf32>
    tpu.vector_store %arg12[%swap3A_1070, %swap3A_1071], %swap3A_1074 {strides = array<i32>} : memref<20x64xf32, #tpu.memory_space<vmem>>, vector<1x16xf32>,
    %swap3A_1075 = arith.constant 4 : i32
    %swap3A_1076 = arith.index_cast %swap3A_1075 : i32 to index
    %swap3A_1077 = arith.constant 32 : index
    %swap3A_1078 = tpu.vector_load %arg12[%swap3A_1076, %swap3A_1077] {strides = array<i32>} : memref<20x64xf32, #tpu.memory_space<vmem>>, vector<1x16xf32>,
    %swap3A_1079 = vector.shape_cast %swap3A_1078 : vector<1x16xf32> to vector<16xf32>
    %swap3A_1080 = vector.shape_cast %broadcast_in_dim3A_966 : vector<16xf32> to vector<1x16xf32>
    tpu.vector_store %arg12[%swap3A_1076, %swap3A_1077], %swap3A_1080 {strides = array<i32>} : memref<20x64xf32, #tpu.memory_space<vmem>>, vector<1x16xf32>,
    %swap3A_1081 = arith.constant 4 : i32
    %swap3A_1082 = arith.index_cast %swap3A_1081 : i32 to index
    %swap3A_1083 = arith.constant 48 : index
    %swap3A_1084 = tpu.vector_load %arg12[%swap3A_1082, %swap3A_1083] {strides = array<i32>} : memref<20x64xf32, #tpu.memory_space<vmem>>, vector<1x16xf32>,
    %swap3A_1085 = vector.shape_cast %swap3A_1084 : vector<1x16xf32> to vector<16xf32>
    %swap3A_1086 = vector.shape_cast %broadcast_in_dim3A_966 : vector<16xf32> to vector<1x16xf32>
    tpu.vector_store %arg12[%swap3A_1082, %swap3A_1083], %swap3A_1086 {strides = array<i32>} : memref<20x64xf32, #tpu.memory_space<vmem>>, vector<1x16xf32>,
    %swap3A_1087 = arith.constant 5 : i32
    %swap3A_1088 = arith.index_cast %swap3A_1087 : i32 to index
    %swap3A_1089 = arith.constant 0 : index
    %swap3A_1090 = tpu.vector_load %arg12[%swap3A_1088, %swap3A_1089] {strides = array<i32>} : memref<20x64xf32, #tpu.memory_space<vmem>>, vector<1x16xf32>,
    %swap3A_1091 = vector.shape_cast %swap3A_1090 : vector<1x16xf32> to vector<16xf32>
    %swap3A_1092 = vector.shape_cast %broadcast_in_dim3A_966 : vector<16xf32> to vector<1x16xf32>
    tpu.vector_store %arg12[%swap3A_1088, %swap3A_1089], %swap3A_1092 {strides = array<i32>} : memref<20x64xf32, #tpu.memory_space<vmem>>, vector<1x16xf32>,
    %swap3A_1093 = arith.constant 5 : i32
    %swap3A_1094 = arith.index_cast %swap3A_1093 : i32 to index
    %swap3A_1095 = arith.constant 16 : index
    %swap3A_1096 = tpu.vector_load %arg12[%swap3A_1094, %swap3A_1095] {strides = array<i32>} : memref<20x64xf32, #tpu.memory_space<vmem>>, vector<1x16xf32>,
    %swap3A_1097 = vector.shape_cast %swap3A_1096 : vector<1x16xf32> to vector<16xf32>
    %swap3A_1098 = vector.shape_cast %broadcast_in_dim3A_966 : vector<16xf32> to vector<1x16xf32>
    tpu.vector_store %arg12[%swap3A_1094, %swap3A_1095], %swap3A_1098 {strides = array<i32>} : memref<20x64xf32, #tpu.memory_space<vmem>>, vector<1x16xf32>,
    %swap3A_1099 = arith.constant 5 : i32
    %swap3A_1100 = arith.index_cast %swap3A_1099 : i32 to index
    %swap3A_1101 = arith.constant 32 : index
    %swap3A_1102 = tpu.vector_load %arg12[%swap3A_1100, %swap3A_1101] {strides = array<i32>} : memref<20x64xf32, #tpu.memory_space<vmem>>, vector<1x16xf32>,
    %swap3A_1103 = vector.shape_cast %swap3A_1102 : vector<1x16xf32> to vector<16xf32>
    %swap3A_1104 = vector.shape_cast %broadcast_in_dim3A_966 : vector<16xf32> to vector<1x16xf32>
    tpu.vector_store %arg12[%swap3A_1100, %swap3A_1101], %swap3A_1104 {strides = array<i32>} : memref<20x64xf32, #tpu.memory_space<vmem>>, vector<1x16xf32>,
    %swap3A_1105 = arith.constant 5 : i32
    %swap3A_1106 = arith.index_cast %swap3A_1105 : i32 to index
    %swap3A_1107 = arith.constant 48 : index
    %swap3A_1108 = tpu.vector_load %arg12[%swap3A_1106, %swap3A_1107] {strides = array<i32>} : memref<20x64xf32, #tpu.memory_space<vmem>>, vector<1x16xf32>,
    %swap3A_1109 = vector.shape_cast %swap3A_1108 : vector<1x16xf32> to vector<16xf32>
    %swap3A_1110 = vector.shape_cast %broadcast_in_dim3A_966 : vector<16xf32> to vector<1x16xf32>
    tpu.vector_store %arg12[%swap3A_1106, %swap3A_1107], %swap3A_1110 {strides = array<i32>} : memref<20x64xf32, #tpu.memory_space<vmem>>, vector<1x16xf32>,
    %swap3A_1111 = arith.constant 6 : i32
    %swap3A_1112 = arith.index_cast %swap3A_1111 : i32 to index
    %swap3A_1113 = arith.constant 0 : index
    %swap3A_1114 = tpu.vector_load %arg12[%swap3A_1112, %swap3A_1113] {strides = array<i32>} : memref<20x64xf32, #tpu.memory_space<vmem>>, vector<1x16xf32>,
    %swap3A_1115 = vector.shape_cast %swap3A_1114 : vector<1x16xf32> to vector<16xf32>
    %swap3A_1116 = vector.shape_cast %broadcast_in_dim3A_966 : vector<16xf32> to vector<1x16xf32>
    tpu.vector_store %arg12[%swap3A_1112, %swap3A_1113], %swap3A_1116 {strides = array<i32>} : memref<20x64xf32, #tpu.memory_space<vmem>>, vector<1x16xf32>,
    %swap3A_1117 = arith.constant 6 : i32
    %swap3A_1118 = arith.index_cast %swap3A_1117 : i32 to index
    %swap3A_1119 = arith.constant 16 : index
    %swap3A_1120 = tpu.vector_load %arg12[%swap3A_1118, %swap3A_1119] {strides = array<i32>} : memref<20x64xf32, #tpu.memory_space<vmem>>, vector<1x16xf32>,
    %swap3A_1121 = vector.shape_cast %swap3A_1120 : vector<1x16xf32> to vector<16xf32>
    %swap3A_1122 = vector.shape_cast %broadcast_in_dim3A_966 : vector<16xf32> to vector<1x16xf32>
    tpu.vector_store %arg12[%swap3A_1118, %swap3A_1119], %swap3A_1122 {strides = array<i32>} : memref<20x64xf32, #tpu.memory_space<vmem>>, vector<1x16xf32>,
    %swap3A_1123 = arith.constant 6 : i32
    %swap3A_1124 = arith.index_cast %swap3A_1123 : i32 to index
    %swap3A_1125 = arith.constant 32 : index
    %swap3A_1126 = tpu.vector_load %arg12[%swap3A_1124, %swap3A_1125] {strides = array<i32>} : memref<20x64xf32, #tpu.memory_space<vmem>>, vector<1x16xf32>,
    %swap3A_1127 = vector.shape_cast %swap3A_1126 : vector<1x16xf32> to vector<16xf32>
    %swap3A_1128 = vector.shape_cast %broadcast_in_dim3A_966 : vector<16xf32> to vector<1x16xf32>
    tpu.vector_store %arg12[%swap3A_1124, %swap3A_1125], %swap3A_1128 {strides = array<i32>} : memref<20x64xf32, #tpu.memory_space<vmem>>, vector<1x16xf32>,
    %swap3A_1129 = arith.constant 6 : i32
    %swap3A_1130 = arith.index_cast %swap3A_1129 : i32 to index
    %swap3A_1131 = arith.constant 48 : index
    %swap3A_1132 = tpu.vector_load %arg12[%swap3A_1130, %swap3A_1131] {strides = array<i32>} : memref<20x64xf32, #tpu.memory_space<vmem>>, vector<1x16xf32>,
    %swap3A_1133 = vector.shape_cast %swap3A_1132 : vector<1x16xf32> to vector<16xf32>
    %swap3A_1134 = vector.shape_cast %broadcast_in_dim3A_966 : vector<16xf32> to vector<1x16xf32>
    tpu.vector_store %arg12[%swap3A_1130, %swap3A_1131], %swap3A_1134 {strides = array<i32>} : memref<20x64xf32, #tpu.memory_space<vmem>>, vector<1x16xf32>,
    %swap3A_1135 = arith.constant 7 : i32
    %swap3A_1136 = arith.index_cast %swap3A_1135 : i32 to index
    %swap3A_1137 = arith.constant 0 : index
    %swap3A_1138 = tpu.vector_load %arg12[%swap3A_1136, %swap3A_1137] {strides = array<i32>} : memref<20x64xf32, #tpu.memory_space<vmem>>, vector<1x16xf32>,
    %swap3A_1139 = vector.shape_cast %swap3A_1138 : vector<1x16xf32> to vector<16xf32>
    %swap3A_1140 = vector.shape_cast %broadcast_in_dim3A_966 : vector<16xf32> to vector<1x16xf32>
    tpu.vector_store %arg12[%swap3A_1136, %swap3A_1137], %swap3A_1140 {strides = array<i32>} : memref<20x64xf32, #tpu.memory_space<vmem>>, vector<1x16xf32>,
    %swap3A_1141 = arith.constant 7 : i32
    %swap3A_1142 = arith.index_cast %swap3A_1141 : i32 to index
    %swap3A_1143 = arith.constant 16 : index
    %swap3A_1144 = tpu.vector_load %arg12[%swap3A_1142, %swap3A_1143] {strides = array<i32>} : memref<20x64xf32, #tpu.memory_space<vmem>>, vector<1x16xf32>,
    %swap3A_1145 = vector.shape_cast %swap3A_1144 : vector<1x16xf32> to vector<16xf32>
    %swap3A_1146 = vector.shape_cast %broadcast_in_dim3A_966 : vector<16xf32> to vector<1x16xf32>
    tpu.vector_store %arg12[%swap3A_1142, %swap3A_1143], %swap3A_1146 {strides = array<i32>} : memref<20x64xf32, #tpu.memory_space<vmem>>, vector<1x16xf32>,
    %swap3A_1147 = arith.constant 7 : i32
    %swap3A_1148 = arith.index_cast %swap3A_1147 : i32 to index
    %swap3A_1149 = arith.constant 32 : index
    %swap3A_1150 = tpu.vector_load %arg12[%swap3A_1148, %swap3A_1149] {strides = array<i32>} : memref<20x64xf32, #tpu.memory_space<vmem>>, vector<1x16xf32>,
    %swap3A_1151 = vector.shape_cast %swap3A_1150 : vector<1x16xf32> to vector<16xf32>
    %swap3A_1152 = vector.shape_cast %broadcast_in_dim3A_966 : vector<16xf32> to vector<1x16xf32>
    tpu.vector_store %arg12[%swap3A_1148, %swap3A_1149], %swap3A_1152 {strides = array<i32>} : memref<20x64xf32, #tpu.memory_space<vmem>>, vector<1x16xf32>,
    %swap3A_1153 = arith.constant 7 : i32
    %swap3A_1154 = arith.index_cast %swap3A_1153 : i32 to index
    %swap3A_1155 = arith.constant 48 : index
    %swap3A_1156 = tpu.vector_load %arg12[%swap3A_1154, %swap3A_1155] {strides = array<i32>} : memref<20x64xf32, #tpu.memory_space<vmem>>, vector<1x16xf32>,
    %swap3A_1157 = vector.shape_cast %swap3A_1156 : vector<1x16xf32> to vector<16xf32>
    %swap3A_1158 = vector.shape_cast %broadcast_in_dim3A_966 : vector<16xf32> to vector<1x16xf32>
    tpu.vector_store %arg12[%swap3A_1154, %swap3A_1155], %swap3A_1158 {strides = array<i32>} : memref<20x64xf32, #tpu.memory_space<vmem>>, vector<1x16xf32>,
    %swap3A_1159 = arith.constant 8 : i32
    %swap3A_1160 = arith.index_cast %swap3A_1159 : i32 to index
    %swap3A_1161 = arith.constant 0 : index
    %swap3A_1162 = tpu.vector_load %arg12[%swap3A_1160, %swap3A_1161] {strides = array<i32>} : memref<20x64xf32, #tpu.memory_space<vmem>>, vector<1x16xf32>,
    %swap3A_1163 = vector.shape_cast %swap3A_1162 : vector<1x16xf32> to vector<16xf32>
    %swap3A_1164 = vector.shape_cast %broadcast_in_dim3A_966 : vector<16xf32> to vector<1x16xf32>
    tpu.vector_store %arg12[%swap3A_1160, %swap3A_1161], %swap3A_1164 {strides = array<i32>} : memref<20x64xf32, #tpu.memory_space<vmem>>, vector<1x16xf32>,
    %swap3A_1165 = arith.constant 8 : i32
    %swap3A_1166 = arith.index_cast %swap3A_1165 : i32 to index
    %swap3A_1167 = arith.constant 16 : index
    %swap3A_1168 = tpu.vector_load %arg12[%swap3A_1166, %swap3A_1167] {strides = array<i32>} : memref<20x64xf32, #tpu.memory_space<vmem>>, vector<1x16xf32>,
    %swap3A_1169 = vector.shape_cast %swap3A_1168 : vector<1x16xf32> to vector<16xf32>
    %swap3A_1170 = vector.shape_cast %broadcast_in_dim3A_966 : vector<16xf32> to vector<1x16xf32>
    tpu.vector_store %arg12[%swap3A_1166, %swap3A_1167], %swap3A_1170 {strides = array<i32>} : memref<20x64xf32, #tpu.memory_space<vmem>>, vector<1x16xf32>,
    %swap3A_1171 = arith.constant 8 : i32
    %swap3A_1172 = arith.index_cast %swap3A_1171 : i32 to index
    %swap3A_1173 = arith.constant 32 : index
    %swap3A_1174 = tpu.vector_load %arg12[%swap3A_1172, %swap3A_1173] {strides = array<i32>} : memref<20x64xf32, #tpu.memory_space<vmem>>, vector<1x16xf32>,
    %swap3A_1175 = vector.shape_cast %swap3A_1174 : vector<1x16xf32> to vector<16xf32>
    %swap3A_1176 = vector.shape_cast %broadcast_in_dim3A_966 : vector<16xf32> to vector<1x16xf32>
    tpu.vector_store %arg12[%swap3A_1172, %swap3A_1173], %swap3A_1176 {strides = array<i32>} : memref<20x64xf32, #tpu.memory_space<vmem>>, vector<1x16xf32>,
    %swap3A_1177 = arith.constant 8 : i32
    %swap3A_1178 = arith.index_cast %swap3A_1177 : i32 to index
    %swap3A_1179 = arith.constant 48 : index
    %swap3A_1180 = tpu.vector_load %arg12[%swap3A_1178, %swap3A_1179] {strides = array<i32>} : memref<20x64xf32, #tpu.memory_space<vmem>>, vector<1x16xf32>,
    %swap3A_1181 = vector.shape_cast %swap3A_1180 : vector<1x16xf32> to vector<16xf32>
    %swap3A_1182 = vector.shape_cast %broadcast_in_dim3A_966 : vector<16xf32> to vector<1x16xf32>
    tpu.vector_store %arg12[%swap3A_1178, %swap3A_1179], %swap3A_1182 {strides = array<i32>} : memref<20x64xf32, #tpu.memory_space<vmem>>, vector<1x16xf32>,
    %swap3A_1183 = arith.constant 9 : i32
    %swap3A_1184 = arith.index_cast %swap3A_1183 : i32 to index
    %swap3A_1185 = arith.constant 0 : index
    %swap3A_1186 = tpu.vector_load %arg12[%swap3A_1184, %swap3A_1185] {strides = array<i32>} : memref<20x64xf32, #tpu.memory_space<vmem>>, vector<1x16xf32>,
    %swap3A_1187 = vector.shape_cast %swap3A_1186 : vector<1x16xf32> to vector<16xf32>
    %swap3A_1188 = vector.shape_cast %broadcast_in_dim3A_966 : vector<16xf32> to vector<1x16xf32>
    tpu.vector_store %arg12[%swap3A_1184, %swap3A_1185], %swap3A_1188 {strides = array<i32>} : memref<20x64xf32, #tpu.memory_space<vmem>>, vector<1x16xf32>,
    %swap3A_1189 = arith.constant 9 : i32
    %swap3A_1190 = arith.index_cast %swap3A_1189 : i32 to index
    %swap3A_1191 = arith.constant 16 : index
    %swap3A_1192 = tpu.vector_load %arg12[%swap3A_1190, %swap3A_1191] {strides = array<i32>} : memref<20x64xf32, #tpu.memory_space<vmem>>, vector<1x16xf32>,
    %swap3A_1193 = vector.shape_cast %swap3A_1192 : vector<1x16xf32> to vector<16xf32>
    %swap3A_1194 = vector.shape_cast %broadcast_in_dim3A_966 : vector<16xf32> to vector<1x16xf32>
    tpu.vector_store %arg12[%swap3A_1190, %swap3A_1191], %swap3A_1194 {strides = array<i32>} : memref<20x64xf32, #tpu.memory_space<vmem>>, vector<1x16xf32>,
    %swap3A_1195 = arith.constant 9 : i32
    %swap3A_1196 = arith.index_cast %swap3A_1195 : i32 to index
    %swap3A_1197 = arith.constant 32 : index
    %swap3A_1198 = tpu.vector_load %arg12[%swap3A_1196, %swap3A_1197] {strides = array<i32>} : memref<20x64xf32, #tpu.memory_space<vmem>>, vector<1x16xf32>,
    %swap3A_1199 = vector.shape_cast %swap3A_1198 : vector<1x16xf32> to vector<16xf32>
    %swap3A_1200 = vector.shape_cast %broadcast_in_dim3A_966 : vector<16xf32> to vector<1x16xf32>
    tpu.vector_store %arg12[%swap3A_1196, %swap3A_1197], %swap3A_1200 {strides = array<i32>} : memref<20x64xf32, #tpu.memory_space<vmem>>, vector<1x16xf32>,
    %swap3A_1201 = arith.constant 9 : i32
    %swap3A_1202 = arith.index_cast %swap3A_1201 : i32 to index
    %swap3A_1203 = arith.constant 48 : index
    %swap3A_1204 = tpu.vector_load %arg12[%swap3A_1202, %swap3A_1203] {strides = array<i32>} : memref<20x64xf32, #tpu.memory_space<vmem>>, vector<1x16xf32>,
    %swap3A_1205 = vector.shape_cast %swap3A_1204 : vector<1x16xf32> to vector<16xf32>
    %swap3A_1206 = vector.shape_cast %broadcast_in_dim3A_966 : vector<16xf32> to vector<1x16xf32>
    tpu.vector_store %arg12[%swap3A_1202, %swap3A_1203], %swap3A_1206 {strides = array<i32>} : memref<20x64xf32, #tpu.memory_space<vmem>>, vector<1x16xf32>,
    %swap3A_1207 = arith.constant 10 : i32
    %swap3A_1208 = arith.index_cast %swap3A_1207 : i32 to index
    %swap3A_1209 = arith.constant 0 : index
    %swap3A_1210 = tpu.vector_load %arg12[%swap3A_1208, %swap3A_1209] {strides = array<i32>} : memref<20x64xf32, #tpu.memory_space<vmem>>, vector<1x16xf32>,
    %swap3A_1211 = vector.shape_cast %swap3A_1210 : vector<1x16xf32> to vector<16xf32>
    %swap3A_1212 = vector.shape_cast %broadcast_in_dim3A_966 : vector<16xf32> to vector<1x16xf32>
    tpu.vector_store %arg12[%swap3A_1208, %swap3A_1209], %swap3A_1212 {strides = array<i32>} : memref<20x64xf32, #tpu.memory_space<vmem>>, vector<1x16xf32>,
    %swap3A_1213 = arith.constant 10 : i32
    %swap3A_1214 = arith.index_cast %swap3A_1213 : i32 to index
    %swap3A_1215 = arith.constant 16 : index
    %swap3A_1216 = tpu.vector_load %arg12[%swap3A_1214, %swap3A_1215] {strides = array<i32>} : memref<20x64xf32, #tpu.memory_space<vmem>>, vector<1x16xf32>,
    %swap3A_1217 = vector.shape_cast %swap3A_1216 : vector<1x16xf32> to vector<16xf32>
    %swap3A_1218 = vector.shape_cast %broadcast_in_dim3A_966 : vector<16xf32> to vector<1x16xf32>
    tpu.vector_store %arg12[%swap3A_1214, %swap3A_1215], %swap3A_1218 {strides = array<i32>} : memref<20x64xf32, #tpu.memory_space<vmem>>, vector<1x16xf32>,
    %swap3A_1219 = arith.constant 10 : i32
    %swap3A_1220 = arith.index_cast %swap3A_1219 : i32 to index
    %swap3A_1221 = arith.constant 32 : index
    %swap3A_1222 = tpu.vector_load %arg12[%swap3A_1220, %swap3A_1221] {strides = array<i32>} : memref<20x64xf32, #tpu.memory_space<vmem>>, vector<1x16xf32>,
    %swap3A_1223 = vector.shape_cast %swap3A_1222 : vector<1x16xf32> to vector<16xf32>
    %swap3A_1224 = vector.shape_cast %broadcast_in_dim3A_966 : vector<16xf32> to vector<1x16xf32>
    tpu.vector_store %arg12[%swap3A_1220, %swap3A_1221], %swap3A_1224 {strides = array<i32>} : memref<20x64xf32, #tpu.memory_space<vmem>>, vector<1x16xf32>,
    %swap3A_1225 = arith.constant 10 : i32
    %swap3A_1226 = arith.index_cast %swap3A_1225 : i32 to index
    %swap3A_1227 = arith.constant 48 : index
    %swap3A_1228 = tpu.vector_load %arg12[%swap3A_1226, %swap3A_1227] {strides = array<i32>} : memref<20x64xf32, #tpu.memory_space<vmem>>, vector<1x16xf32>,
    %swap3A_1229 = vector.shape_cast %swap3A_1228 : vector<1x16xf32> to vector<16xf32>
    %swap3A_1230 = vector.shape_cast %broadcast_in_dim3A_966 : vector<16xf32> to vector<1x16xf32>
    tpu.vector_store %arg12[%swap3A_1226, %swap3A_1227], %swap3A_1230 {strides = array<i32>} : memref<20x64xf32, #tpu.memory_space<vmem>>, vector<1x16xf32>,
    %swap3A_1231 = arith.constant 11 : i32
    %swap3A_1232 = arith.index_cast %swap3A_1231 : i32 to index
    %swap3A_1233 = arith.constant 0 : index
    %swap3A_1234 = tpu.vector_load %arg12[%swap3A_1232, %swap3A_1233] {strides = array<i32>} : memref<20x64xf32, #tpu.memory_space<vmem>>, vector<1x16xf32>,
    %swap3A_1235 = vector.shape_cast %swap3A_1234 : vector<1x16xf32> to vector<16xf32>
    %swap3A_1236 = vector.shape_cast %broadcast_in_dim3A_966 : vector<16xf32> to vector<1x16xf32>
    tpu.vector_store %arg12[%swap3A_1232, %swap3A_1233], %swap3A_1236 {strides = array<i32>} : memref<20x64xf32, #tpu.memory_space<vmem>>, vector<1x16xf32>,
    %swap3A_1237 = arith.constant 11 : i32
    %swap3A_1238 = arith.index_cast %swap3A_1237 : i32 to index
    %swap3A_1239 = arith.constant 16 : index
    %swap3A_1240 = tpu.vector_load %arg12[%swap3A_1238, %swap3A_1239] {strides = array<i32>} : memref<20x64xf32, #tpu.memory_space<vmem>>, vector<1x16xf32>,
    %swap3A_1241 = vector.shape_cast %swap3A_1240 : vector<1x16xf32> to vector<16xf32>
    %swap3A_1242 = vector.shape_cast %broadcast_in_dim3A_966 : vector<16xf32> to vector<1x16xf32>
    tpu.vector_store %arg12[%swap3A_1238, %swap3A_1239], %swap3A_1242 {strides = array<i32>} : memref<20x64xf32, #tpu.memory_space<vmem>>, vector<1x16xf32>,
    %swap3A_1243 = arith.constant 11 : i32
    %swap3A_1244 = arith.index_cast %swap3A_1243 : i32 to index
    %swap3A_1245 = arith.constant 32 : index
    %swap3A_1246 = tpu.vector_load %arg12[%swap3A_1244, %swap3A_1245] {strides = array<i32>} : memref<20x64xf32, #tpu.memory_space<vmem>>, vector<1x16xf32>,
    %swap3A_1247 = vector.shape_cast %swap3A_1246 : vector<1x16xf32> to vector<16xf32>
    %swap3A_1248 = vector.shape_cast %broadcast_in_dim3A_966 : vector<16xf32> to vector<1x16xf32>
    tpu.vector_store %arg12[%swap3A_1244, %swap3A_1245], %swap3A_1248 {strides = array<i32>} : memref<20x64xf32, #tpu.memory_space<vmem>>, vector<1x16xf32>,
    %swap3A_1249 = arith.constant 11 : i32
    %swap3A_1250 = arith.index_cast %swap3A_1249 : i32 to index
    %swap3A_1251 = arith.constant 48 : index
    %swap3A_1252 = tpu.vector_load %arg12[%swap3A_1250, %swap3A_1251] {strides = array<i32>} : memref<20x64xf32, #tpu.memory_space<vmem>>, vector<1x16xf32>,
    %swap3A_1253 = vector.shape_cast %swap3A_1252 : vector<1x16xf32> to vector<16xf32>
    %swap3A_1254 = vector.shape_cast %broadcast_in_dim3A_966 : vector<16xf32> to vector<1x16xf32>
    tpu.vector_store %arg12[%swap3A_1250, %swap3A_1251], %swap3A_1254 {strides = array<i32>} : memref<20x64xf32, #tpu.memory_space<vmem>>, vector<1x16xf32>,
    %swap3A_1255 = arith.constant 12 : i32
    %swap3A_1256 = arith.index_cast %swap3A_1255 : i32 to index
    %swap3A_1257 = arith.constant 0 : index
    %swap3A_1258 = tpu.vector_load %arg12[%swap3A_1256, %swap3A_1257] {strides = array<i32>} : memref<20x64xf32, #tpu.memory_space<vmem>>, vector<1x16xf32>,
    %swap3A_1259 = vector.shape_cast %swap3A_1258 : vector<1x16xf32> to vector<16xf32>
    %swap3A_1260 = vector.shape_cast %broadcast_in_dim3A_966 : vector<16xf32> to vector<1x16xf32>
    tpu.vector_store %arg12[%swap3A_1256, %swap3A_1257], %swap3A_1260 {strides = array<i32>} : memref<20x64xf32, #tpu.memory_space<vmem>>, vector<1x16xf32>,
    %swap3A_1261 = arith.constant 12 : i32
    %swap3A_1262 = arith.index_cast %swap3A_1261 : i32 to index
    %swap3A_1263 = arith.constant 16 : index
    %swap3A_1264 = tpu.vector_load %arg12[%swap3A_1262, %swap3A_1263] {strides = array<i32>} : memref<20x64xf32, #tpu.memory_space<vmem>>, vector<1x16xf32>,
    %swap3A_1265 = vector.shape_cast %swap3A_1264 : vector<1x16xf32> to vector<16xf32>
    %swap3A_1266 = vector.shape_cast %broadcast_in_dim3A_966 : vector<16xf32> to vector<1x16xf32>
    tpu.vector_store %arg12[%swap3A_1262, %swap3A_1263], %swap3A_1266 {strides = array<i32>} : memref<20x64xf32, #tpu.memory_space<vmem>>, vector<1x16xf32>,
    %swap3A_1267 = arith.constant 12 : i32
    %swap3A_1268 = arith.index_cast %swap3A_1267 : i32 to index
    %swap3A_1269 = arith.constant 32 : index
    %swap3A_1270 = tpu.vector_load %arg12[%swap3A_1268, %swap3A_1269] {strides = array<i32>} : memref<20x64xf32, #tpu.memory_space<vmem>>, vector<1x16xf32>,
    %swap3A_1271 = vector.shape_cast %swap3A_1270 : vector<1x16xf32> to vector<16xf32>
    %swap3A_1272 = vector.shape_cast %broadcast_in_dim3A_966 : vector<16xf32> to vector<1x16xf32>
    tpu.vector_store %arg12[%swap3A_1268, %swap3A_1269], %swap3A_1272 {strides = array<i32>} : memref<20x64xf32, #tpu.memory_space<vmem>>, vector<1x16xf32>,
    %swap3A_1273 = arith.constant 12 : i32
    %swap3A_1274 = arith.index_cast %swap3A_1273 : i32 to index
    %swap3A_1275 = arith.constant 48 : index
    %swap3A_1276 = tpu.vector_load %arg12[%swap3A_1274, %swap3A_1275] {strides = array<i32>} : memref<20x64xf32, #tpu.memory_space<vmem>>, vector<1x16xf32>,
    %swap3A_1277 = vector.shape_cast %swap3A_1276 : vector<1x16xf32> to vector<16xf32>
    %swap3A_1278 = vector.shape_cast %broadcast_in_dim3A_966 : vector<16xf32> to vector<1x16xf32>
    tpu.vector_store %arg12[%swap3A_1274, %swap3A_1275], %swap3A_1278 {strides = array<i32>} : memref<20x64xf32, #tpu.memory_space<vmem>>, vector<1x16xf32>,
    %swap3A_1279 = arith.constant 13 : i32
    %swap3A_1280 = arith.index_cast %swap3A_1279 : i32 to index
    %swap3A_1281 = arith.constant 0 : index
    %swap3A_1282 = tpu.vector_load %arg12[%swap3A_1280, %swap3A_1281] {strides = array<i32>} : memref<20x64xf32, #tpu.memory_space<vmem>>, vector<1x16xf32>,
    %swap3A_1283 = vector.shape_cast %swap3A_1282 : vector<1x16xf32> to vector<16xf32>
    %swap3A_1284 = vector.shape_cast %broadcast_in_dim3A_966 : vector<16xf32> to vector<1x16xf32>
    tpu.vector_store %arg12[%swap3A_1280, %swap3A_1281], %swap3A_1284 {strides = array<i32>} : memref<20x64xf32, #tpu.memory_space<vmem>>, vector<1x16xf32>,
    %swap3A_1285 = arith.constant 13 : i32
    %swap3A_1286 = arith.index_cast %swap3A_1285 : i32 to index
    %swap3A_1287 = arith.constant 16 : index
    %swap3A_1288 = tpu.vector_load %arg12[%swap3A_1286, %swap3A_1287] {strides = array<i32>} : memref<20x64xf32, #tpu.memory_space<vmem>>, vector<1x16xf32>,
    %swap3A_1289 = vector.shape_cast %swap3A_1288 : vector<1x16xf32> to vector<16xf32>
    %swap3A_1290 = vector.shape_cast %broadcast_in_dim3A_966 : vector<16xf32> to vector<1x16xf32>
    tpu.vector_store %arg12[%swap3A_1286, %swap3A_1287], %swap3A_1290 {strides = array<i32>} : memref<20x64xf32, #tpu.memory_space<vmem>>, vector<1x16xf32>,
    %swap3A_1291 = arith.constant 13 : i32
    %swap3A_1292 = arith.index_cast %swap3A_1291 : i32 to index
    %swap3A_1293 = arith.constant 32 : index
    %swap3A_1294 = tpu.vector_load %arg12[%swap3A_1292, %swap3A_1293] {strides = array<i32>} : memref<20x64xf32, #tpu.memory_space<vmem>>, vector<1x16xf32>,
    %swap3A_1295 = vector.shape_cast %swap3A_1294 : vector<1x16xf32> to vector<16xf32>
    %swap3A_1296 = vector.shape_cast %broadcast_in_dim3A_966 : vector<16xf32> to vector<1x16xf32>
    tpu.vector_store %arg12[%swap3A_1292, %swap3A_1293], %swap3A_1296 {strides = array<i32>} : memref<20x64xf32, #tpu.memory_space<vmem>>, vector<1x16xf32>,
    %swap3A_1297 = arith.constant 13 : i32
    %swap3A_1298 = arith.index_cast %swap3A_1297 : i32 to index
    %swap3A_1299 = arith.constant 48 : index
    %swap3A_1300 = tpu.vector_load %arg12[%swap3A_1298, %swap3A_1299] {strides = array<i32>} : memref<20x64xf32, #tpu.memory_space<vmem>>, vector<1x16xf32>,
    %swap3A_1301 = vector.shape_cast %swap3A_1300 : vector<1x16xf32> to vector<16xf32>
    %swap3A_1302 = vector.shape_cast %broadcast_in_dim3A_966 : vector<16xf32> to vector<1x16xf32>
    tpu.vector_store %arg12[%swap3A_1298, %swap3A_1299], %swap3A_1302 {strides = array<i32>} : memref<20x64xf32, #tpu.memory_space<vmem>>, vector<1x16xf32>,
    %swap3A_1303 = arith.constant 14 : i32
    %swap3A_1304 = arith.index_cast %swap3A_1303 : i32 to index
    %swap3A_1305 = arith.constant 0 : index
    %swap3A_1306 = tpu.vector_load %arg12[%swap3A_1304, %swap3A_1305] {strides = array<i32>} : memref<20x64xf32, #tpu.memory_space<vmem>>, vector<1x16xf32>,
    %swap3A_1307 = vector.shape_cast %swap3A_1306 : vector<1x16xf32> to vector<16xf32>
    %swap3A_1308 = vector.shape_cast %broadcast_in_dim3A_966 : vector<16xf32> to vector<1x16xf32>
    tpu.vector_store %arg12[%swap3A_1304, %swap3A_1305], %swap3A_1308 {strides = array<i32>} : memref<20x64xf32, #tpu.memory_space<vmem>>, vector<1x16xf32>,
    %swap3A_1309 = arith.constant 14 : i32
    %swap3A_1310 = arith.index_cast %swap3A_1309 : i32 to index
    %swap3A_1311 = arith.constant 16 : index
    %swap3A_1312 = tpu.vector_load %arg12[%swap3A_1310, %swap3A_1311] {strides = array<i32>} : memref<20x64xf32, #tpu.memory_space<vmem>>, vector<1x16xf32>,
    %swap3A_1313 = vector.shape_cast %swap3A_1312 : vector<1x16xf32> to vector<16xf32>
    %swap3A_1314 = vector.shape_cast %broadcast_in_dim3A_966 : vector<16xf32> to vector<1x16xf32>
    tpu.vector_store %arg12[%swap3A_1310, %swap3A_1311], %swap3A_1314 {strides = array<i32>} : memref<20x64xf32, #tpu.memory_space<vmem>>, vector<1x16xf32>,
    %swap3A_1315 = arith.constant 14 : i32
    %swap3A_1316 = arith.index_cast %swap3A_1315 : i32 to index
    %swap3A_1317 = arith.constant 32 : index
    %swap3A_1318 = tpu.vector_load %arg12[%swap3A_1316, %swap3A_1317] {strides = array<i32>} : memref<20x64xf32, #tpu.memory_space<vmem>>, vector<1x16xf32>,
    %swap3A_1319 = vector.shape_cast %swap3A_1318 : vector<1x16xf32> to vector<16xf32>
    %swap3A_1320 = vector.shape_cast %broadcast_in_dim3A_966 : vector<16xf32> to vector<1x16xf32>
    tpu.vector_store %arg12[%swap3A_1316, %swap3A_1317], %swap3A_1320 {strides = array<i32>} : memref<20x64xf32, #tpu.memory_space<vmem>>, vector<1x16xf32>,
    %swap3A_1321 = arith.constant 14 : i32
    %swap3A_1322 = arith.index_cast %swap3A_1321 : i32 to index
    %swap3A_1323 = arith.constant 48 : index
    %swap3A_1324 = tpu.vector_load %arg12[%swap3A_1322, %swap3A_1323] {strides = array<i32>} : memref<20x64xf32, #tpu.memory_space<vmem>>, vector<1x16xf32>,
    %swap3A_1325 = vector.shape_cast %swap3A_1324 : vector<1x16xf32> to vector<16xf32>
    %swap3A_1326 = vector.shape_cast %broadcast_in_dim3A_966 : vector<16xf32> to vector<1x16xf32>
    tpu.vector_store %arg12[%swap3A_1322, %swap3A_1323], %swap3A_1326 {strides = array<i32>} : memref<20x64xf32, #tpu.memory_space<vmem>>, vector<1x16xf32>,
    %swap3A_1327 = arith.constant 15 : i32
    %swap3A_1328 = arith.index_cast %swap3A_1327 : i32 to index
    %swap3A_1329 = arith.constant 0 : index
    %swap3A_1330 = tpu.vector_load %arg12[%swap3A_1328, %swap3A_1329] {strides = array<i32>} : memref<20x64xf32, #tpu.memory_space<vmem>>, vector<1x16xf32>,
    %swap3A_1331 = vector.shape_cast %swap3A_1330 : vector<1x16xf32> to vector<16xf32>
    %swap3A_1332 = vector.shape_cast %broadcast_in_dim3A_966 : vector<16xf32> to vector<1x16xf32>
    tpu.vector_store %arg12[%swap3A_1328, %swap3A_1329], %swap3A_1332 {strides = array<i32>} : memref<20x64xf32, #tpu.memory_space<vmem>>, vector<1x16xf32>,
    %swap3A_1333 = arith.constant 15 : i32
    %swap3A_1334 = arith.index_cast %swap3A_1333 : i32 to index
    %swap3A_1335 = arith.constant 16 : index
    %swap3A_1336 = tpu.vector_load %arg12[%swap3A_1334, %swap3A_1335] {strides = array<i32>} : memref<20x64xf32, #tpu.memory_space<vmem>>, vector<1x16xf32>,
    %swap3A_1337 = vector.shape_cast %swap3A_1336 : vector<1x16xf32> to vector<16xf32>
    %swap3A_1338 = vector.shape_cast %broadcast_in_dim3A_966 : vector<16xf32> to vector<1x16xf32>
    tpu.vector_store %arg12[%swap3A_1334, %swap3A_1335], %swap3A_1338 {strides = array<i32>} : memref<20x64xf32, #tpu.memory_space<vmem>>, vector<1x16xf32>,
    %swap3A_1339 = arith.constant 15 : i32
    %swap3A_1340 = arith.index_cast %swap3A_1339 : i32 to index
    %swap3A_1341 = arith.constant 32 : index
    %swap3A_1342 = tpu.vector_load %arg12[%swap3A_1340, %swap3A_1341] {strides = array<i32>} : memref<20x64xf32, #tpu.memory_space<vmem>>, vector<1x16xf32>,
    %swap3A_1343 = vector.shape_cast %swap3A_1342 : vector<1x16xf32> to vector<16xf32>
    %swap3A_1344 = vector.shape_cast %broadcast_in_dim3A_966 : vector<16xf32> to vector<1x16xf32>
    tpu.vector_store %arg12[%swap3A_1340, %swap3A_1341], %swap3A_1344 {strides = array<i32>} : memref<20x64xf32, #tpu.memory_space<vmem>>, vector<1x16xf32>,
    %swap3A_1345 = arith.constant 15 : i32
    %swap3A_1346 = arith.index_cast %swap3A_1345 : i32 to index
    %swap3A_1347 = arith.constant 48 : index
    %swap3A_1348 = tpu.vector_load %arg12[%swap3A_1346, %swap3A_1347] {strides = array<i32>} : memref<20x64xf32, #tpu.memory_space<vmem>>, vector<1x16xf32>,
    %swap3A_1349 = vector.shape_cast %swap3A_1348 : vector<1x16xf32> to vector<16xf32>
    %swap3A_1350 = vector.shape_cast %broadcast_in_dim3A_966 : vector<16xf32> to vector<1x16xf32>
    tpu.vector_store %arg12[%swap3A_1346, %swap3A_1347], %swap3A_1350 {strides = array<i32>} : memref<20x64xf32, #tpu.memory_space<vmem>>, vector<1x16xf32>,
    %swap3A_1351 = arith.constant 16 : i32
    %swap3A_1352 = arith.index_cast %swap3A_1351 : i32 to index
    %swap3A_1353 = arith.constant 0 : index
    %swap3A_1354 = tpu.vector_load %arg12[%swap3A_1352, %swap3A_1353] {strides = array<i32>} : memref<20x64xf32, #tpu.memory_space<vmem>>, vector<1x16xf32>,
    %swap3A_1355 = vector.shape_cast %swap3A_1354 : vector<1x16xf32> to vector<16xf32>
    %swap3A_1356 = vector.shape_cast %broadcast_in_dim3A_966 : vector<16xf32> to vector<1x16xf32>
    tpu.vector_store %arg12[%swap3A_1352, %swap3A_1353], %swap3A_1356 {strides = array<i32>} : memref<20x64xf32, #tpu.memory_space<vmem>>, vector<1x16xf32>,
    %swap3A_1357 = arith.constant 16 : i32
    %swap3A_1358 = arith.index_cast %swap3A_1357 : i32 to index
    %swap3A_1359 = arith.constant 16 : index
    %swap3A_1360 = tpu.vector_load %arg12[%swap3A_1358, %swap3A_1359] {strides = array<i32>} : memref<20x64xf32, #tpu.memory_space<vmem>>, vector<1x16xf32>,
    %swap3A_1361 = vector.shape_cast %swap3A_1360 : vector<1x16xf32> to vector<16xf32>
    %swap3A_1362 = vector.shape_cast %broadcast_in_dim3A_966 : vector<16xf32> to vector<1x16xf32>
    tpu.vector_store %arg12[%swap3A_1358, %swap3A_1359], %swap3A_1362 {strides = array<i32>} : memref<20x64xf32, #tpu.memory_space<vmem>>, vector<1x16xf32>,
    %swap3A_1363 = arith.constant 16 : i32
    %swap3A_1364 = arith.index_cast %swap3A_1363 : i32 to index
    %swap3A_1365 = arith.constant 32 : index
    %swap3A_1366 = tpu.vector_load %arg12[%swap3A_1364, %swap3A_1365] {strides = array<i32>} : memref<20x64xf32, #tpu.memory_space<vmem>>, vector<1x16xf32>,
    %swap3A_1367 = vector.shape_cast %swap3A_1366 : vector<1x16xf32> to vector<16xf32>
    %swap3A_1368 = vector.shape_cast %broadcast_in_dim3A_966 : vector<16xf32> to vector<1x16xf32>
    tpu.vector_store %arg12[%swap3A_1364, %swap3A_1365], %swap3A_1368 {strides = array<i32>} : memref<20x64xf32, #tpu.memory_space<vmem>>, vector<1x16xf32>,
    %swap3A_1369 = arith.constant 16 : i32
    %swap3A_1370 = arith.index_cast %swap3A_1369 : i32 to index
    %swap3A_1371 = arith.constant 48 : index
    %swap3A_1372 = tpu.vector_load %arg12[%swap3A_1370, %swap3A_1371] {strides = array<i32>} : memref<20x64xf32, #tpu.memory_space<vmem>>, vector<1x16xf32>,
    %swap3A_1373 = vector.shape_cast %swap3A_1372 : vector<1x16xf32> to vector<16xf32>
    %swap3A_1374 = vector.shape_cast %broadcast_in_dim3A_966 : vector<16xf32> to vector<1x16xf32>
    tpu.vector_store %arg12[%swap3A_1370, %swap3A_1371], %swap3A_1374 {strides = array<i32>} : memref<20x64xf32, #tpu.memory_space<vmem>>, vector<1x16xf32>,
    %swap3A_1375 = arith.constant 17 : i32
    %swap3A_1376 = arith.index_cast %swap3A_1375 : i32 to index
    %swap3A_1377 = arith.constant 0 : index
    %swap3A_1378 = tpu.vector_load %arg12[%swap3A_1376, %swap3A_1377] {strides = array<i32>} : memref<20x64xf32, #tpu.memory_space<vmem>>, vector<1x16xf32>,
    %swap3A_1379 = vector.shape_cast %swap3A_1378 : vector<1x16xf32> to vector<16xf32>
    %swap3A_1380 = vector.shape_cast %broadcast_in_dim3A_966 : vector<16xf32> to vector<1x16xf32>
    tpu.vector_store %arg12[%swap3A_1376, %swap3A_1377], %swap3A_1380 {strides = array<i32>} : memref<20x64xf32, #tpu.memory_space<vmem>>, vector<1x16xf32>,
    %swap3A_1381 = arith.constant 17 : i32
    %swap3A_1382 = arith.index_cast %swap3A_1381 : i32 to index
    %swap3A_1383 = arith.constant 16 : index
    %swap3A_1384 = tpu.vector_load %arg12[%swap3A_1382, %swap3A_1383] {strides = array<i32>} : memref<20x64xf32, #tpu.memory_space<vmem>>, vector<1x16xf32>,
    %swap3A_1385 = vector.shape_cast %swap3A_1384 : vector<1x16xf32> to vector<16xf32>
    %swap3A_1386 = vector.shape_cast %broadcast_in_dim3A_966 : vector<16xf32> to vector<1x16xf32>
    tpu.vector_store %arg12[%swap3A_1382, %swap3A_1383], %swap3A_1386 {strides = array<i32>} : memref<20x64xf32, #tpu.memory_space<vmem>>, vector<1x16xf32>,
    %swap3A_1387 = arith.constant 17 : i32
    %swap3A_1388 = arith.index_cast %swap3A_1387 : i32 to index
    %swap3A_1389 = arith.constant 32 : index
    %swap3A_1390 = tpu.vector_load %arg12[%swap3A_1388, %swap3A_1389] {strides = array<i32>} : memref<20x64xf32, #tpu.memory_space<vmem>>, vector<1x16xf32>,
    %swap3A_1391 = vector.shape_cast %swap3A_1390 : vector<1x16xf32> to vector<16xf32>
    %swap3A_1392 = vector.shape_cast %broadcast_in_dim3A_966 : vector<16xf32> to vector<1x16xf32>
    tpu.vector_store %arg12[%swap3A_1388, %swap3A_1389], %swap3A_1392 {strides = array<i32>} : memref<20x64xf32, #tpu.memory_space<vmem>>, vector<1x16xf32>,
    %swap3A_1393 = arith.constant 17 : i32
    %swap3A_1394 = arith.index_cast %swap3A_1393 : i32 to index
    %swap3A_1395 = arith.constant 48 : index
    %swap3A_1396 = tpu.vector_load %arg12[%swap3A_1394, %swap3A_1395] {strides = array<i32>} : memref<20x64xf32, #tpu.memory_space<vmem>>, vector<1x16xf32>,
    %swap3A_1397 = vector.shape_cast %swap3A_1396 : vector<1x16xf32> to vector<16xf32>
    %swap3A_1398 = vector.shape_cast %broadcast_in_dim3A_966 : vector<16xf32> to vector<1x16xf32>
    tpu.vector_store %arg12[%swap3A_1394, %swap3A_1395], %swap3A_1398 {strides = array<i32>} : memref<20x64xf32, #tpu.memory_space<vmem>>, vector<1x16xf32>,
    %swap3A_1399 = arith.constant 18 : i32
    %swap3A_1400 = arith.index_cast %swap3A_1399 : i32 to index
    %swap3A_1401 = arith.constant 0 : index
    %swap3A_1402 = tpu.vector_load %arg12[%swap3A_1400, %swap3A_1401] {strides = array<i32>} : memref<20x64xf32, #tpu.memory_space<vmem>>, vector<1x16xf32>,
    %swap3A_1403 = vector.shape_cast %swap3A_1402 : vector<1x16xf32> to vector<16xf32>
    %swap3A_1404 = vector.shape_cast %broadcast_in_dim3A_966 : vector<16xf32> to vector<1x16xf32>
    tpu.vector_store %arg12[%swap3A_1400, %swap3A_1401], %swap3A_1404 {strides = array<i32>} : memref<20x64xf32, #tpu.memory_space<vmem>>, vector<1x16xf32>,
    %swap3A_1405 = arith.constant 18 : i32
    %swap3A_1406 = arith.index_cast %swap3A_1405 : i32 to index
    %swap3A_1407 = arith.constant 16 : index
    %swap3A_1408 = tpu.vector_load %arg12[%swap3A_1406, %swap3A_1407] {strides = array<i32>} : memref<20x64xf32, #tpu.memory_space<vmem>>, vector<1x16xf32>,
    %swap3A_1409 = vector.shape_cast %swap3A_1408 : vector<1x16xf32> to vector<16xf32>
    %swap3A_1410 = vector.shape_cast %broadcast_in_dim3A_966 : vector<16xf32> to vector<1x16xf32>
    tpu.vector_store %arg12[%swap3A_1406, %swap3A_1407], %swap3A_1410 {strides = array<i32>} : memref<20x64xf32, #tpu.memory_space<vmem>>, vector<1x16xf32>,
    %swap3A_1411 = arith.constant 18 : i32
    %swap3A_1412 = arith.index_cast %swap3A_1411 : i32 to index
    %swap3A_1413 = arith.constant 32 : index
    %swap3A_1414 = tpu.vector_load %arg12[%swap3A_1412, %swap3A_1413] {strides = array<i32>} : memref<20x64xf32, #tpu.memory_space<vmem>>, vector<1x16xf32>,
    %swap3A_1415 = vector.shape_cast %swap3A_1414 : vector<1x16xf32> to vector<16xf32>
    %swap3A_1416 = vector.shape_cast %broadcast_in_dim3A_966 : vector<16xf32> to vector<1x16xf32>
    tpu.vector_store %arg12[%swap3A_1412, %swap3A_1413], %swap3A_1416 {strides = array<i32>} : memref<20x64xf32, #tpu.memory_space<vmem>>, vector<1x16xf32>,
    %swap3A_1417 = arith.constant 18 : i32
    %swap3A_1418 = arith.index_cast %swap3A_1417 : i32 to index
    %swap3A_1419 = arith.constant 48 : index
    %swap3A_1420 = tpu.vector_load %arg12[%swap3A_1418, %swap3A_1419] {strides = array<i32>} : memref<20x64xf32, #tpu.memory_space<vmem>>, vector<1x16xf32>,
    %swap3A_1421 = vector.shape_cast %swap3A_1420 : vector<1x16xf32> to vector<16xf32>
    %swap3A_1422 = vector.shape_cast %broadcast_in_dim3A_966 : vector<16xf32> to vector<1x16xf32>
    tpu.vector_store %arg12[%swap3A_1418, %swap3A_1419], %swap3A_1422 {strides = array<i32>} : memref<20x64xf32, #tpu.memory_space<vmem>>, vector<1x16xf32>,
    %swap3A_1423 = arith.constant 19 : i32
    %swap3A_1424 = arith.index_cast %swap3A_1423 : i32 to index
    %swap3A_1425 = arith.constant 0 : index
    %swap3A_1426 = tpu.vector_load %arg12[%swap3A_1424, %swap3A_1425] {strides = array<i32>} : memref<20x64xf32, #tpu.memory_space<vmem>>, vector<1x16xf32>,
    %swap3A_1427 = vector.shape_cast %swap3A_1426 : vector<1x16xf32> to vector<16xf32>
    %swap3A_1428 = vector.shape_cast %broadcast_in_dim3A_966 : vector<16xf32> to vector<1x16xf32>
    tpu.vector_store %arg12[%swap3A_1424, %swap3A_1425], %swap3A_1428 {strides = array<i32>} : memref<20x64xf32, #tpu.memory_space<vmem>>, vector<1x16xf32>,
    %swap3A_1429 = arith.constant 19 : i32
    %swap3A_1430 = arith.index_cast %swap3A_1429 : i32 to index
    %swap3A_1431 = arith.constant 16 : index
    %swap3A_1432 = tpu.vector_load %arg12[%swap3A_1430, %swap3A_1431] {strides = array<i32>} : memref<20x64xf32, #tpu.memory_space<vmem>>, vector<1x16xf32>,
    %swap3A_1433 = vector.shape_cast %swap3A_1432 : vector<1x16xf32> to vector<16xf32>
    %swap3A_1434 = vector.shape_cast %broadcast_in_dim3A_966 : vector<16xf32> to vector<1x16xf32>
    tpu.vector_store %arg12[%swap3A_1430, %swap3A_1431], %swap3A_1434 {strides = array<i32>} : memref<20x64xf32, #tpu.memory_space<vmem>>, vector<1x16xf32>,
    %swap3A_1435 = arith.constant 19 : i32
    %swap3A_1436 = arith.index_cast %swap3A_1435 : i32 to index
    %swap3A_1437 = arith.constant 32 : index
    %swap3A_1438 = tpu.vector_load %arg12[%swap3A_1436, %swap3A_1437] {strides = array<i32>} : memref<20x64xf32, #tpu.memory_space<vmem>>, vector<1x16xf32>,
    %swap3A_1439 = vector.shape_cast %swap3A_1438 : vector<1x16xf32> to vector<16xf32>
    %swap3A_1440 = vector.shape_cast %broadcast_in_dim3A_966 : vector<16xf32> to vector<1x16xf32>
    tpu.vector_store %arg12[%swap3A_1436, %swap3A_1437], %swap3A_1440 {strides = array<i32>} : memref<20x64xf32, #tpu.memory_space<vmem>>, vector<1x16xf32>,
    %swap3A_1441 = arith.constant 19 : i32
    %swap3A_1442 = arith.index_cast %swap3A_1441 : i32 to index
    %swap3A_1443 = arith.constant 48 : index
    %swap3A_1444 = tpu.vector_load %arg12[%swap3A_1442, %swap3A_1443] {strides = array<i32>} : memref<20x64xf32, #tpu.memory_space<vmem>>, vector<1x16xf32>,
    %swap3A_1445 = vector.shape_cast %swap3A_1444 : vector<1x16xf32> to vector<16xf32>
    %swap3A_1446 = vector.shape_cast %broadcast_in_dim3A_966 : vector<16xf32> to vector<1x16xf32>
    tpu.vector_store %arg12[%swap3A_1442, %swap3A_1443], %swap3A_1446 {strides = array<i32>} : memref<20x64xf32, #tpu.memory_space<vmem>>, vector<1x16xf32>,
    %mul3A_1447 = arith.constant 2 : i32
    %mul3A_1448 = arith.muli %arg1, %mul3A_1447 : i32
    %mul3A_1449 = arith.constant 20 : i32
    %mul3A_1450 = arith.muli %mul3A_1448, %mul3A_1449 : i32
    "tpu.region"() ({
      %run_scoped3A = tpu.sem_alloc : memref<!tpu.dma_semaphore, #tpu.memory_space<semaphore_mem>>
      %dma_start3A_1939 = arith.constant 0 : i32
      %dma_start3A_1940 = tpu.memref_slice %arg13[%mul3A_1450, %dma_start3A_1939] : memref<640x64xf32, #tpu.memory_space<vmem_shared>> -> memref<20x64xf32, #tpu.memory_space<vmem_shared>>
      %dma_start3A_1941 = arith.constant 0 : i32
      %dma_start3A_1942 = tpu.memref_slice %arg13[%mul3A_1450, %dma_start3A_1941] : memref<640x64xf32, #tpu.memory_space<vmem_shared>> -> memref<20x64xf32, #tpu.memory_space<vmem_shared>>
      tpu.enqueue_dma source(%arg12 : memref<20x64xf32, #tpu.memory_space<vmem>>) target(%dma_start3A_1942 : memref<20x64xf32, #tpu.memory_space<vmem_shared>>) target_semaphore(%run_scoped3A : memref<!tpu.dma_semaphore, #tpu.memory_space<semaphore_mem>>)
      %dma_wait3A_1943 = arith.constant 0 : i32
      %dma_wait3A_1944 = tpu.memref_slice %arg13[%mul3A_1450, %dma_wait3A_1943] : memref<640x64xf32, #tpu.memory_space<vmem_shared>> -> memref<20x64xf32, #tpu.memory_space<vmem_shared>>
      %dma_wait3A_1945 = arith.constant 0 : i32
      %dma_wait3A_1946 = tpu.memref_slice %arg13[%mul3A_1450, %dma_wait3A_1945] : memref<640x64xf32, #tpu.memory_space<vmem_shared>> -> memref<20x64xf32, #tpu.memory_space<vmem_shared>>
      tpu.wait_dma2 semaphore(%run_scoped3A : memref<!tpu.dma_semaphore, #tpu.memory_space<semaphore_mem>>) src(%arg12 : memref<20x64xf32, #tpu.memory_space<vmem>>) dst(%dma_wait3A_1946 : memref<20x64xf32, #tpu.memory_space<vmem_shared>>)
      tpu.yield
    }) : () -> ()
    %mul3A_1451 = arith.constant 2 : i32
    %mul3A_1452 = arith.muli %arg1, %mul3A_1451 : i32
    %mul3A_1453 = arith.constant 20 : i32
    %mul3A_1454 = arith.muli %mul3A_1452, %mul3A_1453 : i32
    %add3A_1455 = arith.constant 20 : i32
    %add3A_1456 = arith.addi %mul3A_1454, %add3A_1455 : i32
    "tpu.region"() ({
      %run_scoped3A = tpu.sem_alloc : memref<!tpu.dma_semaphore, #tpu.memory_space<semaphore_mem>>
      %dma_start3A_1939 = arith.constant 0 : i32
      %dma_start3A_1940 = tpu.memref_slice %arg13[%add3A_1456, %dma_start3A_1939] : memref<640x64xf32, #tpu.memory_space<vmem_shared>> -> memref<20x64xf32, #tpu.memory_space<vmem_shared>>
      %dma_start3A_1941 = arith.constant 0 : i32
      %dma_start3A_1942 = tpu.memref_slice %arg13[%add3A_1456, %dma_start3A_1941] : memref<640x64xf32, #tpu.memory_space<vmem_shared>> -> memref<20x64xf32, #tpu.memory_space<vmem_shared>>
      tpu.enqueue_dma source(%arg12 : memref<20x64xf32, #tpu.memory_space<vmem>>) target(%dma_start3A_1942 : memref<20x64xf32, #tpu.memory_space<vmem_shared>>) target_semaphore(%run_scoped3A : memref<!tpu.dma_semaphore, #tpu.memory_space<semaphore_mem>>)
      %dma_wait3A_1943 = arith.constant 0 : i32
      %dma_wait3A_1944 = tpu.memref_slice %arg13[%add3A_1456, %dma_wait3A_1943] : memref<640x64xf32, #tpu.memory_space<vmem_shared>> -> memref<20x64xf32, #tpu.memory_space<vmem_shared>>
      %dma_wait3A_1945 = arith.constant 0 : i32
      %dma_wait3A_1946 = tpu.memref_slice %arg13[%add3A_1456, %dma_wait3A_1945] : memref<640x64xf32, #tpu.memory_space<vmem_shared>> -> memref<20x64xf32, #tpu.memory_space<vmem_shared>>
      tpu.wait_dma2 semaphore(%run_scoped3A : memref<!tpu.dma_semaphore, #tpu.memory_space<semaphore_mem>>) src(%arg12 : memref<20x64xf32, #tpu.memory_space<vmem>>) dst(%dma_wait3A_1946 : memref<20x64xf32, #tpu.memory_space<vmem_shared>>)
      tpu.yield
    }) : () -> ()
    %dma_start3A = arith.constant 0 : i32
    %dma_start3A_1457 = tpu.memref_slice %arg6[%dma_start3A] : memref<2560xi32, #tpu.memory_space<vmem>> -> memref<128xi32, #tpu.memory_space<vmem>>
    %dma_start3A_1458 = arith.constant 0 : i32
    %dma_start3A_1459 = arith.constant 0 : i32
    %dma_start3A_1460 = tpu.memref_slice %arg3[%dma_start3A_1458, %dma_start3A_1459] : memref<100000x64xf32, #tpu.memory_space<hbm>> -> memref<100000x64xf32, #tpu.memory_space<hbm>>
    tpu.enqueue_indirect_dma source(%dma_start3A_1460 : memref<100000x64xf32, #tpu.memory_space<hbm>>) target(%arg7 : memref<128x64xf32, #tpu.memory_space<vmem>>) offsets(%dma_start3A_1457 : memref<128xi32, #tpu.memory_space<vmem>>) semaphore(%arg14 : memref<!tpu.dma_semaphore, #tpu.memory_space<semaphore_mem>>)
    %dma_start3A_1461 = arith.constant 128 : i32
    %dma_start3A_1462 = tpu.memref_slice %arg6[%dma_start3A_1461] : memref<2560xi32, #tpu.memory_space<vmem>> -> memref<128xi32, #tpu.memory_space<vmem>>
    %dma_start3A_1463 = arith.constant 0 : i32
    %dma_start3A_1464 = arith.constant 0 : i32
    %dma_start3A_1465 = tpu.memref_slice %arg3[%dma_start3A_1463, %dma_start3A_1464] : memref<100000x64xf32, #tpu.memory_space<hbm>> -> memref<100000x64xf32, #tpu.memory_space<hbm>>
    tpu.enqueue_indirect_dma source(%dma_start3A_1465 : memref<100000x64xf32, #tpu.memory_space<hbm>>) target(%arg8 : memref<128x64xf32, #tpu.memory_space<vmem>>) offsets(%dma_start3A_1462 : memref<128xi32, #tpu.memory_space<vmem>>) semaphore(%arg15 : memref<!tpu.dma_semaphore, #tpu.memory_space<semaphore_mem>>)
    %dma_start3A_1466 = arith.constant 256 : i32
    %dma_start3A_1467 = tpu.memref_slice %arg6[%dma_start3A_1466] : memref<2560xi32, #tpu.memory_space<vmem>> -> memref<128xi32, #tpu.memory_space<vmem>>
    %dma_start3A_1468 = arith.constant 0 : i32
    %dma_start3A_1469 = arith.constant 0 : i32
    %dma_start3A_1470 = tpu.memref_slice %arg3[%dma_start3A_1468, %dma_start3A_1469] : memref<100000x64xf32, #tpu.memory_space<hbm>> -> memref<100000x64xf32, #tpu.memory_space<hbm>>
    tpu.enqueue_indirect_dma source(%dma_start3A_1470 : memref<100000x64xf32, #tpu.memory_space<hbm>>) target(%arg9 : memref<128x64xf32, #tpu.memory_space<vmem>>) offsets(%dma_start3A_1467 : memref<128xi32, #tpu.memory_space<vmem>>) semaphore(%arg16 : memref<!tpu.dma_semaphore, #tpu.memory_space<semaphore_mem>>)
    %dma_start3A_1471 = arith.constant 384 : i32
    %dma_start3A_1472 = tpu.memref_slice %arg6[%dma_start3A_1471] : memref<2560xi32, #tpu.memory_space<vmem>> -> memref<128xi32, #tpu.memory_space<vmem>>
    %dma_start3A_1473 = arith.constant 0 : i32
    %dma_start3A_1474 = arith.constant 0 : i32
    %dma_start3A_1475 = tpu.memref_slice %arg3[%dma_start3A_1473, %dma_start3A_1474] : memref<100000x64xf32, #tpu.memory_space<hbm>> -> memref<100000x64xf32, #tpu.memory_space<hbm>>
    tpu.enqueue_indirect_dma source(%dma_start3A_1475 : memref<100000x64xf32, #tpu.memory_space<hbm>>) target(%arg10 : memref<128x64xf32, #tpu.memory_space<vmem>>) offsets(%dma_start3A_1472 : memref<128xi32, #tpu.memory_space<vmem>>) semaphore(%arg17 : memref<!tpu.dma_semaphore, #tpu.memory_space<semaphore_mem>>)
    %dma_wait3A = arith.constant 0 : i32
    %dma_wait3A_1476 = tpu.memref_slice %arg6[%dma_wait3A] : memref<2560xi32, #tpu.memory_space<vmem>> -> memref<128xi32, #tpu.memory_space<vmem>>
    %dma_wait3A_1477 = arith.constant 0 : i32
    %dma_wait3A_1478 = arith.constant 0 : i32
    %dma_wait3A_1479 = tpu.memref_slice %arg3[%dma_wait3A_1477, %dma_wait3A_1478] : memref<100000x64xf32, #tpu.memory_space<hbm>> -> memref<100000x64xf32, #tpu.memory_space<hbm>>
    tpu.wait_indirect_dma semaphore(%arg14 : memref<!tpu.dma_semaphore, #tpu.memory_space<semaphore_mem>>) src(%dma_wait3A_1479 : memref<100000x64xf32, #tpu.memory_space<hbm>>) dst(%arg7 : memref<128x64xf32, #tpu.memory_space<vmem>>)
    %dma_start3A_1480 = arith.constant 0 : i32
    %dma_start3A_1481 = arith.constant 0 : i32
    %dma_start3A_1482 = tpu.memref_slice %arg11[%dma_start3A_1480, %dma_start3A_1481] : memref<10x128xi32, #tpu.memory_space<vmem>> -> memref<1x128xi32, #tpu.memory_space<vmem>>
    %dma_start3A_1483 = tpu.memref_squeeze %dma_start3A_1482 : memref<1x128xi32, #tpu.memory_space<vmem>> -> memref<128xi32, #tpu.memory_space<vmem>>
    %dma_start3A_1484 = arith.constant 0 : i32
    %dma_start3A_1485 = arith.constant 0 : i32
    %dma_start3A_1486 = tpu.memref_slice %arg13[%dma_start3A_1484, %dma_start3A_1485] : memref<640x64xf32, #tpu.memory_space<vmem_shared>> -> memref<640x64xf32, #tpu.memory_space<vmem_shared>>
    tpu.enqueue_indirect_dma source(%arg7 : memref<128x64xf32, #tpu.memory_space<vmem>>) target(%dma_start3A_1486 : memref<640x64xf32, #tpu.memory_space<vmem_shared>>) offsets(%dma_start3A_1483 : memref<128xi32, #tpu.memory_space<vmem>>) semaphore(%arg18 : memref<!tpu.dma_semaphore, #tpu.memory_space<semaphore_mem>>) {add = true}
    %dma_wait3A_1487 = arith.constant 128 : i32
    %dma_wait3A_1488 = tpu.memref_slice %arg6[%dma_wait3A_1487] : memref<2560xi32, #tpu.memory_space<vmem>> -> memref<128xi32, #tpu.memory_space<vmem>>
    %dma_wait3A_1489 = arith.constant 0 : i32
    %dma_wait3A_1490 = arith.constant 0 : i32
    %dma_wait3A_1491 = tpu.memref_slice %arg3[%dma_wait3A_1489, %dma_wait3A_1490] : memref<100000x64xf32, #tpu.memory_space<hbm>> -> memref<100000x64xf32, #tpu.memory_space<hbm>>
    tpu.wait_indirect_dma semaphore(%arg15 : memref<!tpu.dma_semaphore, #tpu.memory_space<semaphore_mem>>) src(%dma_wait3A_1491 : memref<100000x64xf32, #tpu.memory_space<hbm>>) dst(%arg8 : memref<128x64xf32, #tpu.memory_space<vmem>>)
    %dma_start3A_1492 = arith.constant 6 : i32
    %dma_start3A_1493 = arith.constant 0 : i32
    %dma_start3A_1494 = tpu.memref_slice %arg11[%dma_start3A_1492, %dma_start3A_1493] : memref<10x128xi32, #tpu.memory_space<vmem>> -> memref<1x128xi32, #tpu.memory_space<vmem>>
    %dma_start3A_1495 = tpu.memref_squeeze %dma_start3A_1494 : memref<1x128xi32, #tpu.memory_space<vmem>> -> memref<128xi32, #tpu.memory_space<vmem>>
    %dma_start3A_1496 = arith.constant 0 : i32
    %dma_start3A_1497 = arith.constant 0 : i32
    %dma_start3A_1498 = tpu.memref_slice %arg13[%dma_start3A_1496, %dma_start3A_1497] : memref<640x64xf32, #tpu.memory_space<vmem_shared>> -> memref<640x64xf32, #tpu.memory_space<vmem_shared>>
    tpu.enqueue_indirect_dma source(%arg8 : memref<128x64xf32, #tpu.memory_space<vmem>>) target(%dma_start3A_1498 : memref<640x64xf32, #tpu.memory_space<vmem_shared>>) offsets(%dma_start3A_1495 : memref<128xi32, #tpu.memory_space<vmem>>) semaphore(%arg19 : memref<!tpu.dma_semaphore, #tpu.memory_space<semaphore_mem>>) {add = true}
    %dma_wait3A_1499 = arith.constant 0 : i32
    %dma_wait3A_1500 = arith.constant 0 : i32
    %dma_wait3A_1501 = tpu.memref_slice %arg11[%dma_wait3A_1499, %dma_wait3A_1500] : memref<10x128xi32, #tpu.memory_space<vmem>> -> memref<1x128xi32, #tpu.memory_space<vmem>>
    %dma_wait3A_1502 = tpu.memref_squeeze %dma_wait3A_1501 : memref<1x128xi32, #tpu.memory_space<vmem>> -> memref<128xi32, #tpu.memory_space<vmem>>
    %dma_wait3A_1503 = arith.constant 0 : i32
    %dma_wait3A_1504 = arith.constant 0 : i32
    %dma_wait3A_1505 = tpu.memref_slice %arg13[%dma_wait3A_1503, %dma_wait3A_1504] : memref<640x64xf32, #tpu.memory_space<vmem_shared>> -> memref<640x64xf32, #tpu.memory_space<vmem_shared>>
    tpu.wait_indirect_dma semaphore(%arg18 : memref<!tpu.dma_semaphore, #tpu.memory_space<semaphore_mem>>) src(%arg7 : memref<128x64xf32, #tpu.memory_space<vmem>>) dst(%dma_wait3A_1505 : memref<640x64xf32, #tpu.memory_space<vmem_shared>>)
    %dma_start3A_1506 = arith.constant 512 : i32
    %dma_start3A_1507 = tpu.memref_slice %arg6[%dma_start3A_1506] : memref<2560xi32, #tpu.memory_space<vmem>> -> memref<128xi32, #tpu.memory_space<vmem>>
    %dma_start3A_1508 = arith.constant 0 : i32
    %dma_start3A_1509 = arith.constant 0 : i32
    %dma_start3A_1510 = tpu.memref_slice %arg3[%dma_start3A_1508, %dma_start3A_1509] : memref<100000x64xf32, #tpu.memory_space<hbm>> -> memref<100000x64xf32, #tpu.memory_space<hbm>>
    tpu.enqueue_indirect_dma source(%dma_start3A_1510 : memref<100000x64xf32, #tpu.memory_space<hbm>>) target(%arg7 : memref<128x64xf32, #tpu.memory_space<vmem>>) offsets(%dma_start3A_1507 : memref<128xi32, #tpu.memory_space<vmem>>) semaphore(%arg14 : memref<!tpu.dma_semaphore, #tpu.memory_space<semaphore_mem>>)
    %dma_wait3A_1511 = arith.constant 256 : i32
    %dma_wait3A_1512 = tpu.memref_slice %arg6[%dma_wait3A_1511] : memref<2560xi32, #tpu.memory_space<vmem>> -> memref<128xi32, #tpu.memory_space<vmem>>
    %dma_wait3A_1513 = arith.constant 0 : i32
    %dma_wait3A_1514 = arith.constant 0 : i32
    %dma_wait3A_1515 = tpu.memref_slice %arg3[%dma_wait3A_1513, %dma_wait3A_1514] : memref<100000x64xf32, #tpu.memory_space<hbm>> -> memref<100000x64xf32, #tpu.memory_space<hbm>>
    tpu.wait_indirect_dma semaphore(%arg16 : memref<!tpu.dma_semaphore, #tpu.memory_space<semaphore_mem>>) src(%dma_wait3A_1515 : memref<100000x64xf32, #tpu.memory_space<hbm>>) dst(%arg9 : memref<128x64xf32, #tpu.memory_space<vmem>>)
    %dma_start3A_1516 = arith.constant 2 : i32
    %dma_start3A_1517 = arith.constant 0 : i32
    %dma_start3A_1518 = tpu.memref_slice %arg11[%dma_start3A_1516, %dma_start3A_1517] : memref<10x128xi32, #tpu.memory_space<vmem>> -> memref<1x128xi32, #tpu.memory_space<vmem>>
    %dma_start3A_1519 = tpu.memref_squeeze %dma_start3A_1518 : memref<1x128xi32, #tpu.memory_space<vmem>> -> memref<128xi32, #tpu.memory_space<vmem>>
    %dma_start3A_1520 = arith.constant 0 : i32
    %dma_start3A_1521 = arith.constant 0 : i32
    %dma_start3A_1522 = tpu.memref_slice %arg13[%dma_start3A_1520, %dma_start3A_1521] : memref<640x64xf32, #tpu.memory_space<vmem_shared>> -> memref<640x64xf32, #tpu.memory_space<vmem_shared>>
    tpu.enqueue_indirect_dma source(%arg9 : memref<128x64xf32, #tpu.memory_space<vmem>>) target(%dma_start3A_1522 : memref<640x64xf32, #tpu.memory_space<vmem_shared>>) offsets(%dma_start3A_1519 : memref<128xi32, #tpu.memory_space<vmem>>) semaphore(%arg20 : memref<!tpu.dma_semaphore, #tpu.memory_space<semaphore_mem>>) {add = true}
    %dma_wait3A_1523 = arith.constant 6 : i32
    %dma_wait3A_1524 = arith.constant 0 : i32
    %dma_wait3A_1525 = tpu.memref_slice %arg11[%dma_wait3A_1523, %dma_wait3A_1524] : memref<10x128xi32, #tpu.memory_space<vmem>> -> memref<1x128xi32, #tpu.memory_space<vmem>>
    %dma_wait3A_1526 = tpu.memref_squeeze %dma_wait3A_1525 : memref<1x128xi32, #tpu.memory_space<vmem>> -> memref<128xi32, #tpu.memory_space<vmem>>
    %dma_wait3A_1527 = arith.constant 0 : i32
    %dma_wait3A_1528 = arith.constant 0 : i32
    %dma_wait3A_1529 = tpu.memref_slice %arg13[%dma_wait3A_1527, %dma_wait3A_1528] : memref<640x64xf32, #tpu.memory_space<vmem_shared>> -> memref<640x64xf32, #tpu.memory_space<vmem_shared>>
    tpu.wait_indirect_dma semaphore(%arg19 : memref<!tpu.dma_semaphore, #tpu.memory_space<semaphore_mem>>) src(%arg8 : memref<128x64xf32, #tpu.memory_space<vmem>>) dst(%dma_wait3A_1529 : memref<640x64xf32, #tpu.memory_space<vmem_shared>>)
    %dma_start3A_1530 = arith.constant 640 : i32
    %dma_start3A_1531 = tpu.memref_slice %arg6[%dma_start3A_1530] : memref<2560xi32, #tpu.memory_space<vmem>> -> memref<128xi32, #tpu.memory_space<vmem>>
    %dma_start3A_1532 = arith.constant 0 : i32
    %dma_start3A_1533 = arith.constant 0 : i32
    %dma_start3A_1534 = tpu.memref_slice %arg3[%dma_start3A_1532, %dma_start3A_1533] : memref<100000x64xf32, #tpu.memory_space<hbm>> -> memref<100000x64xf32, #tpu.memory_space<hbm>>
    tpu.enqueue_indirect_dma source(%dma_start3A_1534 : memref<100000x64xf32, #tpu.memory_space<hbm>>) target(%arg8 : memref<128x64xf32, #tpu.memory_space<vmem>>) offsets(%dma_start3A_1531 : memref<128xi32, #tpu.memory_space<vmem>>) semaphore(%arg15 : memref<!tpu.dma_semaphore, #tpu.memory_space<semaphore_mem>>)
    %dma_wait3A_1535 = arith.constant 384 : i32
    %dma_wait3A_1536 = tpu.memref_slice %arg6[%dma_wait3A_1535] : memref<2560xi32, #tpu.memory_space<vmem>> -> memref<128xi32, #tpu.memory_space<vmem>>
    %dma_wait3A_1537 = arith.constant 0 : i32
    %dma_wait3A_1538 = arith.constant 0 : i32
    %dma_wait3A_1539 = tpu.memref_slice %arg3[%dma_wait3A_1537, %dma_wait3A_1538] : memref<100000x64xf32, #tpu.memory_space<hbm>> -> memref<100000x64xf32, #tpu.memory_space<hbm>>
    tpu.wait_indirect_dma semaphore(%arg17 : memref<!tpu.dma_semaphore, #tpu.memory_space<semaphore_mem>>) src(%dma_wait3A_1539 : memref<100000x64xf32, #tpu.memory_space<hbm>>) dst(%arg10 : memref<128x64xf32, #tpu.memory_space<vmem>>)
    %dma_start3A_1540 = arith.constant 8 : i32
    %dma_start3A_1541 = arith.constant 0 : i32
    %dma_start3A_1542 = tpu.memref_slice %arg11[%dma_start3A_1540, %dma_start3A_1541] : memref<10x128xi32, #tpu.memory_space<vmem>> -> memref<1x128xi32, #tpu.memory_space<vmem>>
    %dma_start3A_1543 = tpu.memref_squeeze %dma_start3A_1542 : memref<1x128xi32, #tpu.memory_space<vmem>> -> memref<128xi32, #tpu.memory_space<vmem>>
    %dma_start3A_1544 = arith.constant 0 : i32
    %dma_start3A_1545 = arith.constant 0 : i32
    %dma_start3A_1546 = tpu.memref_slice %arg13[%dma_start3A_1544, %dma_start3A_1545] : memref<640x64xf32, #tpu.memory_space<vmem_shared>> -> memref<640x64xf32, #tpu.memory_space<vmem_shared>>
    tpu.enqueue_indirect_dma source(%arg10 : memref<128x64xf32, #tpu.memory_space<vmem>>) target(%dma_start3A_1546 : memref<640x64xf32, #tpu.memory_space<vmem_shared>>) offsets(%dma_start3A_1543 : memref<128xi32, #tpu.memory_space<vmem>>) semaphore(%arg21 : memref<!tpu.dma_semaphore, #tpu.memory_space<semaphore_mem>>) {add = true}
    %dma_wait3A_1547 = arith.constant 2 : i32
    %dma_wait3A_1548 = arith.constant 0 : i32
    %dma_wait3A_1549 = tpu.memref_slice %arg11[%dma_wait3A_1547, %dma_wait3A_1548] : memref<10x128xi32, #tpu.memory_space<vmem>> -> memref<1x128xi32, #tpu.memory_space<vmem>>
    %dma_wait3A_1550 = tpu.memref_squeeze %dma_wait3A_1549 : memref<1x128xi32, #tpu.memory_space<vmem>> -> memref<128xi32, #tpu.memory_space<vmem>>
    %dma_wait3A_1551 = arith.constant 0 : i32
    %dma_wait3A_1552 = arith.constant 0 : i32
    %dma_wait3A_1553 = tpu.memref_slice %arg13[%dma_wait3A_1551, %dma_wait3A_1552] : memref<640x64xf32, #tpu.memory_space<vmem_shared>> -> memref<640x64xf32, #tpu.memory_space<vmem_shared>>
    tpu.wait_indirect_dma semaphore(%arg20 : memref<!tpu.dma_semaphore, #tpu.memory_space<semaphore_mem>>) src(%arg9 : memref<128x64xf32, #tpu.memory_space<vmem>>) dst(%dma_wait3A_1553 : memref<640x64xf32, #tpu.memory_space<vmem_shared>>)
    %dma_start3A_1554 = arith.constant 768 : i32
    %dma_start3A_1555 = tpu.memref_slice %arg6[%dma_start3A_1554] : memref<2560xi32, #tpu.memory_space<vmem>> -> memref<128xi32, #tpu.memory_space<vmem>>
    %dma_start3A_1556 = arith.constant 0 : i32
    %dma_start3A_1557 = arith.constant 0 : i32
    %dma_start3A_1558 = tpu.memref_slice %arg3[%dma_start3A_1556, %dma_start3A_1557] : memref<100000x64xf32, #tpu.memory_space<hbm>> -> memref<100000x64xf32, #tpu.memory_space<hbm>>
    tpu.enqueue_indirect_dma source(%dma_start3A_1558 : memref<100000x64xf32, #tpu.memory_space<hbm>>) target(%arg9 : memref<128x64xf32, #tpu.memory_space<vmem>>) offsets(%dma_start3A_1555 : memref<128xi32, #tpu.memory_space<vmem>>) semaphore(%arg16 : memref<!tpu.dma_semaphore, #tpu.memory_space<semaphore_mem>>)
    %dma_wait3A_1559 = arith.constant 512 : i32
    %dma_wait3A_1560 = tpu.memref_slice %arg6[%dma_wait3A_1559] : memref<2560xi32, #tpu.memory_space<vmem>> -> memref<128xi32, #tpu.memory_space<vmem>>
    %dma_wait3A_1561 = arith.constant 0 : i32
    %dma_wait3A_1562 = arith.constant 0 : i32
    %dma_wait3A_1563 = tpu.memref_slice %arg3[%dma_wait3A_1561, %dma_wait3A_1562] : memref<100000x64xf32, #tpu.memory_space<hbm>> -> memref<100000x64xf32, #tpu.memory_space<hbm>>
    tpu.wait_indirect_dma semaphore(%arg14 : memref<!tpu.dma_semaphore, #tpu.memory_space<semaphore_mem>>) src(%dma_wait3A_1563 : memref<100000x64xf32, #tpu.memory_space<hbm>>) dst(%arg7 : memref<128x64xf32, #tpu.memory_space<vmem>>)
    %dma_start3A_1564 = arith.constant 4 : i32
    %dma_start3A_1565 = arith.constant 0 : i32
    %dma_start3A_1566 = tpu.memref_slice %arg11[%dma_start3A_1564, %dma_start3A_1565] : memref<10x128xi32, #tpu.memory_space<vmem>> -> memref<1x128xi32, #tpu.memory_space<vmem>>
    %dma_start3A_1567 = tpu.memref_squeeze %dma_start3A_1566 : memref<1x128xi32, #tpu.memory_space<vmem>> -> memref<128xi32, #tpu.memory_space<vmem>>
    %dma_start3A_1568 = arith.constant 0 : i32
    %dma_start3A_1569 = arith.constant 0 : i32
    %dma_start3A_1570 = tpu.memref_slice %arg13[%dma_start3A_1568, %dma_start3A_1569] : memref<640x64xf32, #tpu.memory_space<vmem_shared>> -> memref<640x64xf32, #tpu.memory_space<vmem_shared>>
    tpu.enqueue_indirect_dma source(%arg7 : memref<128x64xf32, #tpu.memory_space<vmem>>) target(%dma_start3A_1570 : memref<640x64xf32, #tpu.memory_space<vmem_shared>>) offsets(%dma_start3A_1567 : memref<128xi32, #tpu.memory_space<vmem>>) semaphore(%arg18 : memref<!tpu.dma_semaphore, #tpu.memory_space<semaphore_mem>>) {add = true}
    %dma_wait3A_1571 = arith.constant 8 : i32
    %dma_wait3A_1572 = arith.constant 0 : i32
    %dma_wait3A_1573 = tpu.memref_slice %arg11[%dma_wait3A_1571, %dma_wait3A_1572] : memref<10x128xi32, #tpu.memory_space<vmem>> -> memref<1x128xi32, #tpu.memory_space<vmem>>
    %dma_wait3A_1574 = tpu.memref_squeeze %dma_wait3A_1573 : memref<1x128xi32, #tpu.memory_space<vmem>> -> memref<128xi32, #tpu.memory_space<vmem>>
    %dma_wait3A_1575 = arith.constant 0 : i32
    %dma_wait3A_1576 = arith.constant 0 : i32
    %dma_wait3A_1577 = tpu.memref_slice %arg13[%dma_wait3A_1575, %dma_wait3A_1576] : memref<640x64xf32, #tpu.memory_space<vmem_shared>> -> memref<640x64xf32, #tpu.memory_space<vmem_shared>>
    tpu.wait_indirect_dma semaphore(%arg21 : memref<!tpu.dma_semaphore, #tpu.memory_space<semaphore_mem>>) src(%arg10 : memref<128x64xf32, #tpu.memory_space<vmem>>) dst(%dma_wait3A_1577 : memref<640x64xf32, #tpu.memory_space<vmem_shared>>)
    %dma_start3A_1578 = arith.constant 896 : i32
    %dma_start3A_1579 = tpu.memref_slice %arg6[%dma_start3A_1578] : memref<2560xi32, #tpu.memory_space<vmem>> -> memref<128xi32, #tpu.memory_space<vmem>>
    %dma_start3A_1580 = arith.constant 0 : i32
    %dma_start3A_1581 = arith.constant 0 : i32
    %dma_start3A_1582 = tpu.memref_slice %arg3[%dma_start3A_1580, %dma_start3A_1581] : memref<100000x64xf32, #tpu.memory_space<hbm>> -> memref<100000x64xf32, #tpu.memory_space<hbm>>
    tpu.enqueue_indirect_dma source(%dma_start3A_1582 : memref<100000x64xf32, #tpu.memory_space<hbm>>) target(%arg10 : memref<128x64xf32, #tpu.memory_space<vmem>>) offsets(%dma_start3A_1579 : memref<128xi32, #tpu.memory_space<vmem>>) semaphore(%arg17 : memref<!tpu.dma_semaphore, #tpu.memory_space<semaphore_mem>>)
    %dma_wait3A_1583 = arith.constant 640 : i32
    %dma_wait3A_1584 = tpu.memref_slice %arg6[%dma_wait3A_1583] : memref<2560xi32, #tpu.memory_space<vmem>> -> memref<128xi32, #tpu.memory_space<vmem>>
    %dma_wait3A_1585 = arith.constant 0 : i32
    %dma_wait3A_1586 = arith.constant 0 : i32
    %dma_wait3A_1587 = tpu.memref_slice %arg3[%dma_wait3A_1585, %dma_wait3A_1586] : memref<100000x64xf32, #tpu.memory_space<hbm>> -> memref<100000x64xf32, #tpu.memory_space<hbm>>
    tpu.wait_indirect_dma semaphore(%arg15 : memref<!tpu.dma_semaphore, #tpu.memory_space<semaphore_mem>>) src(%dma_wait3A_1587 : memref<100000x64xf32, #tpu.memory_space<hbm>>) dst(%arg8 : memref<128x64xf32, #tpu.memory_space<vmem>>)
    %dma_start3A_1588 = arith.constant 5 : i32
    %dma_start3A_1589 = arith.constant 0 : i32
    %dma_start3A_1590 = tpu.memref_slice %arg11[%dma_start3A_1588, %dma_start3A_1589] : memref<10x128xi32, #tpu.memory_space<vmem>> -> memref<1x128xi32, #tpu.memory_space<vmem>>
    %dma_start3A_1591 = tpu.memref_squeeze %dma_start3A_1590 : memref<1x128xi32, #tpu.memory_space<vmem>> -> memref<128xi32, #tpu.memory_space<vmem>>
    %dma_start3A_1592 = arith.constant 0 : i32
    %dma_start3A_1593 = arith.constant 0 : i32
    %dma_start3A_1594 = tpu.memref_slice %arg13[%dma_start3A_1592, %dma_start3A_1593] : memref<640x64xf32, #tpu.memory_space<vmem_shared>> -> memref<640x64xf32, #tpu.memory_space<vmem_shared>>
    tpu.enqueue_indirect_dma source(%arg8 : memref<128x64xf32, #tpu.memory_space<vmem>>) target(%dma_start3A_1594 : memref<640x64xf32, #tpu.memory_space<vmem_shared>>) offsets(%dma_start3A_1591 : memref<128xi32, #tpu.memory_space<vmem>>) semaphore(%arg19 : memref<!tpu.dma_semaphore, #tpu.memory_space<semaphore_mem>>) {add = true}
    %dma_wait3A_1595 = arith.constant 4 : i32
    %dma_wait3A_1596 = arith.constant 0 : i32
    %dma_wait3A_1597 = tpu.memref_slice %arg11[%dma_wait3A_1595, %dma_wait3A_1596] : memref<10x128xi32, #tpu.memory_space<vmem>> -> memref<1x128xi32, #tpu.memory_space<vmem>>
    %dma_wait3A_1598 = tpu.memref_squeeze %dma_wait3A_1597 : memref<1x128xi32, #tpu.memory_space<vmem>> -> memref<128xi32, #tpu.memory_space<vmem>>
    %dma_wait3A_1599 = arith.constant 0 : i32
    %dma_wait3A_1600 = arith.constant 0 : i32
    %dma_wait3A_1601 = tpu.memref_slice %arg13[%dma_wait3A_1599, %dma_wait3A_1600] : memref<640x64xf32, #tpu.memory_space<vmem_shared>> -> memref<640x64xf32, #tpu.memory_space<vmem_shared>>
    tpu.wait_indirect_dma semaphore(%arg18 : memref<!tpu.dma_semaphore, #tpu.memory_space<semaphore_mem>>) src(%arg7 : memref<128x64xf32, #tpu.memory_space<vmem>>) dst(%dma_wait3A_1601 : memref<640x64xf32, #tpu.memory_space<vmem_shared>>)
    %dma_start3A_1602 = arith.constant 1024 : i32
    %dma_start3A_1603 = tpu.memref_slice %arg6[%dma_start3A_1602] : memref<2560xi32, #tpu.memory_space<vmem>> -> memref<128xi32, #tpu.memory_space<vmem>>
    %dma_start3A_1604 = arith.constant 0 : i32
    %dma_start3A_1605 = arith.constant 0 : i32
    %dma_start3A_1606 = tpu.memref_slice %arg3[%dma_start3A_1604, %dma_start3A_1605] : memref<100000x64xf32, #tpu.memory_space<hbm>> -> memref<100000x64xf32, #tpu.memory_space<hbm>>
    tpu.enqueue_indirect_dma source(%dma_start3A_1606 : memref<100000x64xf32, #tpu.memory_space<hbm>>) target(%arg7 : memref<128x64xf32, #tpu.memory_space<vmem>>) offsets(%dma_start3A_1603 : memref<128xi32, #tpu.memory_space<vmem>>) semaphore(%arg14 : memref<!tpu.dma_semaphore, #tpu.memory_space<semaphore_mem>>)
    %dma_wait3A_1607 = arith.constant 768 : i32
    %dma_wait3A_1608 = tpu.memref_slice %arg6[%dma_wait3A_1607] : memref<2560xi32, #tpu.memory_space<vmem>> -> memref<128xi32, #tpu.memory_space<vmem>>
    %dma_wait3A_1609 = arith.constant 0 : i32
    %dma_wait3A_1610 = arith.constant 0 : i32
    %dma_wait3A_1611 = tpu.memref_slice %arg3[%dma_wait3A_1609, %dma_wait3A_1610] : memref<100000x64xf32, #tpu.memory_space<hbm>> -> memref<100000x64xf32, #tpu.memory_space<hbm>>
    tpu.wait_indirect_dma semaphore(%arg16 : memref<!tpu.dma_semaphore, #tpu.memory_space<semaphore_mem>>) src(%dma_wait3A_1611 : memref<100000x64xf32, #tpu.memory_space<hbm>>) dst(%arg9 : memref<128x64xf32, #tpu.memory_space<vmem>>)
    %dma_start3A_1612 = arith.constant 1 : i32
    %dma_start3A_1613 = arith.constant 0 : i32
    %dma_start3A_1614 = tpu.memref_slice %arg11[%dma_start3A_1612, %dma_start3A_1613] : memref<10x128xi32, #tpu.memory_space<vmem>> -> memref<1x128xi32, #tpu.memory_space<vmem>>
    %dma_start3A_1615 = tpu.memref_squeeze %dma_start3A_1614 : memref<1x128xi32, #tpu.memory_space<vmem>> -> memref<128xi32, #tpu.memory_space<vmem>>
    %dma_start3A_1616 = arith.constant 0 : i32
    %dma_start3A_1617 = arith.constant 0 : i32
    %dma_start3A_1618 = tpu.memref_slice %arg13[%dma_start3A_1616, %dma_start3A_1617] : memref<640x64xf32, #tpu.memory_space<vmem_shared>> -> memref<640x64xf32, #tpu.memory_space<vmem_shared>>
    tpu.enqueue_indirect_dma source(%arg9 : memref<128x64xf32, #tpu.memory_space<vmem>>) target(%dma_start3A_1618 : memref<640x64xf32, #tpu.memory_space<vmem_shared>>) offsets(%dma_start3A_1615 : memref<128xi32, #tpu.memory_space<vmem>>) semaphore(%arg20 : memref<!tpu.dma_semaphore, #tpu.memory_space<semaphore_mem>>) {add = true}
    %dma_wait3A_1619 = arith.constant 5 : i32
    %dma_wait3A_1620 = arith.constant 0 : i32
    %dma_wait3A_1621 = tpu.memref_slice %arg11[%dma_wait3A_1619, %dma_wait3A_1620] : memref<10x128xi32, #tpu.memory_space<vmem>> -> memref<1x128xi32, #tpu.memory_space<vmem>>
    %dma_wait3A_1622 = tpu.memref_squeeze %dma_wait3A_1621 : memref<1x128xi32, #tpu.memory_space<vmem>> -> memref<128xi32, #tpu.memory_space<vmem>>
    %dma_wait3A_1623 = arith.constant 0 : i32
    %dma_wait3A_1624 = arith.constant 0 : i32
    %dma_wait3A_1625 = tpu.memref_slice %arg13[%dma_wait3A_1623, %dma_wait3A_1624] : memref<640x64xf32, #tpu.memory_space<vmem_shared>> -> memref<640x64xf32, #tpu.memory_space<vmem_shared>>
    tpu.wait_indirect_dma semaphore(%arg19 : memref<!tpu.dma_semaphore, #tpu.memory_space<semaphore_mem>>) src(%arg8 : memref<128x64xf32, #tpu.memory_space<vmem>>) dst(%dma_wait3A_1625 : memref<640x64xf32, #tpu.memory_space<vmem_shared>>)
    %dma_start3A_1626 = arith.constant 1152 : i32
    %dma_start3A_1627 = tpu.memref_slice %arg6[%dma_start3A_1626] : memref<2560xi32, #tpu.memory_space<vmem>> -> memref<128xi32, #tpu.memory_space<vmem>>
    %dma_start3A_1628 = arith.constant 0 : i32
    %dma_start3A_1629 = arith.constant 0 : i32
    %dma_start3A_1630 = tpu.memref_slice %arg3[%dma_start3A_1628, %dma_start3A_1629] : memref<100000x64xf32, #tpu.memory_space<hbm>> -> memref<100000x64xf32, #tpu.memory_space<hbm>>
    tpu.enqueue_indirect_dma source(%dma_start3A_1630 : memref<100000x64xf32, #tpu.memory_space<hbm>>) target(%arg8 : memref<128x64xf32, #tpu.memory_space<vmem>>) offsets(%dma_start3A_1627 : memref<128xi32, #tpu.memory_space<vmem>>) semaphore(%arg15 : memref<!tpu.dma_semaphore, #tpu.memory_space<semaphore_mem>>)
    %dma_wait3A_1631 = arith.constant 896 : i32
    %dma_wait3A_1632 = tpu.memref_slice %arg6[%dma_wait3A_1631] : memref<2560xi32, #tpu.memory_space<vmem>> -> memref<128xi32, #tpu.memory_space<vmem>>
    %dma_wait3A_1633 = arith.constant 0 : i32
    %dma_wait3A_1634 = arith.constant 0 : i32
    %dma_wait3A_1635 = tpu.memref_slice %arg3[%dma_wait3A_1633, %dma_wait3A_1634] : memref<100000x64xf32, #tpu.memory_space<hbm>> -> memref<100000x64xf32, #tpu.memory_space<hbm>>
    tpu.wait_indirect_dma semaphore(%arg17 : memref<!tpu.dma_semaphore, #tpu.memory_space<semaphore_mem>>) src(%dma_wait3A_1635 : memref<100000x64xf32, #tpu.memory_space<hbm>>) dst(%arg10 : memref<128x64xf32, #tpu.memory_space<vmem>>)
    %dma_start3A_1636 = arith.constant 7 : i32
    %dma_start3A_1637 = arith.constant 0 : i32
    %dma_start3A_1638 = tpu.memref_slice %arg11[%dma_start3A_1636, %dma_start3A_1637] : memref<10x128xi32, #tpu.memory_space<vmem>> -> memref<1x128xi32, #tpu.memory_space<vmem>>
    %dma_start3A_1639 = tpu.memref_squeeze %dma_start3A_1638 : memref<1x128xi32, #tpu.memory_space<vmem>> -> memref<128xi32, #tpu.memory_space<vmem>>
    %dma_start3A_1640 = arith.constant 0 : i32
    %dma_start3A_1641 = arith.constant 0 : i32
    %dma_start3A_1642 = tpu.memref_slice %arg13[%dma_start3A_1640, %dma_start3A_1641] : memref<640x64xf32, #tpu.memory_space<vmem_shared>> -> memref<640x64xf32, #tpu.memory_space<vmem_shared>>
    tpu.enqueue_indirect_dma source(%arg10 : memref<128x64xf32, #tpu.memory_space<vmem>>) target(%dma_start3A_1642 : memref<640x64xf32, #tpu.memory_space<vmem_shared>>) offsets(%dma_start3A_1639 : memref<128xi32, #tpu.memory_space<vmem>>) semaphore(%arg21 : memref<!tpu.dma_semaphore, #tpu.memory_space<semaphore_mem>>) {add = true}
    %dma_wait3A_1643 = arith.constant 1 : i32
    %dma_wait3A_1644 = arith.constant 0 : i32
    %dma_wait3A_1645 = tpu.memref_slice %arg11[%dma_wait3A_1643, %dma_wait3A_1644] : memref<10x128xi32, #tpu.memory_space<vmem>> -> memref<1x128xi32, #tpu.memory_space<vmem>>
    %dma_wait3A_1646 = tpu.memref_squeeze %dma_wait3A_1645 : memref<1x128xi32, #tpu.memory_space<vmem>> -> memref<128xi32, #tpu.memory_space<vmem>>
    %dma_wait3A_1647 = arith.constant 0 : i32
    %dma_wait3A_1648 = arith.constant 0 : i32
    %dma_wait3A_1649 = tpu.memref_slice %arg13[%dma_wait3A_1647, %dma_wait3A_1648] : memref<640x64xf32, #tpu.memory_space<vmem_shared>> -> memref<640x64xf32, #tpu.memory_space<vmem_shared>>
    tpu.wait_indirect_dma semaphore(%arg20 : memref<!tpu.dma_semaphore, #tpu.memory_space<semaphore_mem>>) src(%arg9 : memref<128x64xf32, #tpu.memory_space<vmem>>) dst(%dma_wait3A_1649 : memref<640x64xf32, #tpu.memory_space<vmem_shared>>)
    %dma_start3A_1650 = arith.constant 1280 : i32
    %dma_start3A_1651 = tpu.memref_slice %arg6[%dma_start3A_1650] : memref<2560xi32, #tpu.memory_space<vmem>> -> memref<128xi32, #tpu.memory_space<vmem>>
    %dma_start3A_1652 = arith.constant 0 : i32
    %dma_start3A_1653 = arith.constant 0 : i32
    %dma_start3A_1654 = tpu.memref_slice %arg3[%dma_start3A_1652, %dma_start3A_1653] : memref<100000x64xf32, #tpu.memory_space<hbm>> -> memref<100000x64xf32, #tpu.memory_space<hbm>>
    tpu.enqueue_indirect_dma source(%dma_start3A_1654 : memref<100000x64xf32, #tpu.memory_space<hbm>>) target(%arg9 : memref<128x64xf32, #tpu.memory_space<vmem>>) offsets(%dma_start3A_1651 : memref<128xi32, #tpu.memory_space<vmem>>) semaphore(%arg16 : memref<!tpu.dma_semaphore, #tpu.memory_space<semaphore_mem>>)
    %dma_wait3A_1655 = arith.constant 1024 : i32
    %dma_wait3A_1656 = tpu.memref_slice %arg6[%dma_wait3A_1655] : memref<2560xi32, #tpu.memory_space<vmem>> -> memref<128xi32, #tpu.memory_space<vmem>>
    %dma_wait3A_1657 = arith.constant 0 : i32
    %dma_wait3A_1658 = arith.constant 0 : i32
    %dma_wait3A_1659 = tpu.memref_slice %arg3[%dma_wait3A_1657, %dma_wait3A_1658] : memref<100000x64xf32, #tpu.memory_space<hbm>> -> memref<100000x64xf32, #tpu.memory_space<hbm>>
    tpu.wait_indirect_dma semaphore(%arg14 : memref<!tpu.dma_semaphore, #tpu.memory_space<semaphore_mem>>) src(%dma_wait3A_1659 : memref<100000x64xf32, #tpu.memory_space<hbm>>) dst(%arg7 : memref<128x64xf32, #tpu.memory_space<vmem>>)
    %dma_start3A_1660 = arith.constant 3 : i32
    %dma_start3A_1661 = arith.constant 0 : i32
    %dma_start3A_1662 = tpu.memref_slice %arg11[%dma_start3A_1660, %dma_start3A_1661] : memref<10x128xi32, #tpu.memory_space<vmem>> -> memref<1x128xi32, #tpu.memory_space<vmem>>
    %dma_start3A_1663 = tpu.memref_squeeze %dma_start3A_1662 : memref<1x128xi32, #tpu.memory_space<vmem>> -> memref<128xi32, #tpu.memory_space<vmem>>
    %dma_start3A_1664 = arith.constant 0 : i32
    %dma_start3A_1665 = arith.constant 0 : i32
    %dma_start3A_1666 = tpu.memref_slice %arg13[%dma_start3A_1664, %dma_start3A_1665] : memref<640x64xf32, #tpu.memory_space<vmem_shared>> -> memref<640x64xf32, #tpu.memory_space<vmem_shared>>
    tpu.enqueue_indirect_dma source(%arg7 : memref<128x64xf32, #tpu.memory_space<vmem>>) target(%dma_start3A_1666 : memref<640x64xf32, #tpu.memory_space<vmem_shared>>) offsets(%dma_start3A_1663 : memref<128xi32, #tpu.memory_space<vmem>>) semaphore(%arg18 : memref<!tpu.dma_semaphore, #tpu.memory_space<semaphore_mem>>) {add = true}
    %dma_wait3A_1667 = arith.constant 7 : i32
    %dma_wait3A_1668 = arith.constant 0 : i32
    %dma_wait3A_1669 = tpu.memref_slice %arg11[%dma_wait3A_1667, %dma_wait3A_1668] : memref<10x128xi32, #tpu.memory_space<vmem>> -> memref<1x128xi32, #tpu.memory_space<vmem>>
    %dma_wait3A_1670 = tpu.memref_squeeze %dma_wait3A_1669 : memref<1x128xi32, #tpu.memory_space<vmem>> -> memref<128xi32, #tpu.memory_space<vmem>>
    %dma_wait3A_1671 = arith.constant 0 : i32
    %dma_wait3A_1672 = arith.constant 0 : i32
    %dma_wait3A_1673 = tpu.memref_slice %arg13[%dma_wait3A_1671, %dma_wait3A_1672] : memref<640x64xf32, #tpu.memory_space<vmem_shared>> -> memref<640x64xf32, #tpu.memory_space<vmem_shared>>
    tpu.wait_indirect_dma semaphore(%arg21 : memref<!tpu.dma_semaphore, #tpu.memory_space<semaphore_mem>>) src(%arg10 : memref<128x64xf32, #tpu.memory_space<vmem>>) dst(%dma_wait3A_1673 : memref<640x64xf32, #tpu.memory_space<vmem_shared>>)
    %dma_start3A_1674 = arith.constant 1408 : i32
    %dma_start3A_1675 = tpu.memref_slice %arg6[%dma_start3A_1674] : memref<2560xi32, #tpu.memory_space<vmem>> -> memref<128xi32, #tpu.memory_space<vmem>>
    %dma_start3A_1676 = arith.constant 0 : i32
    %dma_start3A_1677 = arith.constant 0 : i32
    %dma_start3A_1678 = tpu.memref_slice %arg3[%dma_start3A_1676, %dma_start3A_1677] : memref<100000x64xf32, #tpu.memory_space<hbm>> -> memref<100000x64xf32, #tpu.memory_space<hbm>>
    tpu.enqueue_indirect_dma source(%dma_start3A_1678 : memref<100000x64xf32, #tpu.memory_space<hbm>>) target(%arg10 : memref<128x64xf32, #tpu.memory_space<vmem>>) offsets(%dma_start3A_1675 : memref<128xi32, #tpu.memory_space<vmem>>) semaphore(%arg17 : memref<!tpu.dma_semaphore, #tpu.memory_space<semaphore_mem>>)
    %dma_wait3A_1679 = arith.constant 1152 : i32
    %dma_wait3A_1680 = tpu.memref_slice %arg6[%dma_wait3A_1679] : memref<2560xi32, #tpu.memory_space<vmem>> -> memref<128xi32, #tpu.memory_space<vmem>>
    %dma_wait3A_1681 = arith.constant 0 : i32
    %dma_wait3A_1682 = arith.constant 0 : i32
    %dma_wait3A_1683 = tpu.memref_slice %arg3[%dma_wait3A_1681, %dma_wait3A_1682] : memref<100000x64xf32, #tpu.memory_space<hbm>> -> memref<100000x64xf32, #tpu.memory_space<hbm>>
    tpu.wait_indirect_dma semaphore(%arg15 : memref<!tpu.dma_semaphore, #tpu.memory_space<semaphore_mem>>) src(%dma_wait3A_1683 : memref<100000x64xf32, #tpu.memory_space<hbm>>) dst(%arg8 : memref<128x64xf32, #tpu.memory_space<vmem>>)
    %dma_start3A_1684 = arith.constant 9 : i32
    %dma_start3A_1685 = arith.constant 0 : i32
    %dma_start3A_1686 = tpu.memref_slice %arg11[%dma_start3A_1684, %dma_start3A_1685] : memref<10x128xi32, #tpu.memory_space<vmem>> -> memref<1x128xi32, #tpu.memory_space<vmem>>
    %dma_start3A_1687 = tpu.memref_squeeze %dma_start3A_1686 : memref<1x128xi32, #tpu.memory_space<vmem>> -> memref<128xi32, #tpu.memory_space<vmem>>
    %dma_start3A_1688 = arith.constant 0 : i32
    %dma_start3A_1689 = arith.constant 0 : i32
    %dma_start3A_1690 = tpu.memref_slice %arg13[%dma_start3A_1688, %dma_start3A_1689] : memref<640x64xf32, #tpu.memory_space<vmem_shared>> -> memref<640x64xf32, #tpu.memory_space<vmem_shared>>
    tpu.enqueue_indirect_dma source(%arg8 : memref<128x64xf32, #tpu.memory_space<vmem>>) target(%dma_start3A_1690 : memref<640x64xf32, #tpu.memory_space<vmem_shared>>) offsets(%dma_start3A_1687 : memref<128xi32, #tpu.memory_space<vmem>>) semaphore(%arg19 : memref<!tpu.dma_semaphore, #tpu.memory_space<semaphore_mem>>) {add = true}
    %dma_wait3A_1691 = arith.constant 3 : i32
    %dma_wait3A_1692 = arith.constant 0 : i32
    %dma_wait3A_1693 = tpu.memref_slice %arg11[%dma_wait3A_1691, %dma_wait3A_1692] : memref<10x128xi32, #tpu.memory_space<vmem>> -> memref<1x128xi32, #tpu.memory_space<vmem>>
    %dma_wait3A_1694 = tpu.memref_squeeze %dma_wait3A_1693 : memref<1x128xi32, #tpu.memory_space<vmem>> -> memref<128xi32, #tpu.memory_space<vmem>>
    %dma_wait3A_1695 = arith.constant 0 : i32
    %dma_wait3A_1696 = arith.constant 0 : i32
    %dma_wait3A_1697 = tpu.memref_slice %arg13[%dma_wait3A_1695, %dma_wait3A_1696] : memref<640x64xf32, #tpu.memory_space<vmem_shared>> -> memref<640x64xf32, #tpu.memory_space<vmem_shared>>
    tpu.wait_indirect_dma semaphore(%arg18 : memref<!tpu.dma_semaphore, #tpu.memory_space<semaphore_mem>>) src(%arg7 : memref<128x64xf32, #tpu.memory_space<vmem>>) dst(%dma_wait3A_1697 : memref<640x64xf32, #tpu.memory_space<vmem_shared>>)
    %dma_start3A_1698 = arith.constant 1536 : i32
    %dma_start3A_1699 = tpu.memref_slice %arg6[%dma_start3A_1698] : memref<2560xi32, #tpu.memory_space<vmem>> -> memref<128xi32, #tpu.memory_space<vmem>>
    %dma_start3A_1700 = arith.constant 0 : i32
    %dma_start3A_1701 = arith.constant 0 : i32
    %dma_start3A_1702 = tpu.memref_slice %arg3[%dma_start3A_1700, %dma_start3A_1701] : memref<100000x64xf32, #tpu.memory_space<hbm>> -> memref<100000x64xf32, #tpu.memory_space<hbm>>
    tpu.enqueue_indirect_dma source(%dma_start3A_1702 : memref<100000x64xf32, #tpu.memory_space<hbm>>) target(%arg7 : memref<128x64xf32, #tpu.memory_space<vmem>>) offsets(%dma_start3A_1699 : memref<128xi32, #tpu.memory_space<vmem>>) semaphore(%arg14 : memref<!tpu.dma_semaphore, #tpu.memory_space<semaphore_mem>>)
    %dma_wait3A_1703 = arith.constant 1280 : i32
    %dma_wait3A_1704 = tpu.memref_slice %arg6[%dma_wait3A_1703] : memref<2560xi32, #tpu.memory_space<vmem>> -> memref<128xi32, #tpu.memory_space<vmem>>
    %dma_wait3A_1705 = arith.constant 0 : i32
    %dma_wait3A_1706 = arith.constant 0 : i32
    %dma_wait3A_1707 = tpu.memref_slice %arg3[%dma_wait3A_1705, %dma_wait3A_1706] : memref<100000x64xf32, #tpu.memory_space<hbm>> -> memref<100000x64xf32, #tpu.memory_space<hbm>>
    tpu.wait_indirect_dma semaphore(%arg16 : memref<!tpu.dma_semaphore, #tpu.memory_space<semaphore_mem>>) src(%dma_wait3A_1707 : memref<100000x64xf32, #tpu.memory_space<hbm>>) dst(%arg9 : memref<128x64xf32, #tpu.memory_space<vmem>>)
    %dma_start3A_1708 = arith.constant 0 : i32
    %dma_start3A_1709 = arith.constant 0 : i32
    %dma_start3A_1710 = tpu.memref_slice %arg11[%dma_start3A_1708, %dma_start3A_1709] : memref<10x128xi32, #tpu.memory_space<vmem>> -> memref<1x128xi32, #tpu.memory_space<vmem>>
    %dma_start3A_1711 = tpu.memref_squeeze %dma_start3A_1710 : memref<1x128xi32, #tpu.memory_space<vmem>> -> memref<128xi32, #tpu.memory_space<vmem>>
    %dma_start3A_1712 = arith.constant 0 : i32
    %dma_start3A_1713 = arith.constant 0 : i32
    %dma_start3A_1714 = tpu.memref_slice %arg13[%dma_start3A_1712, %dma_start3A_1713] : memref<640x64xf32, #tpu.memory_space<vmem_shared>> -> memref<640x64xf32, #tpu.memory_space<vmem_shared>>
    tpu.enqueue_indirect_dma source(%arg9 : memref<128x64xf32, #tpu.memory_space<vmem>>) target(%dma_start3A_1714 : memref<640x64xf32, #tpu.memory_space<vmem_shared>>) offsets(%dma_start3A_1711 : memref<128xi32, #tpu.memory_space<vmem>>) semaphore(%arg20 : memref<!tpu.dma_semaphore, #tpu.memory_space<semaphore_mem>>) {add = true}
    %dma_wait3A_1715 = arith.constant 9 : i32
    %dma_wait3A_1716 = arith.constant 0 : i32
    %dma_wait3A_1717 = tpu.memref_slice %arg11[%dma_wait3A_1715, %dma_wait3A_1716] : memref<10x128xi32, #tpu.memory_space<vmem>> -> memref<1x128xi32, #tpu.memory_space<vmem>>
    %dma_wait3A_1718 = tpu.memref_squeeze %dma_wait3A_1717 : memref<1x128xi32, #tpu.memory_space<vmem>> -> memref<128xi32, #tpu.memory_space<vmem>>
    %dma_wait3A_1719 = arith.constant 0 : i32
    %dma_wait3A_1720 = arith.constant 0 : i32
    %dma_wait3A_1721 = tpu.memref_slice %arg13[%dma_wait3A_1719, %dma_wait3A_1720] : memref<640x64xf32, #tpu.memory_space<vmem_shared>> -> memref<640x64xf32, #tpu.memory_space<vmem_shared>>
    tpu.wait_indirect_dma semaphore(%arg19 : memref<!tpu.dma_semaphore, #tpu.memory_space<semaphore_mem>>) src(%arg8 : memref<128x64xf32, #tpu.memory_space<vmem>>) dst(%dma_wait3A_1721 : memref<640x64xf32, #tpu.memory_space<vmem_shared>>)
    %dma_start3A_1722 = arith.constant 1664 : i32
    %dma_start3A_1723 = tpu.memref_slice %arg6[%dma_start3A_1722] : memref<2560xi32, #tpu.memory_space<vmem>> -> memref<128xi32, #tpu.memory_space<vmem>>
    %dma_start3A_1724 = arith.constant 0 : i32
    %dma_start3A_1725 = arith.constant 0 : i32
    %dma_start3A_1726 = tpu.memref_slice %arg3[%dma_start3A_1724, %dma_start3A_1725] : memref<100000x64xf32, #tpu.memory_space<hbm>> -> memref<100000x64xf32, #tpu.memory_space<hbm>>
    tpu.enqueue_indirect_dma source(%dma_start3A_1726 : memref<100000x64xf32, #tpu.memory_space<hbm>>) target(%arg8 : memref<128x64xf32, #tpu.memory_space<vmem>>) offsets(%dma_start3A_1723 : memref<128xi32, #tpu.memory_space<vmem>>) semaphore(%arg15 : memref<!tpu.dma_semaphore, #tpu.memory_space<semaphore_mem>>)
    %dma_wait3A_1727 = arith.constant 1408 : i32
    %dma_wait3A_1728 = tpu.memref_slice %arg6[%dma_wait3A_1727] : memref<2560xi32, #tpu.memory_space<vmem>> -> memref<128xi32, #tpu.memory_space<vmem>>
    %dma_wait3A_1729 = arith.constant 0 : i32
    %dma_wait3A_1730 = arith.constant 0 : i32
    %dma_wait3A_1731 = tpu.memref_slice %arg3[%dma_wait3A_1729, %dma_wait3A_1730] : memref<100000x64xf32, #tpu.memory_space<hbm>> -> memref<100000x64xf32, #tpu.memory_space<hbm>>
    tpu.wait_indirect_dma semaphore(%arg17 : memref<!tpu.dma_semaphore, #tpu.memory_space<semaphore_mem>>) src(%dma_wait3A_1731 : memref<100000x64xf32, #tpu.memory_space<hbm>>) dst(%arg10 : memref<128x64xf32, #tpu.memory_space<vmem>>)
    %dma_start3A_1732 = arith.constant 6 : i32
    %dma_start3A_1733 = arith.constant 0 : i32
    %dma_start3A_1734 = tpu.memref_slice %arg11[%dma_start3A_1732, %dma_start3A_1733] : memref<10x128xi32, #tpu.memory_space<vmem>> -> memref<1x128xi32, #tpu.memory_space<vmem>>
    %dma_start3A_1735 = tpu.memref_squeeze %dma_start3A_1734 : memref<1x128xi32, #tpu.memory_space<vmem>> -> memref<128xi32, #tpu.memory_space<vmem>>
    %dma_start3A_1736 = arith.constant 0 : i32
    %dma_start3A_1737 = arith.constant 0 : i32
    %dma_start3A_1738 = tpu.memref_slice %arg13[%dma_start3A_1736, %dma_start3A_1737] : memref<640x64xf32, #tpu.memory_space<vmem_shared>> -> memref<640x64xf32, #tpu.memory_space<vmem_shared>>
    tpu.enqueue_indirect_dma source(%arg10 : memref<128x64xf32, #tpu.memory_space<vmem>>) target(%dma_start3A_1738 : memref<640x64xf32, #tpu.memory_space<vmem_shared>>) offsets(%dma_start3A_1735 : memref<128xi32, #tpu.memory_space<vmem>>) semaphore(%arg21 : memref<!tpu.dma_semaphore, #tpu.memory_space<semaphore_mem>>) {add = true}
    %dma_wait3A_1739 = arith.constant 0 : i32
    %dma_wait3A_1740 = arith.constant 0 : i32
    %dma_wait3A_1741 = tpu.memref_slice %arg11[%dma_wait3A_1739, %dma_wait3A_1740] : memref<10x128xi32, #tpu.memory_space<vmem>> -> memref<1x128xi32, #tpu.memory_space<vmem>>
    %dma_wait3A_1742 = tpu.memref_squeeze %dma_wait3A_1741 : memref<1x128xi32, #tpu.memory_space<vmem>> -> memref<128xi32, #tpu.memory_space<vmem>>
    %dma_wait3A_1743 = arith.constant 0 : i32
    %dma_wait3A_1744 = arith.constant 0 : i32
    %dma_wait3A_1745 = tpu.memref_slice %arg13[%dma_wait3A_1743, %dma_wait3A_1744] : memref<640x64xf32, #tpu.memory_space<vmem_shared>> -> memref<640x64xf32, #tpu.memory_space<vmem_shared>>
    tpu.wait_indirect_dma semaphore(%arg20 : memref<!tpu.dma_semaphore, #tpu.memory_space<semaphore_mem>>) src(%arg9 : memref<128x64xf32, #tpu.memory_space<vmem>>) dst(%dma_wait3A_1745 : memref<640x64xf32, #tpu.memory_space<vmem_shared>>)
    %dma_start3A_1746 = arith.constant 1792 : i32
    %dma_start3A_1747 = tpu.memref_slice %arg6[%dma_start3A_1746] : memref<2560xi32, #tpu.memory_space<vmem>> -> memref<128xi32, #tpu.memory_space<vmem>>
    %dma_start3A_1748 = arith.constant 0 : i32
    %dma_start3A_1749 = arith.constant 0 : i32
    %dma_start3A_1750 = tpu.memref_slice %arg3[%dma_start3A_1748, %dma_start3A_1749] : memref<100000x64xf32, #tpu.memory_space<hbm>> -> memref<100000x64xf32, #tpu.memory_space<hbm>>
    tpu.enqueue_indirect_dma source(%dma_start3A_1750 : memref<100000x64xf32, #tpu.memory_space<hbm>>) target(%arg9 : memref<128x64xf32, #tpu.memory_space<vmem>>) offsets(%dma_start3A_1747 : memref<128xi32, #tpu.memory_space<vmem>>) semaphore(%arg16 : memref<!tpu.dma_semaphore, #tpu.memory_space<semaphore_mem>>)
    %dma_wait3A_1751 = arith.constant 1536 : i32
    %dma_wait3A_1752 = tpu.memref_slice %arg6[%dma_wait3A_1751] : memref<2560xi32, #tpu.memory_space<vmem>> -> memref<128xi32, #tpu.memory_space<vmem>>
    %dma_wait3A_1753 = arith.constant 0 : i32
    %dma_wait3A_1754 = arith.constant 0 : i32
    %dma_wait3A_1755 = tpu.memref_slice %arg3[%dma_wait3A_1753, %dma_wait3A_1754] : memref<100000x64xf32, #tpu.memory_space<hbm>> -> memref<100000x64xf32, #tpu.memory_space<hbm>>
    tpu.wait_indirect_dma semaphore(%arg14 : memref<!tpu.dma_semaphore, #tpu.memory_space<semaphore_mem>>) src(%dma_wait3A_1755 : memref<100000x64xf32, #tpu.memory_space<hbm>>) dst(%arg7 : memref<128x64xf32, #tpu.memory_space<vmem>>)
    %dma_start3A_1756 = arith.constant 2 : i32
    %dma_start3A_1757 = arith.constant 0 : i32
    %dma_start3A_1758 = tpu.memref_slice %arg11[%dma_start3A_1756, %dma_start3A_1757] : memref<10x128xi32, #tpu.memory_space<vmem>> -> memref<1x128xi32, #tpu.memory_space<vmem>>
    %dma_start3A_1759 = tpu.memref_squeeze %dma_start3A_1758 : memref<1x128xi32, #tpu.memory_space<vmem>> -> memref<128xi32, #tpu.memory_space<vmem>>
    %dma_start3A_1760 = arith.constant 0 : i32
    %dma_start3A_1761 = arith.constant 0 : i32
    %dma_start3A_1762 = tpu.memref_slice %arg13[%dma_start3A_1760, %dma_start3A_1761] : memref<640x64xf32, #tpu.memory_space<vmem_shared>> -> memref<640x64xf32, #tpu.memory_space<vmem_shared>>
    tpu.enqueue_indirect_dma source(%arg7 : memref<128x64xf32, #tpu.memory_space<vmem>>) target(%dma_start3A_1762 : memref<640x64xf32, #tpu.memory_space<vmem_shared>>) offsets(%dma_start3A_1759 : memref<128xi32, #tpu.memory_space<vmem>>) semaphore(%arg18 : memref<!tpu.dma_semaphore, #tpu.memory_space<semaphore_mem>>) {add = true}
    %dma_wait3A_1763 = arith.constant 6 : i32
    %dma_wait3A_1764 = arith.constant 0 : i32
    %dma_wait3A_1765 = tpu.memref_slice %arg11[%dma_wait3A_1763, %dma_wait3A_1764] : memref<10x128xi32, #tpu.memory_space<vmem>> -> memref<1x128xi32, #tpu.memory_space<vmem>>
    %dma_wait3A_1766 = tpu.memref_squeeze %dma_wait3A_1765 : memref<1x128xi32, #tpu.memory_space<vmem>> -> memref<128xi32, #tpu.memory_space<vmem>>
    %dma_wait3A_1767 = arith.constant 0 : i32
    %dma_wait3A_1768 = arith.constant 0 : i32
    %dma_wait3A_1769 = tpu.memref_slice %arg13[%dma_wait3A_1767, %dma_wait3A_1768] : memref<640x64xf32, #tpu.memory_space<vmem_shared>> -> memref<640x64xf32, #tpu.memory_space<vmem_shared>>
    tpu.wait_indirect_dma semaphore(%arg21 : memref<!tpu.dma_semaphore, #tpu.memory_space<semaphore_mem>>) src(%arg10 : memref<128x64xf32, #tpu.memory_space<vmem>>) dst(%dma_wait3A_1769 : memref<640x64xf32, #tpu.memory_space<vmem_shared>>)
    %dma_start3A_1770 = arith.constant 1920 : i32
    %dma_start3A_1771 = tpu.memref_slice %arg6[%dma_start3A_1770] : memref<2560xi32, #tpu.memory_space<vmem>> -> memref<128xi32, #tpu.memory_space<vmem>>
    %dma_start3A_1772 = arith.constant 0 : i32
    %dma_start3A_1773 = arith.constant 0 : i32
    %dma_start3A_1774 = tpu.memref_slice %arg3[%dma_start3A_1772, %dma_start3A_1773] : memref<100000x64xf32, #tpu.memory_space<hbm>> -> memref<100000x64xf32, #tpu.memory_space<hbm>>
    tpu.enqueue_indirect_dma source(%dma_start3A_1774 : memref<100000x64xf32, #tpu.memory_space<hbm>>) target(%arg10 : memref<128x64xf32, #tpu.memory_space<vmem>>) offsets(%dma_start3A_1771 : memref<128xi32, #tpu.memory_space<vmem>>) semaphore(%arg17 : memref<!tpu.dma_semaphore, #tpu.memory_space<semaphore_mem>>)
    %dma_wait3A_1775 = arith.constant 1664 : i32
    %dma_wait3A_1776 = tpu.memref_slice %arg6[%dma_wait3A_1775] : memref<2560xi32, #tpu.memory_space<vmem>> -> memref<128xi32, #tpu.memory_space<vmem>>
    %dma_wait3A_1777 = arith.constant 0 : i32
    %dma_wait3A_1778 = arith.constant 0 : i32
    %dma_wait3A_1779 = tpu.memref_slice %arg3[%dma_wait3A_1777, %dma_wait3A_1778] : memref<100000x64xf32, #tpu.memory_space<hbm>> -> memref<100000x64xf32, #tpu.memory_space<hbm>>
    tpu.wait_indirect_dma semaphore(%arg15 : memref<!tpu.dma_semaphore, #tpu.memory_space<semaphore_mem>>) src(%dma_wait3A_1779 : memref<100000x64xf32, #tpu.memory_space<hbm>>) dst(%arg8 : memref<128x64xf32, #tpu.memory_space<vmem>>)
    %dma_start3A_1780 = arith.constant 8 : i32
    %dma_start3A_1781 = arith.constant 0 : i32
    %dma_start3A_1782 = tpu.memref_slice %arg11[%dma_start3A_1780, %dma_start3A_1781] : memref<10x128xi32, #tpu.memory_space<vmem>> -> memref<1x128xi32, #tpu.memory_space<vmem>>
    %dma_start3A_1783 = tpu.memref_squeeze %dma_start3A_1782 : memref<1x128xi32, #tpu.memory_space<vmem>> -> memref<128xi32, #tpu.memory_space<vmem>>
    %dma_start3A_1784 = arith.constant 0 : i32
    %dma_start3A_1785 = arith.constant 0 : i32
    %dma_start3A_1786 = tpu.memref_slice %arg13[%dma_start3A_1784, %dma_start3A_1785] : memref<640x64xf32, #tpu.memory_space<vmem_shared>> -> memref<640x64xf32, #tpu.memory_space<vmem_shared>>
    tpu.enqueue_indirect_dma source(%arg8 : memref<128x64xf32, #tpu.memory_space<vmem>>) target(%dma_start3A_1786 : memref<640x64xf32, #tpu.memory_space<vmem_shared>>) offsets(%dma_start3A_1783 : memref<128xi32, #tpu.memory_space<vmem>>) semaphore(%arg19 : memref<!tpu.dma_semaphore, #tpu.memory_space<semaphore_mem>>) {add = true}
    %dma_wait3A_1787 = arith.constant 2 : i32
    %dma_wait3A_1788 = arith.constant 0 : i32
    %dma_wait3A_1789 = tpu.memref_slice %arg11[%dma_wait3A_1787, %dma_wait3A_1788] : memref<10x128xi32, #tpu.memory_space<vmem>> -> memref<1x128xi32, #tpu.memory_space<vmem>>
    %dma_wait3A_1790 = tpu.memref_squeeze %dma_wait3A_1789 : memref<1x128xi32, #tpu.memory_space<vmem>> -> memref<128xi32, #tpu.memory_space<vmem>>
    %dma_wait3A_1791 = arith.constant 0 : i32
    %dma_wait3A_1792 = arith.constant 0 : i32
    %dma_wait3A_1793 = tpu.memref_slice %arg13[%dma_wait3A_1791, %dma_wait3A_1792] : memref<640x64xf32, #tpu.memory_space<vmem_shared>> -> memref<640x64xf32, #tpu.memory_space<vmem_shared>>
    tpu.wait_indirect_dma semaphore(%arg18 : memref<!tpu.dma_semaphore, #tpu.memory_space<semaphore_mem>>) src(%arg7 : memref<128x64xf32, #tpu.memory_space<vmem>>) dst(%dma_wait3A_1793 : memref<640x64xf32, #tpu.memory_space<vmem_shared>>)
    %dma_start3A_1794 = arith.constant 2048 : i32
    %dma_start3A_1795 = tpu.memref_slice %arg6[%dma_start3A_1794] : memref<2560xi32, #tpu.memory_space<vmem>> -> memref<128xi32, #tpu.memory_space<vmem>>
    %dma_start3A_1796 = arith.constant 0 : i32
    %dma_start3A_1797 = arith.constant 0 : i32
    %dma_start3A_1798 = tpu.memref_slice %arg3[%dma_start3A_1796, %dma_start3A_1797] : memref<100000x64xf32, #tpu.memory_space<hbm>> -> memref<100000x64xf32, #tpu.memory_space<hbm>>
    tpu.enqueue_indirect_dma source(%dma_start3A_1798 : memref<100000x64xf32, #tpu.memory_space<hbm>>) target(%arg7 : memref<128x64xf32, #tpu.memory_space<vmem>>) offsets(%dma_start3A_1795 : memref<128xi32, #tpu.memory_space<vmem>>) semaphore(%arg14 : memref<!tpu.dma_semaphore, #tpu.memory_space<semaphore_mem>>)
    %dma_wait3A_1799 = arith.constant 1792 : i32
    %dma_wait3A_1800 = tpu.memref_slice %arg6[%dma_wait3A_1799] : memref<2560xi32, #tpu.memory_space<vmem>> -> memref<128xi32, #tpu.memory_space<vmem>>
    %dma_wait3A_1801 = arith.constant 0 : i32
    %dma_wait3A_1802 = arith.constant 0 : i32
    %dma_wait3A_1803 = tpu.memref_slice %arg3[%dma_wait3A_1801, %dma_wait3A_1802] : memref<100000x64xf32, #tpu.memory_space<hbm>> -> memref<100000x64xf32, #tpu.memory_space<hbm>>
    tpu.wait_indirect_dma semaphore(%arg16 : memref<!tpu.dma_semaphore, #tpu.memory_space<semaphore_mem>>) src(%dma_wait3A_1803 : memref<100000x64xf32, #tpu.memory_space<hbm>>) dst(%arg9 : memref<128x64xf32, #tpu.memory_space<vmem>>)
    %dma_start3A_1804 = arith.constant 4 : i32
    %dma_start3A_1805 = arith.constant 0 : i32
    %dma_start3A_1806 = tpu.memref_slice %arg11[%dma_start3A_1804, %dma_start3A_1805] : memref<10x128xi32, #tpu.memory_space<vmem>> -> memref<1x128xi32, #tpu.memory_space<vmem>>
    %dma_start3A_1807 = tpu.memref_squeeze %dma_start3A_1806 : memref<1x128xi32, #tpu.memory_space<vmem>> -> memref<128xi32, #tpu.memory_space<vmem>>
    %dma_start3A_1808 = arith.constant 0 : i32
    %dma_start3A_1809 = arith.constant 0 : i32
    %dma_start3A_1810 = tpu.memref_slice %arg13[%dma_start3A_1808, %dma_start3A_1809] : memref<640x64xf32, #tpu.memory_space<vmem_shared>> -> memref<640x64xf32, #tpu.memory_space<vmem_shared>>
    tpu.enqueue_indirect_dma source(%arg9 : memref<128x64xf32, #tpu.memory_space<vmem>>) target(%dma_start3A_1810 : memref<640x64xf32, #tpu.memory_space<vmem_shared>>) offsets(%dma_start3A_1807 : memref<128xi32, #tpu.memory_space<vmem>>) semaphore(%arg20 : memref<!tpu.dma_semaphore, #tpu.memory_space<semaphore_mem>>) {add = true}
    %dma_wait3A_1811 = arith.constant 8 : i32
    %dma_wait3A_1812 = arith.constant 0 : i32
    %dma_wait3A_1813 = tpu.memref_slice %arg11[%dma_wait3A_1811, %dma_wait3A_1812] : memref<10x128xi32, #tpu.memory_space<vmem>> -> memref<1x128xi32, #tpu.memory_space<vmem>>
    %dma_wait3A_1814 = tpu.memref_squeeze %dma_wait3A_1813 : memref<1x128xi32, #tpu.memory_space<vmem>> -> memref<128xi32, #tpu.memory_space<vmem>>
    %dma_wait3A_1815 = arith.constant 0 : i32
    %dma_wait3A_1816 = arith.constant 0 : i32
    %dma_wait3A_1817 = tpu.memref_slice %arg13[%dma_wait3A_1815, %dma_wait3A_1816] : memref<640x64xf32, #tpu.memory_space<vmem_shared>> -> memref<640x64xf32, #tpu.memory_space<vmem_shared>>
    tpu.wait_indirect_dma semaphore(%arg19 : memref<!tpu.dma_semaphore, #tpu.memory_space<semaphore_mem>>) src(%arg8 : memref<128x64xf32, #tpu.memory_space<vmem>>) dst(%dma_wait3A_1817 : memref<640x64xf32, #tpu.memory_space<vmem_shared>>)
    %dma_start3A_1818 = arith.constant 2176 : i32
    %dma_start3A_1819 = tpu.memref_slice %arg6[%dma_start3A_1818] : memref<2560xi32, #tpu.memory_space<vmem>> -> memref<128xi32, #tpu.memory_space<vmem>>
    %dma_start3A_1820 = arith.constant 0 : i32
    %dma_start3A_1821 = arith.constant 0 : i32
    %dma_start3A_1822 = tpu.memref_slice %arg3[%dma_start3A_1820, %dma_start3A_1821] : memref<100000x64xf32, #tpu.memory_space<hbm>> -> memref<100000x64xf32, #tpu.memory_space<hbm>>
    tpu.enqueue_indirect_dma source(%dma_start3A_1822 : memref<100000x64xf32, #tpu.memory_space<hbm>>) target(%arg8 : memref<128x64xf32, #tpu.memory_space<vmem>>) offsets(%dma_start3A_1819 : memref<128xi32, #tpu.memory_space<vmem>>) semaphore(%arg15 : memref<!tpu.dma_semaphore, #tpu.memory_space<semaphore_mem>>)
    %dma_wait3A_1823 = arith.constant 1920 : i32
    %dma_wait3A_1824 = tpu.memref_slice %arg6[%dma_wait3A_1823] : memref<2560xi32, #tpu.memory_space<vmem>> -> memref<128xi32, #tpu.memory_space<vmem>>
    %dma_wait3A_1825 = arith.constant 0 : i32
    %dma_wait3A_1826 = arith.constant 0 : i32
    %dma_wait3A_1827 = tpu.memref_slice %arg3[%dma_wait3A_1825, %dma_wait3A_1826] : memref<100000x64xf32, #tpu.memory_space<hbm>> -> memref<100000x64xf32, #tpu.memory_space<hbm>>
    tpu.wait_indirect_dma semaphore(%arg17 : memref<!tpu.dma_semaphore, #tpu.memory_space<semaphore_mem>>) src(%dma_wait3A_1827 : memref<100000x64xf32, #tpu.memory_space<hbm>>) dst(%arg10 : memref<128x64xf32, #tpu.memory_space<vmem>>)
    %dma_start3A_1828 = arith.constant 5 : i32
    %dma_start3A_1829 = arith.constant 0 : i32
    %dma_start3A_1830 = tpu.memref_slice %arg11[%dma_start3A_1828, %dma_start3A_1829] : memref<10x128xi32, #tpu.memory_space<vmem>> -> memref<1x128xi32, #tpu.memory_space<vmem>>
    %dma_start3A_1831 = tpu.memref_squeeze %dma_start3A_1830 : memref<1x128xi32, #tpu.memory_space<vmem>> -> memref<128xi32, #tpu.memory_space<vmem>>
    %dma_start3A_1832 = arith.constant 0 : i32
    %dma_start3A_1833 = arith.constant 0 : i32
    %dma_start3A_1834 = tpu.memref_slice %arg13[%dma_start3A_1832, %dma_start3A_1833] : memref<640x64xf32, #tpu.memory_space<vmem_shared>> -> memref<640x64xf32, #tpu.memory_space<vmem_shared>>
    tpu.enqueue_indirect_dma source(%arg10 : memref<128x64xf32, #tpu.memory_space<vmem>>) target(%dma_start3A_1834 : memref<640x64xf32, #tpu.memory_space<vmem_shared>>) offsets(%dma_start3A_1831 : memref<128xi32, #tpu.memory_space<vmem>>) semaphore(%arg21 : memref<!tpu.dma_semaphore, #tpu.memory_space<semaphore_mem>>) {add = true}
    %dma_wait3A_1835 = arith.constant 4 : i32
    %dma_wait3A_1836 = arith.constant 0 : i32
    %dma_wait3A_1837 = tpu.memref_slice %arg11[%dma_wait3A_1835, %dma_wait3A_1836] : memref<10x128xi32, #tpu.memory_space<vmem>> -> memref<1x128xi32, #tpu.memory_space<vmem>>
    %dma_wait3A_1838 = tpu.memref_squeeze %dma_wait3A_1837 : memref<1x128xi32, #tpu.memory_space<vmem>> -> memref<128xi32, #tpu.memory_space<vmem>>
    %dma_wait3A_1839 = arith.constant 0 : i32
    %dma_wait3A_1840 = arith.constant 0 : i32
    %dma_wait3A_1841 = tpu.memref_slice %arg13[%dma_wait3A_1839, %dma_wait3A_1840] : memref<640x64xf32, #tpu.memory_space<vmem_shared>> -> memref<640x64xf32, #tpu.memory_space<vmem_shared>>
    tpu.wait_indirect_dma semaphore(%arg20 : memref<!tpu.dma_semaphore, #tpu.memory_space<semaphore_mem>>) src(%arg9 : memref<128x64xf32, #tpu.memory_space<vmem>>) dst(%dma_wait3A_1841 : memref<640x64xf32, #tpu.memory_space<vmem_shared>>)
    %dma_start3A_1842 = arith.constant 2304 : i32
    %dma_start3A_1843 = tpu.memref_slice %arg6[%dma_start3A_1842] : memref<2560xi32, #tpu.memory_space<vmem>> -> memref<128xi32, #tpu.memory_space<vmem>>
    %dma_start3A_1844 = arith.constant 0 : i32
    %dma_start3A_1845 = arith.constant 0 : i32
    %dma_start3A_1846 = tpu.memref_slice %arg3[%dma_start3A_1844, %dma_start3A_1845] : memref<100000x64xf32, #tpu.memory_space<hbm>> -> memref<100000x64xf32, #tpu.memory_space<hbm>>
    tpu.enqueue_indirect_dma source(%dma_start3A_1846 : memref<100000x64xf32, #tpu.memory_space<hbm>>) target(%arg9 : memref<128x64xf32, #tpu.memory_space<vmem>>) offsets(%dma_start3A_1843 : memref<128xi32, #tpu.memory_space<vmem>>) semaphore(%arg16 : memref<!tpu.dma_semaphore, #tpu.memory_space<semaphore_mem>>)
    %dma_wait3A_1847 = arith.constant 2048 : i32
    %dma_wait3A_1848 = tpu.memref_slice %arg6[%dma_wait3A_1847] : memref<2560xi32, #tpu.memory_space<vmem>> -> memref<128xi32, #tpu.memory_space<vmem>>
    %dma_wait3A_1849 = arith.constant 0 : i32
    %dma_wait3A_1850 = arith.constant 0 : i32
    %dma_wait3A_1851 = tpu.memref_slice %arg3[%dma_wait3A_1849, %dma_wait3A_1850] : memref<100000x64xf32, #tpu.memory_space<hbm>> -> memref<100000x64xf32, #tpu.memory_space<hbm>>
    tpu.wait_indirect_dma semaphore(%arg14 : memref<!tpu.dma_semaphore, #tpu.memory_space<semaphore_mem>>) src(%dma_wait3A_1851 : memref<100000x64xf32, #tpu.memory_space<hbm>>) dst(%arg7 : memref<128x64xf32, #tpu.memory_space<vmem>>)
    %dma_start3A_1852 = arith.constant 1 : i32
    %dma_start3A_1853 = arith.constant 0 : i32
    %dma_start3A_1854 = tpu.memref_slice %arg11[%dma_start3A_1852, %dma_start3A_1853] : memref<10x128xi32, #tpu.memory_space<vmem>> -> memref<1x128xi32, #tpu.memory_space<vmem>>
    %dma_start3A_1855 = tpu.memref_squeeze %dma_start3A_1854 : memref<1x128xi32, #tpu.memory_space<vmem>> -> memref<128xi32, #tpu.memory_space<vmem>>
    %dma_start3A_1856 = arith.constant 0 : i32
    %dma_start3A_1857 = arith.constant 0 : i32
    %dma_start3A_1858 = tpu.memref_slice %arg13[%dma_start3A_1856, %dma_start3A_1857] : memref<640x64xf32, #tpu.memory_space<vmem_shared>> -> memref<640x64xf32, #tpu.memory_space<vmem_shared>>
    tpu.enqueue_indirect_dma source(%arg7 : memref<128x64xf32, #tpu.memory_space<vmem>>) target(%dma_start3A_1858 : memref<640x64xf32, #tpu.memory_space<vmem_shared>>) offsets(%dma_start3A_1855 : memref<128xi32, #tpu.memory_space<vmem>>) semaphore(%arg18 : memref<!tpu.dma_semaphore, #tpu.memory_space<semaphore_mem>>) {add = true}
    %dma_wait3A_1859 = arith.constant 5 : i32
    %dma_wait3A_1860 = arith.constant 0 : i32
    %dma_wait3A_1861 = tpu.memref_slice %arg11[%dma_wait3A_1859, %dma_wait3A_1860] : memref<10x128xi32, #tpu.memory_space<vmem>> -> memref<1x128xi32, #tpu.memory_space<vmem>>
    %dma_wait3A_1862 = tpu.memref_squeeze %dma_wait3A_1861 : memref<1x128xi32, #tpu.memory_space<vmem>> -> memref<128xi32, #tpu.memory_space<vmem>>
    %dma_wait3A_1863 = arith.constant 0 : i32
    %dma_wait3A_1864 = arith.constant 0 : i32
    %dma_wait3A_1865 = tpu.memref_slice %arg13[%dma_wait3A_1863, %dma_wait3A_1864] : memref<640x64xf32, #tpu.memory_space<vmem_shared>> -> memref<640x64xf32, #tpu.memory_space<vmem_shared>>
    tpu.wait_indirect_dma semaphore(%arg21 : memref<!tpu.dma_semaphore, #tpu.memory_space<semaphore_mem>>) src(%arg10 : memref<128x64xf32, #tpu.memory_space<vmem>>) dst(%dma_wait3A_1865 : memref<640x64xf32, #tpu.memory_space<vmem_shared>>)
    %dma_start3A_1866 = arith.constant 2432 : i32
    %dma_start3A_1867 = tpu.memref_slice %arg6[%dma_start3A_1866] : memref<2560xi32, #tpu.memory_space<vmem>> -> memref<128xi32, #tpu.memory_space<vmem>>
    %dma_start3A_1868 = arith.constant 0 : i32
    %dma_start3A_1869 = arith.constant 0 : i32
    %dma_start3A_1870 = tpu.memref_slice %arg3[%dma_start3A_1868, %dma_start3A_1869] : memref<100000x64xf32, #tpu.memory_space<hbm>> -> memref<100000x64xf32, #tpu.memory_space<hbm>>
    tpu.enqueue_indirect_dma source(%dma_start3A_1870 : memref<100000x64xf32, #tpu.memory_space<hbm>>) target(%arg10 : memref<128x64xf32, #tpu.memory_space<vmem>>) offsets(%dma_start3A_1867 : memref<128xi32, #tpu.memory_space<vmem>>) semaphore(%arg17 : memref<!tpu.dma_semaphore, #tpu.memory_space<semaphore_mem>>)
    %dma_wait3A_1871 = arith.constant 2176 : i32
    %dma_wait3A_1872 = tpu.memref_slice %arg6[%dma_wait3A_1871] : memref<2560xi32, #tpu.memory_space<vmem>> -> memref<128xi32, #tpu.memory_space<vmem>>
    %dma_wait3A_1873 = arith.constant 0 : i32
    %dma_wait3A_1874 = arith.constant 0 : i32
    %dma_wait3A_1875 = tpu.memref_slice %arg3[%dma_wait3A_1873, %dma_wait3A_1874] : memref<100000x64xf32, #tpu.memory_space<hbm>> -> memref<100000x64xf32, #tpu.memory_space<hbm>>
    tpu.wait_indirect_dma semaphore(%arg15 : memref<!tpu.dma_semaphore, #tpu.memory_space<semaphore_mem>>) src(%dma_wait3A_1875 : memref<100000x64xf32, #tpu.memory_space<hbm>>) dst(%arg8 : memref<128x64xf32, #tpu.memory_space<vmem>>)
    %dma_start3A_1876 = arith.constant 7 : i32
    %dma_start3A_1877 = arith.constant 0 : i32
    %dma_start3A_1878 = tpu.memref_slice %arg11[%dma_start3A_1876, %dma_start3A_1877] : memref<10x128xi32, #tpu.memory_space<vmem>> -> memref<1x128xi32, #tpu.memory_space<vmem>>
    %dma_start3A_1879 = tpu.memref_squeeze %dma_start3A_1878 : memref<1x128xi32, #tpu.memory_space<vmem>> -> memref<128xi32, #tpu.memory_space<vmem>>
    %dma_start3A_1880 = arith.constant 0 : i32
    %dma_start3A_1881 = arith.constant 0 : i32
    %dma_start3A_1882 = tpu.memref_slice %arg13[%dma_start3A_1880, %dma_start3A_1881] : memref<640x64xf32, #tpu.memory_space<vmem_shared>> -> memref<640x64xf32, #tpu.memory_space<vmem_shared>>
    tpu.enqueue_indirect_dma source(%arg8 : memref<128x64xf32, #tpu.memory_space<vmem>>) target(%dma_start3A_1882 : memref<640x64xf32, #tpu.memory_space<vmem_shared>>) offsets(%dma_start3A_1879 : memref<128xi32, #tpu.memory_space<vmem>>) semaphore(%arg19 : memref<!tpu.dma_semaphore, #tpu.memory_space<semaphore_mem>>) {add = true}
    %dma_wait3A_1883 = arith.constant 1 : i32
    %dma_wait3A_1884 = arith.constant 0 : i32
    %dma_wait3A_1885 = tpu.memref_slice %arg11[%dma_wait3A_1883, %dma_wait3A_1884] : memref<10x128xi32, #tpu.memory_space<vmem>> -> memref<1x128xi32, #tpu.memory_space<vmem>>
    %dma_wait3A_1886 = tpu.memref_squeeze %dma_wait3A_1885 : memref<1x128xi32, #tpu.memory_space<vmem>> -> memref<128xi32, #tpu.memory_space<vmem>>
    %dma_wait3A_1887 = arith.constant 0 : i32
    %dma_wait3A_1888 = arith.constant 0 : i32
    %dma_wait3A_1889 = tpu.memref_slice %arg13[%dma_wait3A_1887, %dma_wait3A_1888] : memref<640x64xf32, #tpu.memory_space<vmem_shared>> -> memref<640x64xf32, #tpu.memory_space<vmem_shared>>
    tpu.wait_indirect_dma semaphore(%arg18 : memref<!tpu.dma_semaphore, #tpu.memory_space<semaphore_mem>>) src(%arg7 : memref<128x64xf32, #tpu.memory_space<vmem>>) dst(%dma_wait3A_1889 : memref<640x64xf32, #tpu.memory_space<vmem_shared>>)
    %dma_wait3A_1890 = arith.constant 2304 : i32
    %dma_wait3A_1891 = tpu.memref_slice %arg6[%dma_wait3A_1890] : memref<2560xi32, #tpu.memory_space<vmem>> -> memref<128xi32, #tpu.memory_space<vmem>>
    %dma_wait3A_1892 = arith.constant 0 : i32
    %dma_wait3A_1893 = arith.constant 0 : i32
    %dma_wait3A_1894 = tpu.memref_slice %arg3[%dma_wait3A_1892, %dma_wait3A_1893] : memref<100000x64xf32, #tpu.memory_space<hbm>> -> memref<100000x64xf32, #tpu.memory_space<hbm>>
    tpu.wait_indirect_dma semaphore(%arg16 : memref<!tpu.dma_semaphore, #tpu.memory_space<semaphore_mem>>) src(%dma_wait3A_1894 : memref<100000x64xf32, #tpu.memory_space<hbm>>) dst(%arg9 : memref<128x64xf32, #tpu.memory_space<vmem>>)
    %dma_start3A_1895 = arith.constant 3 : i32
    %dma_start3A_1896 = arith.constant 0 : i32
    %dma_start3A_1897 = tpu.memref_slice %arg11[%dma_start3A_1895, %dma_start3A_1896] : memref<10x128xi32, #tpu.memory_space<vmem>> -> memref<1x128xi32, #tpu.memory_space<vmem>>
    %dma_start3A_1898 = tpu.memref_squeeze %dma_start3A_1897 : memref<1x128xi32, #tpu.memory_space<vmem>> -> memref<128xi32, #tpu.memory_space<vmem>>
    %dma_start3A_1899 = arith.constant 0 : i32
    %dma_start3A_1900 = arith.constant 0 : i32
    %dma_start3A_1901 = tpu.memref_slice %arg13[%dma_start3A_1899, %dma_start3A_1900] : memref<640x64xf32, #tpu.memory_space<vmem_shared>> -> memref<640x64xf32, #tpu.memory_space<vmem_shared>>
    tpu.enqueue_indirect_dma source(%arg9 : memref<128x64xf32, #tpu.memory_space<vmem>>) target(%dma_start3A_1901 : memref<640x64xf32, #tpu.memory_space<vmem_shared>>) offsets(%dma_start3A_1898 : memref<128xi32, #tpu.memory_space<vmem>>) semaphore(%arg20 : memref<!tpu.dma_semaphore, #tpu.memory_space<semaphore_mem>>) {add = true}
    %dma_wait3A_1902 = arith.constant 7 : i32
    %dma_wait3A_1903 = arith.constant 0 : i32
    %dma_wait3A_1904 = tpu.memref_slice %arg11[%dma_wait3A_1902, %dma_wait3A_1903] : memref<10x128xi32, #tpu.memory_space<vmem>> -> memref<1x128xi32, #tpu.memory_space<vmem>>
    %dma_wait3A_1905 = tpu.memref_squeeze %dma_wait3A_1904 : memref<1x128xi32, #tpu.memory_space<vmem>> -> memref<128xi32, #tpu.memory_space<vmem>>
    %dma_wait3A_1906 = arith.constant 0 : i32
    %dma_wait3A_1907 = arith.constant 0 : i32
    %dma_wait3A_1908 = tpu.memref_slice %arg13[%dma_wait3A_1906, %dma_wait3A_1907] : memref<640x64xf32, #tpu.memory_space<vmem_shared>> -> memref<640x64xf32, #tpu.memory_space<vmem_shared>>
    tpu.wait_indirect_dma semaphore(%arg19 : memref<!tpu.dma_semaphore, #tpu.memory_space<semaphore_mem>>) src(%arg8 : memref<128x64xf32, #tpu.memory_space<vmem>>) dst(%dma_wait3A_1908 : memref<640x64xf32, #tpu.memory_space<vmem_shared>>)
    %dma_wait3A_1909 = arith.constant 2432 : i32
    %dma_wait3A_1910 = tpu.memref_slice %arg6[%dma_wait3A_1909] : memref<2560xi32, #tpu.memory_space<vmem>> -> memref<128xi32, #tpu.memory_space<vmem>>
    %dma_wait3A_1911 = arith.constant 0 : i32
    %dma_wait3A_1912 = arith.constant 0 : i32
    %dma_wait3A_1913 = tpu.memref_slice %arg3[%dma_wait3A_1911, %dma_wait3A_1912] : memref<100000x64xf32, #tpu.memory_space<hbm>> -> memref<100000x64xf32, #tpu.memory_space<hbm>>
    tpu.wait_indirect_dma semaphore(%arg17 : memref<!tpu.dma_semaphore, #tpu.memory_space<semaphore_mem>>) src(%dma_wait3A_1913 : memref<100000x64xf32, #tpu.memory_space<hbm>>) dst(%arg10 : memref<128x64xf32, #tpu.memory_space<vmem>>)
    %dma_start3A_1914 = arith.constant 9 : i32
    %dma_start3A_1915 = arith.constant 0 : i32
    %dma_start3A_1916 = tpu.memref_slice %arg11[%dma_start3A_1914, %dma_start3A_1915] : memref<10x128xi32, #tpu.memory_space<vmem>> -> memref<1x128xi32, #tpu.memory_space<vmem>>
    %dma_start3A_1917 = tpu.memref_squeeze %dma_start3A_1916 : memref<1x128xi32, #tpu.memory_space<vmem>> -> memref<128xi32, #tpu.memory_space<vmem>>
    %dma_start3A_1918 = arith.constant 0 : i32
    %dma_start3A_1919 = arith.constant 0 : i32
    %dma_start3A_1920 = tpu.memref_slice %arg13[%dma_start3A_1918, %dma_start3A_1919] : memref<640x64xf32, #tpu.memory_space<vmem_shared>> -> memref<640x64xf32, #tpu.memory_space<vmem_shared>>
    tpu.enqueue_indirect_dma source(%arg10 : memref<128x64xf32, #tpu.memory_space<vmem>>) target(%dma_start3A_1920 : memref<640x64xf32, #tpu.memory_space<vmem_shared>>) offsets(%dma_start3A_1917 : memref<128xi32, #tpu.memory_space<vmem>>) semaphore(%arg21 : memref<!tpu.dma_semaphore, #tpu.memory_space<semaphore_mem>>) {add = true}
    %dma_wait3A_1921 = arith.constant 3 : i32
    %dma_wait3A_1922 = arith.constant 0 : i32
    %dma_wait3A_1923 = tpu.memref_slice %arg11[%dma_wait3A_1921, %dma_wait3A_1922] : memref<10x128xi32, #tpu.memory_space<vmem>> -> memref<1x128xi32, #tpu.memory_space<vmem>>
    %dma_wait3A_1924 = tpu.memref_squeeze %dma_wait3A_1923 : memref<1x128xi32, #tpu.memory_space<vmem>> -> memref<128xi32, #tpu.memory_space<vmem>>
    %dma_wait3A_1925 = arith.constant 0 : i32
    %dma_wait3A_1926 = arith.constant 0 : i32
    %dma_wait3A_1927 = tpu.memref_slice %arg13[%dma_wait3A_1925, %dma_wait3A_1926] : memref<640x64xf32, #tpu.memory_space<vmem_shared>> -> memref<640x64xf32, #tpu.memory_space<vmem_shared>>
    tpu.wait_indirect_dma semaphore(%arg20 : memref<!tpu.dma_semaphore, #tpu.memory_space<semaphore_mem>>) src(%arg9 : memref<128x64xf32, #tpu.memory_space<vmem>>) dst(%dma_wait3A_1927 : memref<640x64xf32, #tpu.memory_space<vmem_shared>>)
    %dma_wait3A_1928 = arith.constant 9 : i32
    %dma_wait3A_1929 = arith.constant 0 : i32
    %dma_wait3A_1930 = tpu.memref_slice %arg11[%dma_wait3A_1928, %dma_wait3A_1929] : memref<10x128xi32, #tpu.memory_space<vmem>> -> memref<1x128xi32, #tpu.memory_space<vmem>>
    %dma_wait3A_1931 = tpu.memref_squeeze %dma_wait3A_1930 : memref<1x128xi32, #tpu.memory_space<vmem>> -> memref<128xi32, #tpu.memory_space<vmem>>
    %dma_wait3A_1932 = arith.constant 0 : i32
    %dma_wait3A_1933 = arith.constant 0 : i32
    %dma_wait3A_1934 = tpu.memref_slice %arg13[%dma_wait3A_1932, %dma_wait3A_1933] : memref<640x64xf32, #tpu.memory_space<vmem_shared>> -> memref<640x64xf32, #tpu.memory_space<vmem_shared>>
    tpu.wait_indirect_dma semaphore(%arg21 : memref<!tpu.dma_semaphore, #tpu.memory_space<semaphore_mem>>) src(%arg10 : memref<128x64xf32, #tpu.memory_space<vmem>>) dst(%dma_wait3A_1934 : memref<640x64xf32, #tpu.memory_space<vmem_shared>>)
    %mul3A_1935 = arith.constant 2 : i32
    %mul3A_1936 = arith.muli %arg1, %mul3A_1935 : i32
    %mul3A_1937 = arith.constant 20 : i32
    %mul3A_1938 = arith.muli %mul3A_1936, %mul3A_1937 : i32
    "tpu.region"() ({
      %run_scoped3A = tpu.sem_alloc : memref<!tpu.dma_semaphore, #tpu.memory_space<semaphore_mem>>
      %dma_start3A_1939 = arith.constant 0 : i32
      %dma_start3A_1940 = arith.constant 0 : i32
      %dma_start3A_1941 = tpu.memref_slice %arg5[%add3A, %dma_start3A_1939, %dma_start3A_1940] : memref<32x40x64xf32, #tpu.memory_space<hbm>> -> memref<1x40x64xf32, #tpu.memory_space<hbm>>
      %dma_start3A_1942 = tpu.memref_squeeze %dma_start3A_1941 : memref<1x40x64xf32, #tpu.memory_space<hbm>> -> memref<40x64xf32, #tpu.memory_space<hbm>>
      %dma_start3A_1943 = arith.constant 0 : i32
      %dma_start3A_1944 = tpu.memref_slice %arg13[%mul3A_1938, %dma_start3A_1943] : memref<640x64xf32, #tpu.memory_space<vmem_shared>> -> memref<40x64xf32, #tpu.memory_space<vmem_shared>>
      tpu.enqueue_dma source(%dma_start3A_1944 : memref<40x64xf32, #tpu.memory_space<vmem_shared>>) target(%dma_start3A_1942 : memref<40x64xf32, #tpu.memory_space<hbm>>) target_semaphore(%run_scoped3A : memref<!tpu.dma_semaphore, #tpu.memory_space<semaphore_mem>>)
      %dma_wait3A_1945 = arith.constant 0 : i32
      %dma_wait3A_1946 = arith.constant 0 : i32
      %dma_wait3A_1947 = tpu.memref_slice %arg5[%add3A, %dma_wait3A_1945, %dma_wait3A_1946] : memref<32x40x64xf32, #tpu.memory_space<hbm>> -> memref<1x40x64xf32, #tpu.memory_space<hbm>>
      %dma_wait3A_1948 = tpu.memref_squeeze %dma_wait3A_1947 : memref<1x40x64xf32, #tpu.memory_space<hbm>> -> memref<40x64xf32, #tpu.memory_space<hbm>>
      %dma_wait3A_1949 = arith.constant 0 : i32
      %dma_wait3A_1950 = tpu.memref_slice %arg13[%mul3A_1938, %dma_wait3A_1949] : memref<640x64xf32, #tpu.memory_space<vmem_shared>> -> memref<40x64xf32, #tpu.memory_space<vmem_shared>>
      tpu.wait_dma2 semaphore(%run_scoped3A : memref<!tpu.dma_semaphore, #tpu.memory_space<semaphore_mem>>) src(%dma_wait3A_1950 : memref<40x64xf32, #tpu.memory_space<vmem_shared>>) dst(%dma_wait3A_1948 : memref<40x64xf32, #tpu.memory_space<hbm>>)
      tpu.yield
    }) : () -> ()
    return
  }
}

module attributes {stable_mosaic.version = 14 : i64} {
  func.func @body(%arg0: memref<1x1xf32, #tpu.memory_space<smem>>, %arg1: memref<1x128xf32, #tpu.memory_space<smem>>, %arg2: memref<1x100000xf32, #tpu.memory_space<vmem>>, %arg3: memref<1x100000xf32, #tpu.memory_space<vmem>>) attributes {dimension_semantics = [], scalar_prefetch = 0 : i64, scratch_operands = 0 : i64, tpu.core_type = #tpu.core_type<tc>} {
    %get3A = arith.constant 0 : index
    %get3A_0 = arith.constant 0 : index
    %get3A_1 = memref.load %arg1[%get3A, %get3A_0] : memref<1x128xf32, #tpu.memory_space<smem>>
    %get3A_2 = arith.constant 0 : index
    %get3A_3 = arith.constant 1 : index
    %get3A_4 = memref.load %arg1[%get3A_2, %get3A_3] : memref<1x128xf32, #tpu.memory_space<smem>>
    %log3A = math.log %get3A_4 : f32
    %get3A_5 = arith.constant 0 : index
    %get3A_6 = arith.constant 0 : index
    %get3A_7 = memref.load %arg0[%get3A_5, %get3A_6] : memref<1x1xf32, #tpu.memory_space<smem>>
    %get3A_8 = arith.constant 0 : index
    %get3A_9 = arith.constant 0 : index
    %get3A_10 = vector.load %arg2[%get3A_8, %get3A_9] : memref<1x100000xf32, #tpu.memory_space<vmem>>, vector<1x100000xf32>
    %sub3A = vector.broadcast %get3A_1 : f32 to vector<1x100000xf32>
    %sub3A_11 = arith.subf %get3A_10, %sub3A : vector<1x100000xf32>
    %sub3A_12 = vector.broadcast %log3A : f32 to vector<1x100000xf32>
    %sub3A_13 = arith.subf %sub3A_11, %sub3A_12 : vector<1x100000xf32>
    %mul3A = arith.constant 0.899999976 : f32
    %mul3A_14 = vector.broadcast %mul3A : f32 to vector<1x100000xf32>
    %mul3A_15 = arith.mulf %mul3A_14, %sub3A_13 : vector<1x100000xf32>
    %mul3A_16 = arith.constant 1.000000e-01 : f32
    %mul3A_17 = arith.mulf %mul3A_16, %get3A_7 : f32
    %sub3A_18 = vector.broadcast %mul3A_17 : f32 to vector<1x100000xf32>
    %sub3A_19 = arith.subf %mul3A_15, %sub3A_18 : vector<1x100000xf32>
    %swap3A = arith.constant 0 : index
    %swap3A_20 = arith.constant 0 : index
    %swap3A_21 = vector.load %arg3[%swap3A, %swap3A_20] : memref<1x100000xf32, #tpu.memory_space<vmem>>, vector<1x100000xf32>
    tpu.vector_store %arg3[%swap3A, %swap3A_20], %sub3A_19 {strides = array<i32>} : memref<1x100000xf32, #tpu.memory_space<vmem>>, vector<1x100000xf32>,
    return
  }
}

module attributes {stable_mosaic.version = 14 : i64} {
  func.func @body(%arg0: i32, %arg1: memref<64x1280xf32, #tpu.memory_space<vmem>>, %arg2: memref<1280x128xf32, #tpu.memory_space<vmem>>, %arg3: memref<1x128xf32, #tpu.memory_space<vmem>>, %arg4: memref<16384x128xf32, #tpu.memory_space<vmem>>, %arg5: memref<1x16384xf32, #tpu.memory_space<vmem>>, %arg6: memref<1x16384xf32, #tpu.memory_space<vmem>>, %arg7: memref<1x128xf32, #tpu.memory_space<vmem>>, %arg8: memref<1x128xf32, #tpu.memory_space<vmem>>, %arg9: memref<2xf32, #tpu.memory_space<smem>>) attributes {dimension_semantics = [#tpu.dimension_semantics<arbitrary>], iteration_bounds = array<i64: 7>, scalar_prefetch = 0 : i64, scratch_operands = 2 : i64, tpu.core_type = #tpu.core_type<tc>, window_params = [{pipeline_mode = #tpu.pipeline_mode<synchronous>, transform_indices = @transform_0, window_bounds = array<i64: 64, 1280>}, {pipeline_mode = #tpu.pipeline_mode<synchronous>, transform_indices = @transform_1, window_bounds = array<i64: 1280, 128>}, {pipeline_mode = #tpu.pipeline_mode<synchronous>, transform_indices = @transform_2, window_bounds = array<i64: 1, 128>}, {transform_indices = @transform_3, window_bounds = array<i64: 16384, 128>}, {transform_indices = @transform_4, window_bounds = array<i64: 1, 16384>}, {transform_indices = @transform_5, window_bounds = array<i64: 1, 16384>}, {pipeline_mode = #tpu.pipeline_mode<synchronous>, transform_indices = @transform_6, window_bounds = array<i64: 1, 128>}]} {
    %eq3A = arith.constant 0 : i32
    %eq3A_0 = arith.cmpi eq, %arg0, %eq3A : i32
    %convert_element_type3A = arith.extui %eq3A_0 : i1 to i32
    %cond3A = arith.constant 0 : i32
    %cond3A_1 = arith.cmpi ne, %convert_element_type3A, %cond3A : i32
    scf.if %cond3A_1 {
      %get3A_44 = arith.constant 0 : index
      %get3A_45 = arith.constant 0 : index
      %get3A_46 = vector.load %arg1[%get3A_44, %get3A_45] : memref<64x1280xf32, #tpu.memory_space<vmem>>, vector<64x1280xf32>
      %reduce_sum3A_47 = arith.constant dense<0.000000e+00> : vector<1280xf32>
      %reduce_sum3A_48 = vector.multi_reduction <add>, %get3A_46, %reduce_sum3A_47 [0] : vector<64x1280xf32> to vector<1280xf32>
      %broadcast_in_dim3A_49 = vector.shape_cast %reduce_sum3A_48 : vector<1280xf32> to vector<1x1280xf32>
      %mul3A_50 = arith.constant 2.44140625E-4 : f32
      %mul3A_51 = vector.broadcast %mul3A_50 : f32 to vector<1x1280xf32>
      %mul3A_52 = arith.mulf %broadcast_in_dim3A_49, %mul3A_51 : vector<1x1280xf32>
      %get3A_53 = arith.constant 0 : index
      %get3A_54 = arith.constant 0 : index
      %get3A_55 = vector.load %arg2[%get3A_53, %get3A_54] : memref<1280x128xf32, #tpu.memory_space<vmem>>, vector<1280x128xf32>
      %dot_general3A_56 = arith.constant dense<0.000000e+00> : vector<1x128xf32>
      %dot_general3A_57 = tpu.matmul %mul3A_52, %get3A_55, %dot_general3A_56 {dimension_numbers = #tpu.dot_dimension_numbers<[1], [0], [0], [1], [0, 0, 1, 1], [], []>, transpose_lhs_hint = false} : vector<1x1280xf32>, vector<1280x128xf32>, vector<1x128xf32> -> vector<1x128xf32>
      %get3A_58 = arith.constant 0 : index
      %get3A_59 = arith.constant 0 : index
      %get3A_60 = vector.load %arg3[%get3A_58, %get3A_59] : memref<1x128xf32, #tpu.memory_space<vmem>>, vector<1x128xf32>
      %add3A_61 = arith.addf %dot_general3A_57, %get3A_60 : vector<1x128xf32>
      %max3A_62 = arith.constant 0.000000e+00 : f32
      %max3A_63 = vector.broadcast %max3A_62 : f32 to vector<1x128xf32>
      %max3A_64 = arith.maximumf %add3A_61, %max3A_63 : vector<1x128xf32>
      %swap3A_65 = arith.constant 0 : index
      %swap3A_66 = arith.constant 0 : index
      %swap3A_67 = vector.load %arg8[%swap3A_65, %swap3A_66] : memref<1x128xf32, #tpu.memory_space<vmem>>, vector<1x128xf32>
      tpu.vector_store %arg8[%swap3A_65, %swap3A_66], %max3A_64 {strides = array<i32>} : memref<1x128xf32, #tpu.memory_space<vmem>>, vector<1x128xf32>,
      %swap3A_68 = arith.constant 0xFF800000 : f32
      %swap3A_69 = arith.constant 0 : index
      %swap3A_70 = memref.load %arg9[%swap3A_69] : memref<2xf32, #tpu.memory_space<smem>>
      memref.store %swap3A_68, %arg9[%swap3A_69] : memref<2xf32, #tpu.memory_space<smem>>
      %swap3A_71 = arith.constant 0.000000e+00 : f32
      %swap3A_72 = arith.constant 1 : index
      %swap3A_73 = memref.load %arg9[%swap3A_72] : memref<2xf32, #tpu.memory_space<smem>>
      memref.store %swap3A_71, %arg9[%swap3A_72] : memref<2xf32, #tpu.memory_space<smem>>
    } else {
    }
    %get3A = arith.constant 0 : index
    %get3A_2 = arith.constant 0 : index
    %get3A_3 = vector.load %arg8[%get3A, %get3A_2] : memref<1x128xf32, #tpu.memory_space<vmem>>, vector<1x128xf32>
    %get3A_4 = arith.constant 0 : index
    %get3A_5 = arith.constant 0 : index
    %get3A_6 = vector.load %arg4[%get3A_4, %get3A_5] : memref<16384x128xf32, #tpu.memory_space<vmem>>, vector<16384x128xf32>
    %dot_general3A = arith.constant dense<0.000000e+00> : vector<1x16384xf32>
    %dot_general3A_7 = tpu.matmul %get3A_3, %get3A_6, %dot_general3A {dimension_numbers = #tpu.dot_dimension_numbers<[1], [1], [0], [0], [0, 0, 1, 0], [], []>, transpose_lhs_hint = false} : vector<1x128xf32>, vector<16384x128xf32>, vector<1x16384xf32> -> vector<1x16384xf32>
    %get3A_8 = arith.constant 0 : index
    %get3A_9 = arith.constant 0 : index
    %get3A_10 = vector.load %arg5[%get3A_8, %get3A_9] : memref<1x16384xf32, #tpu.memory_space<vmem>>, vector<1x16384xf32>
    %add3A = arith.addf %dot_general3A_7, %get3A_10 : vector<1x16384xf32>
    %mul3A = arith.constant 16384 : i32
    %mul3A_11 = arith.muli %arg0, %mul3A : i32
    %iota3A = tpu.iota {dimensions = array<i32: 1>} : vector<1x16384xi32>
    %add3A_12 = vector.broadcast %mul3A_11 : i32 to vector<1x16384xi32>
    %add3A_13 = arith.addi %add3A_12, %iota3A : vector<1x16384xi32>
    %lt3A = arith.constant 100000 : i32
    %lt3A_14 = vector.broadcast %lt3A : i32 to vector<1x16384xi32>
    %lt3A_15 = arith.cmpi slt, %add3A_13, %lt3A_14 : vector<1x16384xi32>
    %jit3A = arith.constant 0xFF800000 : f32
    %broadcast_in_dim3A = vector.broadcast %jit3A : f32 to vector<1x16384xf32>
    %select_n3A = arith.select %lt3A_15, %add3A, %broadcast_in_dim3A : vector<1x16384xi1>, vector<1x16384xf32>
    %get3A_16 = arith.constant 0 : index
    %get3A_17 = memref.load %arg9[%get3A_16] : memref<2xf32, #tpu.memory_space<smem>>
    %reduce_max3A = vector.shape_cast %select_n3A : vector<1x16384xf32> to vector<1x1x16384xf32>
    %reduce_max3A_18 = arith.constant dense<0xFF800000> : vector<1xf32>
    %reduce_max3A_19 = vector.multi_reduction <maximumf>, %reduce_max3A, %reduce_max3A_18 [1, 2] : vector<1x1x16384xf32> to vector<1xf32>
    %reduce_max3A_20 = vector.shape_cast %reduce_max3A_19 : vector<1xf32> to vector<1x1x1xf32>
    %reduce_max3A_21 = vector.extract %reduce_max3A_20[0, 0, 0] : f32 from vector<1x1x1xf32>
    %max3A = arith.maximumf %get3A_17, %reduce_max3A_21 : f32
    %get3A_22 = arith.constant 1 : index
    %get3A_23 = memref.load %arg9[%get3A_22] : memref<2xf32, #tpu.memory_space<smem>>
    %sub3A = arith.subf %get3A_17, %max3A : f32
    %exp3A = math.exp %sub3A : f32
    %mul3A_24 = arith.mulf %get3A_23, %exp3A : f32
    %sub3A_25 = vector.broadcast %max3A : f32 to vector<1x16384xf32>
    %sub3A_26 = arith.subf %select_n3A, %sub3A_25 : vector<1x16384xf32>
    %exp3A_27 = math.exp %sub3A_26 : vector<1x16384xf32>
    %reduce_sum3A = vector.shape_cast %exp3A_27 : vector<1x16384xf32> to vector<1x1x16384xf32>
    %reduce_sum3A_28 = arith.constant dense<0.000000e+00> : vector<1xf32>
    %reduce_sum3A_29 = vector.multi_reduction <add>, %reduce_sum3A, %reduce_sum3A_28 [1, 2] : vector<1x1x16384xf32> to vector<1xf32>
    %reduce_sum3A_30 = vector.shape_cast %reduce_sum3A_29 : vector<1xf32> to vector<1x1x1xf32>
    %reduce_sum3A_31 = vector.extract %reduce_sum3A_30[0, 0, 0] : f32 from vector<1x1x1xf32>
    %add3A_32 = arith.addf %mul3A_24, %reduce_sum3A_31 : f32
    %swap3A = arith.constant 0 : index
    %swap3A_33 = memref.load %arg9[%swap3A] : memref<2xf32, #tpu.memory_space<smem>>
    memref.store %max3A, %arg9[%swap3A] : memref<2xf32, #tpu.memory_space<smem>>
    %swap3A_34 = arith.constant 1 : index
    %swap3A_35 = memref.load %arg9[%swap3A_34] : memref<2xf32, #tpu.memory_space<smem>>
    memref.store %add3A_32, %arg9[%swap3A_34] : memref<2xf32, #tpu.memory_space<smem>>
    %swap3A_36 = arith.constant 0 : index
    %swap3A_37 = arith.constant 0 : index
    %swap3A_38 = vector.load %arg6[%swap3A_36, %swap3A_37] : memref<1x16384xf32, #tpu.memory_space<vmem>>, vector<1x16384xf32>
    tpu.vector_store %arg6[%swap3A_36, %swap3A_37], %add3A {strides = array<i32>} : memref<1x16384xf32, #tpu.memory_space<vmem>>, vector<1x16384xf32>,
    %eq3A_39 = arith.constant 6 : i32
    %eq3A_40 = arith.cmpi eq, %arg0, %eq3A_39 : i32
    %convert_element_type3A_41 = arith.extui %eq3A_40 : i1 to i32
    %cond3A_42 = arith.constant 0 : i32
    %cond3A_43 = arith.cmpi ne, %convert_element_type3A_41, %cond3A_42 : i32
    scf.if %cond3A_43 {
      %iota3A_44 = tpu.iota {dimensions = array<i32: 1>} : vector<1x128xi32>
      %eq3A_45 = arith.constant 0 : i32
      %eq3A_46 = vector.broadcast %eq3A_45 : i32 to vector<1x128xi32>
      %eq3A_47 = arith.cmpi eq, %iota3A_44, %eq3A_46 : vector<1x128xi32>
      %eq3A_48 = arith.constant 1 : i32
      %eq3A_49 = vector.broadcast %eq3A_48 : i32 to vector<1x128xi32>
      %eq3A_50 = arith.cmpi eq, %iota3A_44, %eq3A_49 : vector<1x128xi32>
      %jit3A_51 = arith.constant 0.000000e+00 : f32
      %broadcast_in_dim3A_52 = vector.broadcast %add3A_32 : f32 to vector<1x128xf32>
      %broadcast_in_dim3A_53 = vector.broadcast %jit3A_51 : f32 to vector<1x128xf32>
      %select_n3A_54 = arith.select %eq3A_50, %broadcast_in_dim3A_52, %broadcast_in_dim3A_53 : vector<1x128xi1>, vector<1x128xf32>
      %broadcast_in_dim3A_55 = vector.broadcast %max3A : f32 to vector<1x128xf32>
      %select_n3A_56 = arith.select %eq3A_47, %broadcast_in_dim3A_55, %select_n3A_54 : vector<1x128xi1>, vector<1x128xf32>
      %swap3A_57 = arith.constant 0 : index
      %swap3A_58 = arith.constant 0 : index
      %swap3A_59 = vector.load %arg7[%swap3A_57, %swap3A_58] : memref<1x128xf32, #tpu.memory_space<vmem>>, vector<1x128xf32>
      tpu.vector_store %arg7[%swap3A_57, %swap3A_58], %select_n3A_56 {strides = array<i32>} : memref<1x128xf32, #tpu.memory_space<vmem>>, vector<1x128xf32>,
    } else {
    }
    return
  }
  func.func @transform_0(%arg0: i32) -> (i32, i32) {
    %c0_i32 = arith.constant 0 : i32
    %c0_i32_0 = arith.constant 0 : i32
    %c0_i32_1 = arith.constant 0 : i32
    return %c0_i32, %c0_i32_0 : i32, i32
  }
  func.func @transform_1(%arg0: i32) -> (i32, i32) {
    %c0_i32 = arith.constant 0 : i32
    %c0_i32_0 = arith.constant 0 : i32
    %c0_i32_1 = arith.constant 0 : i32
    return %c0_i32, %c0_i32_0 : i32, i32
  }
  func.func @transform_2(%arg0: i32) -> (i32, i32) {
    %c0_i32 = arith.constant 0 : i32
    %c0_i32_0 = arith.constant 0 : i32
    %c0_i32_1 = arith.constant 0 : i32
    return %c0_i32, %c0_i32_0 : i32, i32
  }
  func.func @transform_3(%arg0: i32) -> (i32, i32) {
    %c0_i32 = arith.constant 0 : i32
    %c0_i32_0 = arith.constant 0 : i32
    return %arg0, %c0_i32 : i32, i32
  }
  func.func @transform_4(%arg0: i32) -> (i32, i32) {
    %c0_i32 = arith.constant 0 : i32
    %c0_i32_0 = arith.constant 0 : i32
    return %c0_i32, %arg0 : i32, i32
  }
  func.func @transform_5(%arg0: i32) -> (i32, i32) {
    %c0_i32 = arith.constant 0 : i32
    %c0_i32_0 = arith.constant 0 : i32
    return %c0_i32, %arg0 : i32, i32
  }
  func.func @transform_6(%arg0: i32) -> (i32, i32) {
    %c0_i32 = arith.constant 0 : i32
    %c0_i32_0 = arith.constant 0 : i32
    %c0_i32_1 = arith.constant 0 : i32
    return %c0_i32, %c0_i32_0 : i32, i32
  }
}

</mosaic_0001>

<sc_bundles>
// kernel: kernel.5.cloned.1.call-start
scs
__scs_entry_jumppad:
0x0: {  	(pc) =	sbr.rel $0x88, $3  }
0x1: {  	(tag) =	ssettag $0x0;
	lr =	simm.s32 $0x1  }
0x2: {  	[smem:$0x3F9A] =	sst lr;
	_ =	strace $0xD0000000  }
0x3: {  	_ = 	snop  }
0x4: {  	_ = 	snop  }
0x5: {  	_ = 	snop  }
0x6: {  	_ = 	snop  }
0x7: {  	_ = 	snop  }
__scs_overlays_trampoline_lowered:
0x8: {  	[smem:$0x3FA9] =	sst s0  }
0x9: {  	[smem:$0x3FAA] =	sst s1  }
0xa: {  	[smem:$0x3FAB] =	sst s2  }
0xb: {  	[smem:$0x3FAC] =	sst s3  }
0xc: {  	[smem:$0x3FAD] =	sst s4  }
0xd: {  	[smem:$0x3FAE] =	sst s5  }
0xe: {  	[smem:$0x3FAF] =	sst s6  }
0xf: {  	[smem:$0x3FB0] =	sst s7  }
0x10: {  	[smem:$0x3FB1] =	sst s8  }
0x11: {  	[smem:$0x3FB2] =	sst s9;
	s0 =	simm.s32 @!p0 $0x0  }
0x12: {  	s1 =	sld [smem:$0x3F98];
	s0 =	simm.s32 @p0 $0x1  }
0x13: {  	[smem:$0x3FB3] =	sst s0;
	s0 =	simm.s32 @!p1 $0x0  }
0x14: {  	s2 =	sld [smem:$0x3F97];
	s0 =	simm.s32 @p1 $0x1  }
0x15: {  	[smem:$0x3FB4] =	sst s0;
	s0 =	simm.s32 @!p2 $0x0  }
0x16: {  	s3 =	sld [smem:$0x3FDB];
	s0 =	simm.s32 @p2 $0x1  }
0x17: {  	s4 =	simm.s32 $0x1BF5;
	[smem:$0x3FB6] =	sst s0  }
0x18: {  	s0 =	sld [smem:$0x3F99];
	_ =	swait.ge [sflag:s4], $0x0  }
0x19: {  	s7 =	sld [smem:$0x3F9A]  }
0x1a: {  	s8 =	sadd.s32 $0xFFFFE003, lr  }
0x1b: {  	s9 =	sadd.s32 $0xFFFFFEF7, lr;
	s5 =	simm.s32 $0xFFFFFFFF;
	p2 =	slt.u32 s8, $0xFFFFF086  }
0x1c: {  	p1 =	slt.u32 s9, $0xF7A;
	s5 =	simm.s32 @!p2 $0x0  }
0x1d: {  	s5 =	simm.s32 @p1 $0x1;
	p0 =	seq.s32 s7, s2  }
0x1e: {  	s7 =	smul.u32 @!p0 $0xF7A, s2;
	p2 =	seq.s32 @!p0 s5, $0x0  }
0x1f: {  	s9 =	smul.u32 $0xF7A, s1;
	s8 =	simm.s32 @!p0 $0x1BF5;
	p2 =	por !p2, p0  }
0x20: {  	[sflag:s8] =	ssyncset.s32 @!p0 $0xFFFFF086;
	s6 =	sadd.s32 @!p0 s3, s7;
	s7 =	simm.s32 @!p0 $0x108  }
0x21: {  	s3 =	sadd.s32 s3, s9;
	s6 =	sadd.s32 @!p0 $0x88, s6;
	s7 =	simm.s32 @p2 $0x1082  }
0x22: {  	[simem:s7], [sflag:s8] =	dma.local @!p0 [hbm:s6], $0xF7A  }
0x23: {  	s9 =	sor.u32 $0xD0000000, s2;
	s6 =	simm.s32 $0x108;
	_ =	swait.ge @!p0 [sflag:s8], $0x0  }
0x24: {  	s3 =	sadd.s32 $0x88, s3;
	s6 =	simm.s32 @!p1 $0x1082;
	[sflag:s4] =	ssyncset.s32 $0xFFFFF086  }
0x25: {  	[simem:s6], [sflag:s4] =	dma.local [hbm:s3], $0xF7A  }
0x26: {  	[smem:$0x3F9A] =	sst s1;
	(tag) =	ssettag s2;
	_ =	strace s9  }
0x27: {  	s1 =	sld [smem:$0x3FAA]  }
0x28: {  	s2 =	sld [smem:$0x3FAB]  }
0x29: {  	s4 =	sld [smem:$0x3FAD]  }
0x2a: {  	p0 =	seq.s32 s5, $0x0;
	s5 =	sld [smem:$0x3FAE]  }
0x2b: {  	s6 =	sld [smem:$0x3FAF]  }
0x2c: {  	s7 =	sld [smem:$0x3FB0]  }
0x2d: {  	s3 =	simm.s32 $0x108;
	s8 =	sld [smem:$0x3FB1]  }
0x2e: {  	s3 =	simm.s32 @!p0 $0x1082;
	s9 =	sld [smem:$0x3FB2]  }
0x2f: {  	lr =	sadd.s32 s0, s3;
	s0 =	sld [smem:$0x3FA9]  }
0x30: {  	s3 =	sld [smem:$0x3FAC]  }
0x31: {  	[smem:$0x3FB5] =	sst s10  }
0x32: {  	s10 =	sld [smem:$0x3FB3];
	_ =	sdelay $0x3  }
0x33: {  	p0 =	seq.s32 s10, $0x1;
	s10 =	sld [smem:$0x3FB5];
	_ =	sdelay $0x3  }
0x34: {  	[smem:$0x3FB5] =	sst s10  }
0x35: {  	s10 =	sld [smem:$0x3FB4];
	_ =	sdelay $0x3  }
0x36: {  	p1 =	seq.s32 s10, $0x1;
	s10 =	sld [smem:$0x3FB5];
	_ =	sdelay $0x3  }
0x37: {  	[smem:$0x3FB5] =	sst s10  }
0x38: {  	s10 =	sld [smem:$0x3FB6]  }
0x39: {  	_ = 	snop;
	(pc) =	sbr.ind lr, $3  }
0x3a: {  	_ = 	snop  }
0x3b: {  	_ = 	snop  }
0x3c: {  	p2 =	seq.s32 s10, $0x1;
	s10 =	sld [smem:$0x3FB5]  }
0x3d: {  	_ =	shalt  }
0x3e: {  	_ =	shalt  }
0x3f: {  	_ =	shalt  }
0x40: {  	_ =	shalt  }
0x41: {  	_ =	shalt  }
0x42: {  	_ =	shalt  }
0x43: {  	_ =	shalt  }
0x44: {  	_ =	shalt  }
0x45: {  	_ =	shalt  }
0x46: {  	_ =	shalt  }
0x47: {  	_ =	shalt  }
0x48: {  	_ =	shalt  }
0x49: {  	_ =	shalt  }
0x4a: {  	_ =	shalt  }
0x4b: {  	_ =	shalt  }
0x4c: {  	_ =	shalt  }
0x4d: {  	_ =	shalt  }
0x4e: {  	_ =	shalt  }
0x4f: {  	_ =	shalt  }
0x50: {  	_ =	shalt  }
0x51: {  	_ =	shalt  }
0x52: {  	_ =	shalt  }
0x53: {  	_ =	shalt  }
0x54: {  	_ =	shalt  }
0x55: {  	_ =	shalt  }
0x56: {  	_ =	shalt  }
0x57: {  	_ =	shalt  }
0x58: {  	_ =	shalt  }
0x59: {  	_ =	shalt  }
0x5a: {  	_ =	shalt  }
0x5b: {  	_ =	shalt  }
0x5c: {  	_ =	shalt  }
0x5d: {  	_ =	shalt  }
0x5e: {  	_ =	shalt  }
0x5f: {  	_ =	shalt  }
0x60: {  	_ =	shalt  }
0x61: {  	_ =	shalt  }
0x62: {  	_ =	shalt  }
0x63: {  	_ =	shalt  }
0x64: {  	_ =	shalt  }
0x65: {  	_ =	shalt  }
0x66: {  	_ =	shalt  }
0x67: {  	_ =	shalt  }
0x68: {  	_ =	shalt  }
0x69: {  	_ =	shalt  }
0x6a: {  	_ =	shalt  }
0x6b: {  	_ =	shalt  }
0x6c: {  	_ =	shalt  }
0x6d: {  	_ =	shalt  }
0x6e: {  	_ =	shalt  }
0x6f: {  	_ =	shalt  }
0x70: {  	_ =	shalt  }
0x71: {  	_ =	shalt  }
0x72: {  	_ =	shalt  }
0x73: {  	_ =	shalt  }
0x74: {  	_ =	shalt  }
0x75: {  	_ =	shalt  }
0x76: {  	_ =	shalt  }
0x77: {  	_ =	shalt  }
0x78: {  	_ =	shalt  }
0x79: {  	_ =	shalt  }
0x7a: {  	_ =	shalt  }
0x7b: {  	_ =	shalt  }
0x7c: {  	_ =	shalt  }
0x7d: {  	_ =	shalt  }
0x7e: {  	_ =	shalt  }
0x7f: {  	_ =	shalt  }
0x80: {  	_ =	shalt  }
0x81: {  	_ =	shalt  }
0x82: {  	_ =	shalt  }
0x83: {  	_ =	shalt  }
0x84: {  	_ =	shalt  }
0x85: {  	_ =	shalt  }
0x86: {  	_ =	shalt  }
0x87: {  	_ =	shalt  }
.Lfunc_end0:
.L_simem_size_0:
called_computation_lowered:
.L_overlay_start_0:
0x88: {  	s2 =	sld [smem:$0x3FD9]  }
0x89: {  	s3 =	sld [smem:$0x3FFE];
	_ =	sdelay $0x1  }
0x8a: {  	s1 =	srdreg.scid  }
0x8b: {  	s0 =	sand.u32 $0x1, s1  }
0x8c: {  	s17 =	sshll.u32 s0, $0xA;
	s2 =	sadd.s32 s3, s2  }
0x8d: {  	s2 =	sadd.s32 s2, s17  }
0x8e: {  	[smem:$0x3FC1] =	sst s2  }
0x8f: {  	_ = 	snop  }
0x90: {  	s2 =	sld [smem:$0x3FD0];
	(tm) =	ssettm $0x1  }
0x91: {  	s18 =	sld [smem:$0x3FFB];
	_ =	sdelay $0x3  }
0x92: {  	_ =	strace s18  }
0x93: {  	s3 =	sld [smem:$0x3FFC];
	_ =	sdelay $0x3  }
0x94: {  	_ =	strace s3  }
0x95: {  	s3 =	sld [smem:$0x3FFD];
	_ =	sdelay $0x3  }
0x96: {  	_ =	strace s3  }
0x97: {  	_ =	strace $0x8FFFFFFF  }
0x98: {  	s19 =	sld [smem:$0x3FDB];
	_ =	sdelay $0x1  }
0x99: {  	s4 =	simm.s32 $_scs_section_size  }
0x9a: {  	s5 =	simm.s32 $_size__tile_overlayer_lowered;
	s6 =	simm.s32 $_tile_overlayer_lowered  }
0x9b: {  	s22 =	simm.s32 $0x1BFF;
	s21 =	sshll.u32 s6, $0x1;
	s3 =	sadd.s32 s4, s19  }
0x9c: {  	s7 =	simm.s32 $0x0;
	s20 =	sshll.u32 s5, $0x1;
	s5 =	sadd.s32 s21, s3  }
0x9d: {  	[timem:s7], [sflag:s22] =	dma.local [hbm:s5], s20  }
0x9e: {  	_ =	swait.ge [sflag:s22], s20  }
0x9f: {  	s4 =	ssub.s32 $0x0, s20;
	[sflag:s22] =	ssyncset.done $0x0  }
0xa0: {  	[sflag:s22] =	ssyncadd.s32 s4;
	_ =	sdelay $0x1  }
0xa1: {  	s23 =	simm.s32 $0x1B8B  }
0xa2: {  	_ =	swait.ge [sflag:s23], $0x1  }
0xa3: {  	[sflag:s23] =	ssyncset.done $0x0  }
0xa4: {  	s25 =	simm.s32 $0x1B8E;
	s24 =	sld [smem:$0x3FFE];
	[sflag:s23] =	ssyncadd.s32 $0xFFFFFFFF  }
0xa5: {  	s26 =	simm.s32 $execute0_lowered;
	[smem:$0x3FD2] =	sst s25  }
0xa6: {  	s5 =	sshll.u32 s26, $0x1;
	_ =	strace $0x80000046;
	[dreg:$0x1] =	wrdreg $0xFFFFFFFF  }
0xa7: {  	s28 =	simm.s32 $_size_execute0_lowered;
	s3 =	sadd.s32 s3, s5;
	[dreg:$0x0] =	wrdreg $0x0  }
0xa8: {  	s5 =	sshll.u32 s28, $0x1;
	[dreg:$0x2] =	wrdreg s3  }
0xa9: {  	[dreg:$0x3] =	wrdreg s5  }
0xaa: {  	[dreg:$0x4] =	wrdreg $0xC0  }
0xab: {  	_ =	task [dreg:s7], $0x5FFFF  }
0xac: {  	[dreg:$0x1] =	wrdreg $0xFFFFFFFF  }
0xad: {  	[dreg:$0x0] =	wrdreg $0x60  }
0xae: {  	[dreg:$0x2] =	wrdreg s2  }
0xaf: {  	[dreg:$0x3] =	wrdreg s24  }
0xb0: {  	[dreg:$0x4] =	wrdreg $0x94000  }
0xb1: {  	[dreg:$0x5] =	wrdreg $0x9  }
0xb2: {  	_ =	task.clear_ibuf [dreg:s7], $0x6FFFF;
	_ =	strace $0x90000046  }
0xb3: {  	s29 =	simm.s32 $0x9;
	_ =	strace $0x80000048  }
0xb4: {  	_ =	swait.ge [sflag:s29], $0x1  }
0xb5: {  	[sflag:s29] =	ssyncadd.s32 $0xFFFFFFFF  }
0xb6: {  	_ =	strace $0x90000048  }
0xb7: {  	_ =	sfence  }
0xb8: {  	s30 =	sld [smem:$0x0];
	_ =	sdelay $0x2  }
0xb9: {  	s31 =	sshll.u32 s1, $0xD;
	s1 =	sshrl.u32 s1, $0x2  }
0xba: {  	s3 =	sand.u32 $0x4000, s31;
	s1 =	sadd.s32 s1, s30  }
0xbb: {  	s0 =	sor.u32 s3, s0;
	s1 =	sshll.u32 s1, $0x11  }
0xbc: {  	s0 =	sor.u32 s1, s0  }
0xbd: {  	s0 =	sadd.s32 $0x8F2B, s0  }
0xbe: {  	[sflag:s0] =	ssyncadd.remote.s32 $0x1  }
0xbf: {  	_ =	sfence.sel $0xFFFF  }
0xc0: {  	[dreg:$0x0] =	wrdreg $0xFFFFFFFF;
	(pc) =	sbr.abs _section_cstart, $3  }
0xc1: {  	[dreg:$0x1] =	wrdreg $0xFFFFFFFF  }
0xc2: {  	_ =	task.clear_ibuf [dreg:s7], $0x2FFFF;
	_ =	strace $0x9FFFFFFF  }
0xc3: {  	(tm) =	ssettm $0x7FFFFFFF  }
tec
execute0_lowered:
.L_overlay_start_1:
0x0: {  	(tag) =	ssettag $0x1  }
0x1: {  	s0 =	rddreg [dreg:$0x0]  }
0x2: {  	s1 =	srdreg.scid;
	s5 =	rddreg [dreg:$0x1]  }
0x3: {  	s2 =	rddreg [dreg:$0x2];
	s23 =	stileid.u32  }
0x4: {  	s3 =	simm.s32 $0x0;
	s10 =	simm.s32 $0x200;
	s11 =	simm.s32 $0x280  }
0x5: {  	s12 =	simm.s32 $0x300;
	s13 =	simm.s32 $0x380;
	s14 =	simm.s32 $0x400  }
0x6: {  	s15 =	simm.s32 $0x480;
	s16 =	simm.s32 $0x500;
	s17 =	simm.s32 $0x580  }
0x7: {  	s18 =	simm.s32 $0x600;
	[smem:$0x7FF] =	sst s3;
	s8 =	sadd.s32 $0x1000, s5  }
0x8: {  	s19 =	simm.s32 $0x680;
	_ =	strace $0x80000047;
	[dreg:$0x4] =	wrdreg s8  }
0x9: {  	s20 =	simm.s32 $0x700;
	s21 =	simm.s32 $0x780;
	[dreg:$0xa] =	wrdreg s10  }
0xa: {  	s22 =	simm.s32 $0x800;
	s28 =	simm.s32 $0x8C80;
	[dreg:$0xb] =	wrdreg s11  }
0xb: {  	s29 =	simm.s32 $0x8A80;
	s30 =	simm.s32 $0x8D80;
	[dreg:$0xc] =	wrdreg s12  }
0xc: {  	s31 =	simm.s32 $0x8B80;
	s9 =	smul.u32 $0x2800, s23;
	[dreg:$0xd] =	wrdreg s13  }
0xd: {  	s6 =	sand.u32 $0x1, s1;
	s1 =	smul.u32 $0x28, s23;
	[dreg:$0xe] =	wrdreg s14  }
0xe: {  	s4 =	sshll.u32 s6, $0x4;
	s6 =	ssub.s32 $0x2, s6;
	[dreg:$0xf] =	wrdreg s15  }
0xf: {  	s8 =	simm.s32 $0x8A00;
	s10 =	simm.s32 $0x80;
	[dreg:$0x10] =	wrdreg s16  }
0x10: {  	s11 =	simm.s32 $0xA00;
	s12 =	simm.s32 $0x2A00;
	[dreg:$0x11] =	wrdreg s17  }
0x11: {  	s13 =	simm.s32 $0x4A00;
	s14 =	simm.s32 $0x6A00;
	[dreg:$0x12] =	wrdreg s18  }
0x12: {  	s15 =	simm.s32 $0x1;
	s16 =	simm.s32 $0x2;
	[dreg:$0x13] =	wrdreg s19  }
0x13: {  	s18 =	simm.s32 $0x5;
	s19 =	simm.s32 $0x3;
	[dreg:$0x14] =	wrdreg s20  }
0x14: {  	s20 =	simm.s32 $0x8B00;
	[dreg:$0x15] =	wrdreg s21;
	s21 =	simm.s32 $0x6  }
0x15: {  	[dreg:$0x16] =	wrdreg s22;
	s22 =	simm.s32 $0x4;
	s4 =	sor.u32 s23, s4  }
0x16: {  	s25 =	sshrl.u32 s9, $0x2;
	s26 =	sshrl.u32 s6, $0x1;
	s7 =	smul.u32 $0x140, s4  }
0x17: {  	s4 =	sadd.s32 $0x187A00, s5;
	s6 =	ssub.s32 s6, s26;
	s26 =	simm.s32 $0x980  }
0x18: {  	[dreg:$0x19] =	wrdreg s26;
	s24 =	sadd.s32 s7, s5;
	s0 =	sadd.s32 s0, s7  }
0x19: {  	s5 =	sadd.s32 s25, s2;
	s25 =	simm.s32 $0x180;
	[dreg:$0x5] =	wrdreg s0  }
0x1a: {  	s6 =	smax.u32 s6, $0x1;
	s0 =	sadd.s32 $0x500, s5;
	[dreg:$0x9] =	wrdreg s25  }
0x1b: {  	s26 =	simm.s32 $0x8;
	s23 =	sadd.s32 $0x1200, s24;
	[dreg:$0x6] =	wrdreg s0  }
0x1c: {  	s7 =	simm.s32 $0x9;
	s24 =	simm.s32 $0x100;
	[dreg:$0x7] =	wrdreg s23  }
0x1d: {  	s25 =	simm.s32 $0x8C00;
	[dreg:$0x8] =	wrdreg s24;
	s23 =	simm.s32 $0x880  }
0x1e: {  	s24 =	simm.s32 $0x900;
	s0 =	simm.s32 $0x8E80;
	[dreg:$0x17] =	wrdreg s23  }
0x1f: {  	v1 =	vimm.f32 $0.0e+00;
	v0 =	vmov s1;
	s23 =	simm.s32 $0x8E00;
	[dreg:$0x18] =	wrdreg s24;
	s24 =	simm.s32 $0x7  }
.LBB2_1:
0x20: {  	s1 =	rddreg [dreg:$0x5]  }
0x21: {  	[tilespmem:s3], [sflag:$0x9] =	stream.linear.gather [hbm4b:s1+s3], $0xA00, $0x38;
	[tilespmem:$0x9E00] =	vst v63  }
0x22: {  	_ =	swait.ge [sflag:s7], $0xA00  }
0x23: {  	[sflag:s7] =	ssyncset.done $0x0  }
0x24: {  	s9 =	rddreg [dreg:$0x4];
	[sflag:s7] =	ssyncadd.s32 $0xFFFFF600  }
0x25: {  	[tilespmem:s8], [sflag:$0x9] =	stream.linear.gather [hbm4b:s9+s3], $0x500, $0x38;
	[tilespmem:$0x9E00] =	vst v63  }
0x26: {  	_ =	swait.ge [sflag:s7], $0x500  }
0x27: {  	[sflag:s7] =	ssyncset.done $0x0  }
0x28: {  	[sflag:s7] =	ssyncadd.s32 $0xFFFFFB00  }
0x29: {  	[tilespmem:$0x8F00] =	vst v1  }
0x2a: {  	[tilespmem:$0x8F10] =	vst v1  }
0x2b: {  	[tilespmem:$0x8F20] =	vst v1  }
0x2c: {  	[tilespmem:$0x8F30] =	vst v1  }
0x2d: {  	[tilespmem:$0x8F40] =	vst v1  }
0x2e: {  	[tilespmem:$0x8F50] =	vst v1  }
0x2f: {  	[tilespmem:$0x8F60] =	vst v1  }
0x30: {  	[tilespmem:$0x8F70] =	vst v1  }
0x31: {  	[tilespmem:$0x8F80] =	vst v1  }
0x32: {  	[tilespmem:$0x8F90] =	vst v1  }
0x33: {  	[tilespmem:$0x8FA0] =	vst v1  }
0x34: {  	[tilespmem:$0x8FB0] =	vst v1  }
0x35: {  	[tilespmem:$0x8FC0] =	vst v1  }
0x36: {  	[tilespmem:$0x8FD0] =	vst v1  }
0x37: {  	[tilespmem:$0x8FE0] =	vst v1  }
0x38: {  	[tilespmem:$0x8FF0] =	vst v1  }
0x39: {  	[tilespmem:$0x9000] =	vst v1  }
0x3a: {  	[tilespmem:$0x9010] =	vst v1  }
0x3b: {  	[tilespmem:$0x9020] =	vst v1  }
0x3c: {  	[tilespmem:$0x9030] =	vst v1  }
0x3d: {  	[tilespmem:$0x9040] =	vst v1  }
0x3e: {  	[tilespmem:$0x9050] =	vst v1  }
0x3f: {  	[tilespmem:$0x9060] =	vst v1  }
0x40: {  	[tilespmem:$0x9070] =	vst v1  }
0x41: {  	[tilespmem:$0x9080] =	vst v1  }
0x42: {  	[tilespmem:$0x9090] =	vst v1  }
0x43: {  	[tilespmem:$0x90A0] =	vst v1  }
0x44: {  	[tilespmem:$0x90B0] =	vst v1  }
0x45: {  	[tilespmem:$0x90C0] =	vst v1  }
0x46: {  	[tilespmem:$0x90D0] =	vst v1  }
0x47: {  	[tilespmem:$0x90E0] =	vst v1  }
0x48: {  	[tilespmem:$0x90F0] =	vst v1  }
0x49: {  	[tilespmem:$0x9100] =	vst v1  }
0x4a: {  	[tilespmem:$0x9110] =	vst v1  }
0x4b: {  	[tilespmem:$0x9120] =	vst v1  }
0x4c: {  	[tilespmem:$0x9130] =	vst v1  }
0x4d: {  	[tilespmem:$0x9140] =	vst v1  }
0x4e: {  	[tilespmem:$0x9150] =	vst v1  }
0x4f: {  	[tilespmem:$0x9160] =	vst v1  }
0x50: {  	[tilespmem:$0x9170] =	vst v1  }
0x51: {  	[tilespmem:$0x9180] =	vst v1  }
0x52: {  	[tilespmem:$0x9190] =	vst v1  }
0x53: {  	[tilespmem:$0x91A0] =	vst v1  }
0x54: {  	[tilespmem:$0x91B0] =	vst v1  }
0x55: {  	[tilespmem:$0x91C0] =	vst v1  }
0x56: {  	[tilespmem:$0x91D0] =	vst v1  }
0x57: {  	[tilespmem:$0x91E0] =	vst v1  }
0x58: {  	[tilespmem:$0x91F0] =	vst v1  }
0x59: {  	[tilespmem:$0x9200] =	vst v1  }
0x5a: {  	[tilespmem:$0x9210] =	vst v1  }
0x5b: {  	[tilespmem:$0x9220] =	vst v1  }
0x5c: {  	[tilespmem:$0x9230] =	vst v1  }
0x5d: {  	[tilespmem:$0x9240] =	vst v1  }
0x5e: {  	[tilespmem:$0x9250] =	vst v1  }
0x5f: {  	[tilespmem:$0x9260] =	vst v1  }
0x60: {  	[tilespmem:$0x9270] =	vst v1  }
0x61: {  	[tilespmem:$0x9280] =	vst v1  }
0x62: {  	[tilespmem:$0x9290] =	vst v1  }
0x63: {  	[tilespmem:$0x92A0] =	vst v1  }
0x64: {  	[tilespmem:$0x92B0] =	vst v1  }
0x65: {  	[tilespmem:$0x92C0] =	vst v1  }
0x66: {  	[tilespmem:$0x92D0] =	vst v1  }
0x67: {  	[tilespmem:$0x92E0] =	vst v1  }
0x68: {  	[tilespmem:$0x92F0] =	vst v1  }
0x69: {  	[tilespmem:$0x9300] =	vst v1  }
0x6a: {  	[tilespmem:$0x9310] =	vst v1  }
0x6b: {  	[tilespmem:$0x9320] =	vst v1  }
0x6c: {  	[tilespmem:$0x9330] =	vst v1  }
0x6d: {  	[tilespmem:$0x9340] =	vst v1  }
0x6e: {  	[tilespmem:$0x9350] =	vst v1  }
0x6f: {  	[tilespmem:$0x9360] =	vst v1  }
0x70: {  	[tilespmem:$0x9370] =	vst v1  }
0x71: {  	[tilespmem:$0x9380] =	vst v1  }
0x72: {  	[tilespmem:$0x9390] =	vst v1  }
0x73: {  	v2 =	vld [tilespmem:$0x8A00];
	[tilespmem:$0x93A0] =	vst v1  }
0x74: {  	v3 =	vld [tilespmem:$0x8A10];
	[tilespmem:$0x93B0] =	vst v1  }
0x75: {  	v4 =	vld [tilespmem:$0x8A20];
	[tilespmem:$0x93C0] =	vst v1  }
0x76: {  	v5 =	vld [tilespmem:$0x8A30];
	[tilespmem:$0x93D0] =	vst v1  }
0x77: {  	v6 =	vld [tilespmem:$0x8A40];
	[tilespmem:$0x93E0] =	vst v1  }
0x78: {  	v7 =	vld [tilespmem:$0x8A50];
	[tilespmem:$0x93F0] =	vst v1;
	v2 =	vadd.s32 v0, v2  }
0x79: {  	[tilespmem:$0x8A00] =	vst v2;
	v2 =	vadd.s32 v0, v3;
	v3 =	vld [tilespmem:$0x8A60]  }
0x7a: {  	v60 =	vld [tilespmem:$0x8A70];
	[tilespmem:$0x8A10] =	vst v2;
	v2 =	vadd.s32 v0, v4  }
0x7b: {  	v61 =	vld [tilespmem:$0x8A80];
	[tilespmem:$0x8A20] =	vst v2;
	v2 =	vadd.s32 v0, v5  }
0x7c: {  	v62 =	vld [tilespmem:$0x8A90];
	[tilespmem:$0x8A30] =	vst v2;
	v2 =	vadd.s32 v0, v6  }
0x7d: {  	v63 =	vld [tilespmem:$0x8AA0];
	[tilespmem:$0x8A40] =	vst v2;
	v2 =	vadd.s32 v0, v7  }
0x7e: {  	[tilespmem:$0x8A50] =	vst v2;
	v2 =	vadd.s32 v0, v3;
	v3 =	vld [tilespmem:$0x8AB0]  }
0x7f: {  	v9 =	vld [tilespmem:$0x8AC0];
	[tilespmem:$0x8A60] =	vst v2;
	v2 =	vadd.s32 v0, v60  }
0x80: {  	v10 =	vld [tilespmem:$0x8AD0];
	[tilespmem:$0x8A70] =	vst v2;
	v2 =	vadd.s32 v0, v61  }
0x81: {  	v11 =	vld [tilespmem:$0x8AE0];
	[tilespmem:$0x8A80] =	vst v2;
	v2 =	vadd.s32 v0, v62  }
0x82: {  	v12 =	vld [tilespmem:$0x8AF0];
	[tilespmem:$0x8A90] =	vst v2;
	v2 =	vadd.s32 v0, v63  }
0x83: {  	[tilespmem:$0x8AA0] =	vst v2;
	v2 =	vadd.s32 v0, v3;
	v3 =	vld [tilespmem:$0x8B00]  }
0x84: {  	v13 =	vld [tilespmem:$0x8B10];
	[tilespmem:$0x8AB0] =	vst v2;
	v2 =	vadd.s32 v0, v9  }
0x85: {  	v14 =	vld [tilespmem:$0x8B20];
	[tilespmem:$0x8AC0] =	vst v2;
	v2 =	vadd.s32 v0, v10  }
0x86: {  	v15 =	vld [tilespmem:$0x8B30];
	[tilespmem:$0x8AD0] =	vst v2;
	v2 =	vadd.s32 v0, v11  }
0x87: {  	v16 =	vld [tilespmem:$0x8B40];
	[tilespmem:$0x8AE0] =	vst v2;
	v2 =	vadd.s32 v0, v12  }
0x88: {  	[tilespmem:$0x8AF0] =	vst v2;
	v2 =	vadd.s32 v0, v3;
	v3 =	vld [tilespmem:$0x8B50]  }
0x89: {  	v17 =	vld [tilespmem:$0x8B60];
	[tilespmem:$0x8B00] =	vst v2;
	v2 =	vadd.s32 v0, v13  }
0x8a: {  	v18 =	vld [tilespmem:$0x8B70];
	[tilespmem:$0x8B10] =	vst v2;
	v2 =	vadd.s32 v0, v14  }
0x8b: {  	v19 =	vld [tilespmem:$0x8B80];
	[tilespmem:$0x8B20] =	vst v2;
	v2 =	vadd.s32 v0, v15  }
0x8c: {  	v20 =	vld [tilespmem:$0x8B90];
	[tilespmem:$0x8B30] =	vst v2;
	v2 =	vadd.s32 v0, v16  }
0x8d: {  	[tilespmem:$0x8B40] =	vst v2;
	v2 =	vadd.s32 v0, v3;
	v3 =	vld [tilespmem:$0x8BA0]  }
0x8e: {  	v21 =	vld [tilespmem:$0x8BB0];
	[tilespmem:$0x8B50] =	vst v2;
	v2 =	vadd.s32 v0, v17  }
0x8f: {  	v22 =	vld [tilespmem:$0x8BC0];
	[tilespmem:$0x8B60] =	vst v2;
	v2 =	vadd.s32 v0, v18  }
0x90: {  	v23 =	vld [tilespmem:$0x8BD0];
	[tilespmem:$0x8B70] =	vst v2;
	v2 =	vadd.s32 v0, v19  }
0x91: {  	v24 =	vld [tilespmem:$0x8BE0];
	[tilespmem:$0x8B80] =	vst v2;
	v2 =	vadd.s32 v0, v20  }
0x92: {  	[tilespmem:$0x8B90] =	vst v2;
	v2 =	vadd.s32 v0, v3;
	v3 =	vld [tilespmem:$0x8BF0]  }
0x93: {  	v25 =	vld [tilespmem:$0x8C00];
	[tilespmem:$0x8BA0] =	vst v2;
	v2 =	vadd.s32 v0, v21  }
0x94: {  	v26 =	vld [tilespmem:$0x8C10];
	[tilespmem:$0x8BB0] =	vst v2;
	v2 =	vadd.s32 v0, v22  }
0x95: {  	v27 =	vld [tilespmem:$0x8C20];
	[tilespmem:$0x8BC0] =	vst v2;
	v2 =	vadd.s32 v0, v23  }
0x96: {  	v28 =	vld [tilespmem:$0x8C30];
	[tilespmem:$0x8BD0] =	vst v2;
	v2 =	vadd.s32 v0, v24  }
0x97: {  	[tilespmem:$0x8BE0] =	vst v2;
	v2 =	vadd.s32 v0, v3;
	v3 =	vld [tilespmem:$0x8C40]  }
0x98: {  	v29 =	vld [tilespmem:$0x8C50];
	[tilespmem:$0x8BF0] =	vst v2;
	v2 =	vadd.s32 v0, v25  }
0x99: {  	v30 =	vld [tilespmem:$0x8C60];
	[tilespmem:$0x8C00] =	vst v2;
	v2 =	vadd.s32 v0, v26  }
0x9a: {  	v31 =	vld [tilespmem:$0x8C70];
	[tilespmem:$0x8C10] =	vst v2;
	v2 =	vadd.s32 v0, v27  }
0x9b: {  	v32 =	vld [tilespmem:$0x8C80];
	[tilespmem:$0x8C20] =	vst v2;
	v2 =	vadd.s32 v0, v28  }
0x9c: {  	[tilespmem:$0x8C30] =	vst v2;
	v2 =	vadd.s32 v0, v3;
	v3 =	vld [tilespmem:$0x8C90]  }
0x9d: {  	v33 =	vld [tilespmem:$0x8CA0];
	[tilespmem:$0x8C40] =	vst v2;
	v2 =	vadd.s32 v0, v29  }
0x9e: {  	v34 =	vld [tilespmem:$0x8CB0];
	[tilespmem:$0x8C50] =	vst v2;
	v2 =	vadd.s32 v0, v30  }
0x9f: {  	v35 =	vld [tilespmem:$0x8CC0];
	[tilespmem:$0x8C60] =	vst v2;
	v2 =	vadd.s32 v0, v31  }
0xa0: {  	v36 =	vld [tilespmem:$0x8CD0];
	[tilespmem:$0x8C70] =	vst v2;
	v2 =	vadd.s32 v0, v32  }
0xa1: {  	[tilespmem:$0x8C80] =	vst v2;
	v2 =	vadd.s32 v0, v3;
	v3 =	vld [tilespmem:$0x8CE0]  }
0xa2: {  	v37 =	vld [tilespmem:$0x8CF0];
	[tilespmem:$0x8C90] =	vst v2;
	v2 =	vadd.s32 v0, v33  }
0xa3: {  	v38 =	vld [tilespmem:$0x8D00];
	[tilespmem:$0x8CA0] =	vst v2;
	v2 =	vadd.s32 v0, v34  }
0xa4: {  	v39 =	vld [tilespmem:$0x8D10];
	[tilespmem:$0x8CB0] =	vst v2;
	v2 =	vadd.s32 v0, v35  }
0xa5: {  	v40 =	vld [tilespmem:$0x8D20];
	[tilespmem:$0x8CC0] =	vst v2;
	v2 =	vadd.s32 v0, v36  }
0xa6: {  	[tilespmem:$0x8CD0] =	vst v2;
	v2 =	vadd.s32 v0, v3;
	v3 =	vld [tilespmem:$0x8D30]  }
0xa7: {  	v41 =	vld [tilespmem:$0x8D40];
	[tilespmem:$0x8CE0] =	vst v2;
	v2 =	vadd.s32 v0, v37  }
0xa8: {  	v42 =	vld [tilespmem:$0x8D50];
	[tilespmem:$0x8CF0] =	vst v2;
	v2 =	vadd.s32 v0, v38  }
0xa9: {  	v43 =	vld [tilespmem:$0x8D60];
	[tilespmem:$0x8D00] =	vst v2;
	v2 =	vadd.s32 v0, v39  }
0xaa: {  	v44 =	vld [tilespmem:$0x8D70];
	[tilespmem:$0x8D10] =	vst v2;
	v2 =	vadd.s32 v0, v40  }
0xab: {  	[tilespmem:$0x8D20] =	vst v2;
	v2 =	vadd.s32 v0, v3;
	v3 =	vld [tilespmem:$0x8D80]  }
0xac: {  	v45 =	vld [tilespmem:$0x8D90];
	[tilespmem:$0x8D30] =	vst v2;
	v2 =	vadd.s32 v0, v41  }
0xad: {  	v46 =	vld [tilespmem:$0x8DA0];
	[tilespmem:$0x8D40] =	vst v2;
	v2 =	vadd.s32 v0, v42  }
0xae: {  	v47 =	vld [tilespmem:$0x8DB0];
	[tilespmem:$0x8D50] =	vst v2;
	v2 =	vadd.s32 v0, v43  }
0xaf: {  	v48 =	vld [tilespmem:$0x8DC0];
	[tilespmem:$0x8D60] =	vst v2;
	v2 =	vadd.s32 v0, v44  }
0xb0: {  	[tilespmem:$0x8D70] =	vst v2;
	v2 =	vadd.s32 v0, v3;
	v3 =	vld [tilespmem:$0x8DD0]  }
0xb1: {  	v49 =	vld [tilespmem:$0x8DE0];
	[tilespmem:$0x8D80] =	vst v2;
	v2 =	vadd.s32 v0, v45  }
0xb2: {  	v50 =	vld [tilespmem:$0x8DF0];
	[tilespmem:$0x8D90] =	vst v2;
	v2 =	vadd.s32 v0, v46  }
0xb3: {  	v51 =	vld [tilespmem:$0x8E00];
	[tilespmem:$0x8DA0] =	vst v2;
	v2 =	vadd.s32 v0, v47  }
0xb4: {  	v52 =	vld [tilespmem:$0x8E10];
	[tilespmem:$0x8DB0] =	vst v2;
	v2 =	vadd.s32 v0, v48  }
0xb5: {  	[tilespmem:$0x8DC0] =	vst v2;
	v2 =	vadd.s32 v0, v3;
	v3 =	vld [tilespmem:$0x8E20]  }
0xb6: {  	v53 =	vld [tilespmem:$0x8E30];
	[tilespmem:$0x8DD0] =	vst v2;
	v2 =	vadd.s32 v0, v49  }
0xb7: {  	v54 =	vld [tilespmem:$0x8E40];
	[tilespmem:$0x8DE0] =	vst v2;
	v2 =	vadd.s32 v0, v50  }
0xb8: {  	v55 =	vld [tilespmem:$0x8E50];
	[tilespmem:$0x8DF0] =	vst v2;
	v2 =	vadd.s32 v0, v51  }
0xb9: {  	v56 =	vld [tilespmem:$0x8E60];
	[tilespmem:$0x8E00] =	vst v2;
	v2 =	vadd.s32 v0, v52  }
0xba: {  	[tilespmem:$0x8E10] =	vst v2;
	v2 =	vadd.s32 v0, v3;
	v3 =	vld [tilespmem:$0x8E70]  }
0xbb: {  	v57 =	vld [tilespmem:$0x8E80];
	[tilespmem:$0x8E20] =	vst v2;
	v2 =	vadd.s32 v0, v53  }
0xbc: {  	v58 =	vld [tilespmem:$0x8E90];
	[tilespmem:$0x8E30] =	vst v2;
	v2 =	vadd.s32 v0, v54  }
0xbd: {  	v59 =	vld [tilespmem:$0x8EA0];
	[tilespmem:$0x8E40] =	vst v2;
	v2 =	vadd.s32 v0, v55  }
0xbe: {  	v60 =	vld [tilespmem:$0x8EB0];
	[tilespmem:$0x8E50] =	vst v2;
	v2 =	vadd.s32 v0, v56  }
0xbf: {  	[tilespmem:$0x8E60] =	vst v2;
	v2 =	vadd.s32 v0, v3;
	v3 =	vld [tilespmem:$0x8EC0]  }
0xc0: {  	v61 =	vld [tilespmem:$0x8ED0];
	[tilespmem:$0x8E70] =	vst v2;
	v2 =	vadd.s32 v0, v57  }
0xc1: {  	v62 =	vld [tilespmem:$0x8EE0];
	[tilespmem:$0x8E80] =	vst v2;
	v2 =	vadd.s32 v0, v58  }
0xc2: {  	v63 =	vld [tilespmem:$0x8EF0];
	[tilespmem:$0x8E90] =	vst v2;
	v2 =	vadd.s32 v0, v59  }
0xc3: {  	[tilespmem:$0x8EA0] =	vst v2;
	v2 =	vadd.s32 v0, v60  }
0xc4: {  	[tilespmem:$0x8EB0] =	vst v2;
	v2 =	vadd.s32 v0, v3  }
0xc5: {  	[tilespmem:$0x8EC0] =	vst v2;
	v2 =	vadd.s32 v0, v61  }
0xc6: {  	[tilespmem:$0x8ED0] =	vst v2;
	v2 =	vadd.s32 v0, v62  }
0xc7: {  	[tilespmem:$0x8EE0] =	vst v2;
	v2 =	vadd.s32 v0, v63  }
0xc8: {  	s9 =	simm.s32 $0x8F00;
	[tilespmem:$0x8EF0] =	vst v2  }
0xc9: {  	[spmem:s5] =	stream.linear.scatter [tilespmem:s9], [sflag:$0x9], $0x500, $0x38;
	[tilespmem:$0x9E00] =	vst v63  }
0xca: {  	_ =	swait.ge [sflag:s7], $0x500  }
0xcb: {  	[sflag:s7] =	ssyncset.done $0x0  }
0xcc: {  	s17 =	rddreg [dreg:$0x6];
	[sflag:s7] =	ssyncadd.s32 $0xFFFFFB00  }
0xcd: {  	[spmem:s17] =	stream.linear.scatter [tilespmem:s9], [sflag:$0x9], $0x500, $0x38;
	[tilespmem:$0x9E00] =	vst v63  }
0xce: {  	_ =	swait.ge [sflag:s7], $0x500  }
0xcf: {  	[sflag:s7] =	ssyncset.done $0x0  }
0xd0: {  	[sflag:s7] =	ssyncadd.s32 $0xFFFFFB00  }
0xd1: {  	[tilespmem:s11], [sflag:$0x1] =	stream.indirect.gather [hbm4b:s4+s10], $0x40, s3, s10, $0xb8;
	[tilespmem:$0x9E00] =	vst v63  }
0xd2: {  	_ = 	snop  }
0xd3: {  	[tilespmem:s12], [sflag:$0x2] =	stream.indirect.gather [hbm4b:s4+s10], $0x40, s10, s10, $0xb8;
	[tilespmem:$0x9E00] =	vst v63  }
0xd4: {  	s9 =	rddreg [dreg:$0x8]  }
0xd5: {  	[tilespmem:s13], [sflag:$0x3] =	stream.indirect.gather [hbm4b:s4+s10], $0x40, s9, s10, $0xb8;
	[tilespmem:$0x9E00] =	vst v63  }
0xd6: {  	s17 =	rddreg [dreg:$0x9]  }
0xd7: {  	[tilespmem:s14], [sflag:$0x4] =	stream.indirect.gather [hbm4b:s4+s10], $0x40, s17, s10, $0xb8;
	[tilespmem:$0x9E00] =	vst v63  }
0xd8: {  	_ =	swait.ge [sflag:s15], $0x2000  }
0xd9: {  	[sflag:s15] =	ssyncset.done $0x0  }
0xda: {  	[sflag:s15] =	ssyncadd.s32 $0xFFFFE000  }
0xdb: {  	[spmem:s2] =	stream.indirect.scatter.add.f32 [tilespmem:s11], [sflag:$0x5], $0x40, s8, s10, $0xb8;
	[tilespmem:$0x9E00] =	vst v63  }
0xdc: {  	_ =	swait.ge [sflag:s16], $0x2000  }
0xdd: {  	[sflag:s16] =	ssyncset.done $0x0  }
0xde: {  	s9 =	simm.s32 $0x8D00;
	[sflag:s16] =	ssyncadd.s32 $0xFFFFE000  }
0xdf: {  	[spmem:s2] =	stream.indirect.scatter.add.f32 [tilespmem:s12], [sflag:$0x6], $0x40, s9, s10, $0xb8;
	[tilespmem:$0x9E00] =	vst v63  }
0xe0: {  	_ =	swait.ge [sflag:s18], $0x2000  }
0xe1: {  	[sflag:s18] =	ssyncset.done $0x0  }
0xe2: {  	s17 =	rddreg [dreg:$0xa];
	[sflag:s18] =	ssyncadd.s32 $0xFFFFE000  }
0xe3: {  	[tilespmem:s11], [sflag:$0x1] =	stream.indirect.gather [hbm4b:s4+s10], $0x40, s17, s10, $0xb8;
	[tilespmem:$0x9E00] =	vst v63  }
0xe4: {  	_ =	swait.ge [sflag:s19], $0x2000  }
0xe5: {  	[sflag:s19] =	ssyncset.done $0x0  }
0xe6: {  	[sflag:s19] =	ssyncadd.s32 $0xFFFFE000  }
0xe7: {  	[spmem:s2] =	stream.indirect.scatter.add.f32 [tilespmem:s13], [sflag:$0x7], $0x40, s20, s10, $0xb8;
	[tilespmem:$0x9E00] =	vst v63  }
0xe8: {  	_ =	swait.ge [sflag:s21], $0x2000  }
0xe9: {  	[sflag:s21] =	ssyncset.done $0x0  }
0xea: {  	s17 =	rddreg [dreg:$0xb];
	[sflag:s21] =	ssyncadd.s32 $0xFFFFE000  }
0xeb: {  	[tilespmem:s12], [sflag:$0x2] =	stream.indirect.gather [hbm4b:s4+s10], $0x40, s17, s10, $0xb8;
	[tilespmem:$0x9E00] =	vst v63  }
0xec: {  	_ =	swait.ge [sflag:s22], $0x2000  }
0xed: {  	[sflag:s22] =	ssyncset.done $0x0  }
0xee: {  	[sflag:s22] =	ssyncadd.s32 $0xFFFFE000  }
0xef: {  	[spmem:s2] =	stream.indirect.scatter.add.f32 [tilespmem:s14], [sflag:$0x8], $0x40, s23, s10, $0xb8;
	[tilespmem:$0x9E00] =	vst v63  }
0xf0: {  	_ =	swait.ge [sflag:s24], $0x2000  }
0xf1: {  	[sflag:s24] =	ssyncset.done $0x0  }
0xf2: {  	s17 =	rddreg [dreg:$0xc];
	[sflag:s24] =	ssyncadd.s32 $0xFFFFE000  }
0xf3: {  	[tilespmem:s13], [sflag:$0x3] =	stream.indirect.gather [hbm4b:s4+s10], $0x40, s17, s10, $0xb8;
	[tilespmem:$0x9E00] =	vst v63  }
0xf4: {  	_ =	swait.ge [sflag:s15], $0x2000  }
0xf5: {  	[sflag:s15] =	ssyncset.done $0x0  }
0xf6: {  	[sflag:s15] =	ssyncadd.s32 $0xFFFFE000  }
0xf7: {  	[spmem:s2] =	stream.indirect.scatter.add.f32 [tilespmem:s11], [sflag:$0x5], $0x40, s25, s10, $0xb8;
	[tilespmem:$0x9E00] =	vst v63  }
0xf8: {  	_ =	swait.ge [sflag:s26], $0x2000  }
0xf9: {  	[sflag:s26] =	ssyncset.done $0x0  }
0xfa: {  	s17 =	rddreg [dreg:$0xd];
	[sflag:s26] =	ssyncadd.s32 $0xFFFFE000  }
0xfb: {  	[tilespmem:s14], [sflag:$0x4] =	stream.indirect.gather [hbm4b:s4+s10], $0x40, s17, s10, $0xb8;
	[tilespmem:$0x9E00] =	vst v63  }
0xfc: {  	_ =	swait.ge [sflag:s16], $0x2000  }
0xfd: {  	[sflag:s16] =	ssyncset.done $0x0  }
0xfe: {  	[sflag:s16] =	ssyncadd.s32 $0xFFFFE000  }
0xff: {  	[spmem:s2] =	stream.indirect.scatter.add.f32 [tilespmem:s12], [sflag:$0x6], $0x40, s28, s10, $0xb8;
	[tilespmem:$0x9E00] =	vst v63  }
0x100: {  	_ =	swait.ge [sflag:s18], $0x2000  }
0x101: {  	[sflag:s18] =	ssyncset.done $0x0  }
0x102: {  	s17 =	rddreg [dreg:$0xe];
	[sflag:s18] =	ssyncadd.s32 $0xFFFFE000  }
0x103: {  	[tilespmem:s11], [sflag:$0x1] =	stream.indirect.gather [hbm4b:s4+s10], $0x40, s17, s10, $0xb8;
	[tilespmem:$0x9E00] =	vst v63  }
0x104: {  	_ =	swait.ge [sflag:s19], $0x2000  }
0x105: {  	[sflag:s19] =	ssyncset.done $0x0  }
0x106: {  	[sflag:s19] =	ssyncadd.s32 $0xFFFFE000  }
0x107: {  	[spmem:s2] =	stream.indirect.scatter.add.f32 [tilespmem:s13], [sflag:$0x7], $0x40, s29, s10, $0xb8;
	[tilespmem:$0x9E00] =	vst v63  }
0x108: {  	_ =	swait.ge [sflag:s21], $0x2000  }
0x109: {  	[sflag:s21] =	ssyncset.done $0x0  }
0x10a: {  	s17 =	rddreg [dreg:$0xf];
	[sflag:s21] =	ssyncadd.s32 $0xFFFFE000  }
0x10b: {  	[tilespmem:s12], [sflag:$0x2] =	stream.indirect.gather [hbm4b:s4+s10], $0x40, s17, s10, $0xb8;
	[tilespmem:$0x9E00] =	vst v63  }
0x10c: {  	_ =	swait.ge [sflag:s22], $0x2000  }
0x10d: {  	[sflag:s22] =	ssyncset.done $0x0  }
0x10e: {  	[sflag:s22] =	ssyncadd.s32 $0xFFFFE000  }
0x10f: {  	[spmem:s2] =	stream.indirect.scatter.add.f32 [tilespmem:s14], [sflag:$0x8], $0x40, s30, s10, $0xb8;
	[tilespmem:$0x9E00] =	vst v63  }
0x110: {  	_ =	swait.ge [sflag:s24], $0x2000  }
0x111: {  	[sflag:s24] =	ssyncset.done $0x0  }
0x112: {  	s17 =	rddreg [dreg:$0x10];
	[sflag:s24] =	ssyncadd.s32 $0xFFFFE000  }
0x113: {  	[tilespmem:s13], [sflag:$0x3] =	stream.indirect.gather [hbm4b:s4+s10], $0x40, s17, s10, $0xb8;
	[tilespmem:$0x9E00] =	vst v63  }
0x114: {  	_ =	swait.ge [sflag:s15], $0x2000  }
0x115: {  	[sflag:s15] =	ssyncset.done $0x0  }
0x116: {  	[sflag:s15] =	ssyncadd.s32 $0xFFFFE000  }
0x117: {  	[spmem:s2] =	stream.indirect.scatter.add.f32 [tilespmem:s11], [sflag:$0x5], $0x40, s31, s10, $0xb8;
	[tilespmem:$0x9E00] =	vst v63  }
0x118: {  	_ =	swait.ge [sflag:s26], $0x2000  }
0x119: {  	[sflag:s26] =	ssyncset.done $0x0  }
0x11a: {  	s17 =	rddreg [dreg:$0x11];
	[sflag:s26] =	ssyncadd.s32 $0xFFFFE000  }
0x11b: {  	[tilespmem:s14], [sflag:$0x4] =	stream.indirect.gather [hbm4b:s4+s10], $0x40, s17, s10, $0xb8;
	[tilespmem:$0x9E00] =	vst v63  }
0x11c: {  	_ =	swait.ge [sflag:s16], $0x2000  }
0x11d: {  	[sflag:s16] =	ssyncset.done $0x0  }
0x11e: {  	[sflag:s16] =	ssyncadd.s32 $0xFFFFE000  }
0x11f: {  	[spmem:s2] =	stream.indirect.scatter.add.f32 [tilespmem:s12], [sflag:$0x6], $0x40, s0, s10, $0xb8;
	[tilespmem:$0x9E00] =	vst v63  }
0x120: {  	_ =	swait.ge [sflag:s18], $0x2000  }
0x121: {  	[sflag:s18] =	ssyncset.done $0x0  }
0x122: {  	s17 =	rddreg [dreg:$0x12];
	[sflag:s18] =	ssyncadd.s32 $0xFFFFE000  }
0x123: {  	[tilespmem:s11], [sflag:$0x1] =	stream.indirect.gather [hbm4b:s4+s10], $0x40, s17, s10, $0xb8;
	[tilespmem:$0x9E00] =	vst v63  }
0x124: {  	_ =	swait.ge [sflag:s19], $0x2000  }
0x125: {  	[sflag:s19] =	ssyncset.done $0x0  }
0x126: {  	[sflag:s19] =	ssyncadd.s32 $0xFFFFE000  }
0x127: {  	[spmem:s2] =	stream.indirect.scatter.add.f32 [tilespmem:s13], [sflag:$0x7], $0x40, s8, s10, $0xb8;
	[tilespmem:$0x9E00] =	vst v63  }
0x128: {  	_ =	swait.ge [sflag:s21], $0x2000  }
0x129: {  	[sflag:s21] =	ssyncset.done $0x0  }
0x12a: {  	s17 =	rddreg [dreg:$0x13];
	[sflag:s21] =	ssyncadd.s32 $0xFFFFE000  }
0x12b: {  	[tilespmem:s12], [sflag:$0x2] =	stream.indirect.gather [hbm4b:s4+s10], $0x40, s17, s10, $0xb8;
	[tilespmem:$0x9E00] =	vst v63  }
0x12c: {  	_ =	swait.ge [sflag:s22], $0x2000  }
0x12d: {  	[sflag:s22] =	ssyncset.done $0x0  }
0x12e: {  	[sflag:s22] =	ssyncadd.s32 $0xFFFFE000  }
0x12f: {  	[spmem:s2] =	stream.indirect.scatter.add.f32 [tilespmem:s14], [sflag:$0x8], $0x40, s9, s10, $0xb8;
	[tilespmem:$0x9E00] =	vst v63  }
0x130: {  	_ =	swait.ge [sflag:s24], $0x2000  }
0x131: {  	[sflag:s24] =	ssyncset.done $0x0  }
0x132: {  	s17 =	rddreg [dreg:$0x14];
	[sflag:s24] =	ssyncadd.s32 $0xFFFFE000  }
0x133: {  	[tilespmem:s13], [sflag:$0x3] =	stream.indirect.gather [hbm4b:s4+s10], $0x40, s17, s10, $0xb8;
	[tilespmem:$0x9E00] =	vst v63  }
0x134: {  	_ =	swait.ge [sflag:s15], $0x2000  }
0x135: {  	[sflag:s15] =	ssyncset.done $0x0  }
0x136: {  	[sflag:s15] =	ssyncadd.s32 $0xFFFFE000  }
0x137: {  	[spmem:s2] =	stream.indirect.scatter.add.f32 [tilespmem:s11], [sflag:$0x5], $0x40, s20, s10, $0xb8;
	[tilespmem:$0x9E00] =	vst v63  }
0x138: {  	_ =	swait.ge [sflag:s26], $0x2000  }
0x139: {  	[sflag:s26] =	ssyncset.done $0x0  }
0x13a: {  	s9 =	rddreg [dreg:$0x15];
	[sflag:s26] =	ssyncadd.s32 $0xFFFFE000  }
0x13b: {  	[tilespmem:s14], [sflag:$0x4] =	stream.indirect.gather [hbm4b:s4+s10], $0x40, s9, s10, $0xb8;
	[tilespmem:$0x9E00] =	vst v63  }
0x13c: {  	_ =	swait.ge [sflag:s16], $0x2000  }
0x13d: {  	[sflag:s16] =	ssyncset.done $0x0  }
0x13e: {  	[sflag:s16] =	ssyncadd.s32 $0xFFFFE000  }
0x13f: {  	[spmem:s2] =	stream.indirect.scatter.add.f32 [tilespmem:s12], [sflag:$0x6], $0x40, s23, s10, $0xb8;
	[tilespmem:$0x9E00] =	vst v63  }
0x140: {  	_ =	swait.ge [sflag:s18], $0x2000  }
0x141: {  	[sflag:s18] =	ssyncset.done $0x0  }
0x142: {  	s17 =	rddreg [dreg:$0x16];
	[sflag:s18] =	ssyncadd.s32 $0xFFFFE000  }
0x143: {  	[tilespmem:s11], [sflag:$0x1] =	stream.indirect.gather [hbm4b:s4+s10], $0x40, s17, s10, $0xb8;
	[tilespmem:$0x9E00] =	vst v63  }
0x144: {  	_ =	swait.ge [sflag:s19], $0x2000  }
0x145: {  	[sflag:s19] =	ssyncset.done $0x0  }
0x146: {  	[sflag:s19] =	ssyncadd.s32 $0xFFFFE000  }
0x147: {  	[spmem:s2] =	stream.indirect.scatter.add.f32 [tilespmem:s13], [sflag:$0x7], $0x40, s25, s10, $0xb8;
	[tilespmem:$0x9E00] =	vst v63  }
0x148: {  	_ =	swait.ge [sflag:s21], $0x2000  }
0x149: {  	[sflag:s21] =	ssyncset.done $0x0  }
0x14a: {  	s9 =	rddreg [dreg:$0x17];
	[sflag:s21] =	ssyncadd.s32 $0xFFFFE000  }
0x14b: {  	[tilespmem:s12], [sflag:$0x2] =	stream.indirect.gather [hbm4b:s4+s10], $0x40, s9, s10, $0xb8;
	[tilespmem:$0x9E00] =	vst v63  }
0x14c: {  	_ =	swait.ge [sflag:s22], $0x2000  }
0x14d: {  	[sflag:s22] =	ssyncset.done $0x0  }
0x14e: {  	[sflag:s22] =	ssyncadd.s32 $0xFFFFE000  }
0x14f: {  	[spmem:s2] =	stream.indirect.scatter.add.f32 [tilespmem:s14], [sflag:$0x8], $0x40, s28, s10, $0xb8;
	[tilespmem:$0x9E00] =	vst v63  }
0x150: {  	_ =	swait.ge [sflag:s24], $0x2000  }
0x151: {  	[sflag:s24] =	ssyncset.done $0x0  }
0x152: {  	s17 =	rddreg [dreg:$0x18];
	[sflag:s24] =	ssyncadd.s32 $0xFFFFE000  }
0x153: {  	[tilespmem:s13], [sflag:$0x3] =	stream.indirect.gather [hbm4b:s4+s10], $0x40, s17, s10, $0xb8;
	[tilespmem:$0x9E00] =	vst v63  }
0x154: {  	_ =	swait.ge [sflag:s15], $0x2000  }
0x155: {  	[sflag:s15] =	ssyncset.done $0x0  }
0x156: {  	[sflag:s15] =	ssyncadd.s32 $0xFFFFE000  }
0x157: {  	[spmem:s2] =	stream.indirect.scatter.add.f32 [tilespmem:s11], [sflag:$0x5], $0x40, s29, s10, $0xb8;
	[tilespmem:$0x9E00] =	vst v63  }
0x158: {  	_ =	swait.ge [sflag:s26], $0x2000  }
0x159: {  	[sflag:s26] =	ssyncset.done $0x0  }
0x15a: {  	s9 =	rddreg [dreg:$0x19];
	[sflag:s26] =	ssyncadd.s32 $0xFFFFE000  }
0x15b: {  	[tilespmem:s14], [sflag:$0x4] =	stream.indirect.gather [hbm4b:s4+s10], $0x40, s9, s10, $0xb8;
	[tilespmem:$0x9E00] =	vst v63  }
0x15c: {  	_ =	swait.ge [sflag:s16], $0x2000  }
0x15d: {  	[sflag:s16] =	ssyncset.done $0x0  }
0x15e: {  	[sflag:s16] =	ssyncadd.s32 $0xFFFFE000  }
0x15f: {  	[spmem:s2] =	stream.indirect.scatter.add.f32 [tilespmem:s12], [sflag:$0x6], $0x40, s30, s10, $0xb8;
	[tilespmem:$0x9E00] =	vst v63  }
0x160: {  	_ =	swait.ge [sflag:s18], $0x2000  }
0x161: {  	[sflag:s18] =	ssyncset.done $0x0  }
0x162: {  	[sflag:s18] =	ssyncadd.s32 $0xFFFFE000  }
0x163: {  	_ =	swait.ge [sflag:s19], $0x2000  }
0x164: {  	[sflag:s19] =	ssyncset.done $0x0  }
0x165: {  	[sflag:s19] =	ssyncadd.s32 $0xFFFFE000  }
0x166: {  	[spmem:s2] =	stream.indirect.scatter.add.f32 [tilespmem:s13], [sflag:$0x7], $0x40, s31, s10, $0xb8;
	[tilespmem:$0x9E00] =	vst v63  }
0x167: {  	_ =	swait.ge [sflag:s21], $0x2000  }
0x168: {  	[sflag:s21] =	ssyncset.done $0x0  }
0x169: {  	[sflag:s21] =	ssyncadd.s32 $0xFFFFE000  }
0x16a: {  	_ =	swait.ge [sflag:s22], $0x2000  }
0x16b: {  	[sflag:s22] =	ssyncset.done $0x0  }
0x16c: {  	[sflag:s22] =	ssyncadd.s32 $0xFFFFE000  }
0x16d: {  	[spmem:s2] =	stream.indirect.scatter.add.f32 [tilespmem:s14], [sflag:$0x8], $0x40, s0, s10, $0xb8;
	[tilespmem:$0x9E00] =	vst v63  }
0x16e: {  	_ =	swait.ge [sflag:s24], $0x2000  }
0x16f: {  	[sflag:s24] =	ssyncset.done $0x0  }
0x170: {  	s17 =	stileid.u32;
	[sflag:s24] =	ssyncadd.s32 $0xFFFFE000  }
0x171: {  	p0 =	sne.s32 s6, $0x1;
	s9 =	sshll.u32 s17, $0x6;
	_ =	swait.ge [sflag:s26], $0x2000  }
0x172: {  	s17 =	sshrl.u32 s5, $0x3;
	s9 =	sor.u32 $0x1C09, s9;
	[sflag:s26] =	ssyncset.done $0x0  }
.Ltmp0:
0x173: {  	s1 =	rddreg [dreg:$0x7];
	[sflag:s26] =	ssyncadd.s32 $0xFFFFE000;
	(pc) =	sbr.rel @p0 .LBB2_1-.Ltmp0, $4  }
0x174: {  	[hbm:s1], [sflag:s9] =	dma.local [spmem:s17], $0x140  }
0x175: {  	_ =	swait.ge [sflag:s7], $0x140  }
0x176: {  	[sflag:s7] =	ssyncset.done $0x0  }
0x177: {  	s6 =	sadd.s32 $0xFFFFFFFF, s6;
	[sflag:s7] =	ssyncadd.s32 $0xFFFFFEC0  }
0x178: {  	_ =	sfence.sel $0x180000  }
0x179: {  	[bflag:$0x0] =	sbarrier.arrive $0xFFFF  }
0x17a: {  	_ =	strace $0x90000047  }
0x17b: {  	s0 =	stileid.u32;
	[bflag:$0x2] =	sbarrier.arrive $0xFFFF  }
0x17c: {  	p0 =	sne.s32 s0, $0x0;
	s0 =	rddreg [dreg:$0x3]  }
0x17d: {  	s0 =	sadd.s32 @!p0 $0x100000, s0  }
0x17e: {  	[sflag:s0] =	ssyncadd.tile.s32 @!p0 $0x1;
	_ =	shalt  }
.Lfunc_end2:
_tile_overlayer_lowered:
.L_overlay_start_2:
0x17f: {  	(tag) =	ssettag $0x2  }
0x180: {  	s0 =	rddreg [dreg:$0x0];
	s2 =	stileid.u32  }
0x181: {  	s1 =	rddreg [dreg:$0x1];
	p0 =	sne.s32 s2, $0x0  }
0x182: {  	s3 =	rddreg [dreg:$0x2];
	[bflag:$0x3] =	sbarrier.arrive $0xFFFF;
	s2 =	simm.s32 @!p0 $0x1C09  }
0x183: {  	[timem:s3], [sflag:s2] =	dma.local @!p0 [hbm:s0], s1  }
0x184: {  	s0 =	simm.s32 @!p0 $0x9  }
0x185: {  	_ =	swait.ge @!p0 [sflag:s0], s1  }
0x186: {  	s1 =	ssub.s32 @!p0 $0x0, s1;
	[sflag:s0] =	ssyncset.done @!p0 $0x0  }
0x187: {  	[sflag:s0] =	ssyncadd.s32 @!p0 s1  }
0x188: {  	[bflag:$0x3] =	sbarrier.arrive $0xFFFF  }
0x189: {  	_ =	shalt  }

</sc_bundles>
